<compile_context>
chip_gen: v7x
topology: tpu7x:2x2x1
jax: 0.10.2.dev20260603
libtpu: 0.0.44.dev20260713+nightly
codegen_flags: <defaults>
</compile_context>

<pallas_src>
import functools

import jax
import jax.numpy as jnp
from jax import lax
from jax.experimental import pallas as pl
from jax.experimental.pallas import tpu as pltpu
from jax.experimental.pallas import tpu_sc as plsc

_F = 128
_Q = 256
_L = 16
_VPR = _F // _L


def _make_sc_call(n_total):
    info = plsc.get_sparse_core_info()
    nw = info.num_cores * info.num_subcores
    per_w = n_total // nw
    chunk = 16384
    rows = chunk // _F
    nchunk = per_w // chunk
    assert per_w % chunk == 0 and chunk % _F == 0

    mesh = plsc.VectorSubcoreMesh(core_axis_name="c", subcore_axis_name="s")

    @functools.partial(
        pl.kernel,
        mesh=mesh,
        out_type=jax.ShapeDtypeStruct((n_total,), jnp.float32),
        compiler_params=pltpu.CompilerParams(needs_layout_passes=False),
        scratch_types=[
            pltpu.VMEM((_Q * _F,), jnp.float32),
            pltpu.VMEM((_Q,), jnp.float32),
            pltpu.VMEM((chunk,), jnp.float32),
            pltpu.VMEM((chunk,), jnp.float32),
            pltpu.VMEM((chunk,), jnp.float32),
            pltpu.VMEM((chunk,), jnp.float32),
            pltpu.SemaphoreType.DMA,
            pltpu.SemaphoreType.DMA,
            pltpu.SemaphoreType.DMA,
            pltpu.SemaphoreType.DMA,
        ],
    )
    def sc_call(x_hbm, sq_hbm, tq_hbm, out_hbm, sq_v, tq_v,
                xin0_v, xin1_v, yout0_v, yout1_v,
                in_sem0, in_sem1, out_sem0, out_sem1):
        xin_bufs = (xin0_v, xin1_v)
        yout_bufs = (yout0_v, yout1_v)
        in_sems = (in_sem0, in_sem1)
        out_sems = (out_sem0, out_sem1)
        wid = lax.axis_index("s") * info.num_cores + lax.axis_index("c")
        pltpu.sync_copy(sq_hbm, sq_v)
        pltpu.sync_copy(tq_hbm, tq_v)
        base = wid * per_w

        iota = lax.broadcasted_iota(jnp.int32, (_L,), 0)
        cols = [iota + j * _L for j in range(_VPR)]
        hi0 = [plsc.load_gather(sq_v, [c + (_Q - 1) * _F]) for c in cols]
        inv_step = jnp.float32(1.0 / (_Q - 1))

        def compute_chunk(xin_v, yout_v):
            def row_body(r, carry2):
                p0 = r * _F
                xs = [xin_v[pl.ds(p0 + j * _L, _L)] for j in range(_VPR)]
                addrs = list(cols)
                for bit in (128, 64, 32, 16, 8, 4, 2, 1):
                    vs = [
                        plsc.load_gather(sq_v, [addrs[j] + (bit - 1) * _F])
                        for j in range(_VPR)
                    ]
                    for j in range(_VPR):
                        take = vs[j] <= xs[j]
                        addrs[j] = addrs[j] + jnp.where(take, bit * _F, 0)
                ahis = [jnp.maximum(addrs[j], cols[j] + _F) for j in range(_VPR)]
                vlos = [plsc.load_gather(sq_v, [a - _F]) for a in ahis]
                vhis = [plsc.load_gather(sq_v, [a]) for a in ahis]
                ks = [None] * _VPR
                ts = [None] * _VPR
                for j in range(_VPR):
                    i = lax.shift_right_logical(ahis[j] - cols[j], 7)
                    qs_lo = (i - 1).astype(jnp.float32) * inv_step
                    dx = vhis[j] - vlos[j]
                    delta = xs[j] - vlos[j]
                    degen = dx == 0.0
                    dxs = jnp.where(degen, jnp.float32(1.0), dx)
                    f = qs_lo + (delta / dxs) * inv_step
                    f = jnp.where(degen, qs_lo, f)
                    f = jnp.where(xs[j] > hi0[j], jnp.float32(1.0), f)
                    f = jnp.clip(f, 0.0, 1.0)
                    t = f * jnp.float32(_Q - 1)
                    ks[j] = jnp.minimum(t.astype(jnp.int32), _Q - 2)
                    ts[j] = t
                tqls = [plsc.load_gather(tq_v, [ks[j]]) for j in range(_VPR)]
                tqhs = [plsc.load_gather(tq_v, [ks[j] + 1]) for j in range(_VPR)]
                for j in range(_VPR):
                    kf = ks[j].astype(jnp.float32)
                    yv = tqls[j] + (ts[j] - kf) * (tqhs[j] - tqls[j])
                    yout_v[pl.ds(p0 + j * _L, _L)] = yv
                return carry2

            lax.fori_loop(0, rows, row_body, 0)

        for b in (0, 1):
            pltpu.make_async_copy(
                x_hbm.at[pl.ds(base + b * chunk, chunk)], xin_bufs[b], in_sems[b]
            ).start()

        def pair_body(g2, carry):
            for b in (0, 1):
                g = g2 * 2 + b
                off = base + g * chunk
                pltpu.make_async_copy(
                    x_hbm.at[pl.ds(off, chunk)], xin_bufs[b], in_sems[b]
                ).wait()

                @pl.when(g2 > 0)
                def _wait_out():
                    pltpu.make_async_copy(
                        yout_bufs[b],
                        out_hbm.at[pl.ds(off - 2 * chunk, chunk)],
                        out_sems[b],
                    ).wait()

                compute_chunk(xin_bufs[b], yout_bufs[b])

                @pl.when(g < nchunk - 2)
                def _start_next_in():
                    pltpu.make_async_copy(
                        x_hbm.at[pl.ds(off + 2 * chunk, chunk)],
                        xin_bufs[b],
                        in_sems[b],
                    ).start()

                pltpu.make_async_copy(
                    yout_bufs[b], out_hbm.at[pl.ds(off, chunk)], out_sems[b]
                ).start()
            return carry

        lax.fori_loop(0, nchunk // 2, pair_body, 0)
        for b in (0, 1):
            pltpu.make_async_copy(
                yout_bufs[b],
                out_hbm.at[pl.ds(base + (nchunk - 2 + b) * chunk, chunk)],
                out_sems[b],
            ).wait()

    return sc_call


def kernel(x, source_quantiles, quantiles, target_quantiles):
    b, f = x.shape
    del quantiles
    xf = x.reshape(-1)
    sc_call = _make_sc_call(xf.shape[0])
    out = sc_call(xf, source_quantiles.reshape(-1), target_quantiles)
    return out.reshape(b, f)

# --- scband reference (transcript-rebuilt; emitter-appended) ---
"""Pipeline reference for scband-batch-ot-33466385171048 (READ-ONLY COPY).

The authoritative reference and input builder live on the scoring server;
editing this copy changes nothing except your own understanding.
"""

import jax, jax.numpy as jnp
import numpy as np

NUM_FEATURES = 128
NUM_QUANTILES = 256
BATCH = 65536

def setup_inputs(seed: int = 0) -> dict:
    key = jax.random.key(seed)
    k1, k2 = jax.random.split(key, 2)
    x = jax.random.normal(k1, (BATCH, NUM_FEATURES), dtype=jnp.float32)
    # Buffer: evaluation grid of probability levels in [0,1]
    quantiles = jnp.linspace(0.0, 1.0, NUM_QUANTILES).astype(jnp.float32)
    # Learned/estimated per-feature source quantile function, shape (num_quantiles, num_features),
    # nondecreasing along axis 0 (as produced by torch.quantile during training)
    source_quantiles = jnp.sort(jax.random.normal(k2, (NUM_QUANTILES, NUM_FEATURES), dtype=jnp.float32), axis=0)
    # Target quantile function (uniform distribution by default): linspace(0,1,num_quantiles)
    target_quantiles = jnp.linspace(0.0, 1.0, NUM_QUANTILES).astype(jnp.float32)
    return {"x": x, "source_quantiles": source_quantiles, "quantiles": quantiles, "target_quantiles": target_quantiles}

def reference(x, source_quantiles, quantiles, target_quantiles):
    # Eval-mode BatchOT forward (smoothing=None, batchwise_matching irrelevant in eval):
    # y = Q_nu(Q_mu^{-1}(x)) applied per feature.
    x_m = jnp.moveaxis(x, 1, -1)
    original_shape = x_m.shape
    xf = x_m.reshape(-1, NUM_FEATURES)
    sq = jnp.sort(source_quantiles, axis=0)          # (Q, F), nondecreasing per feature
    tq = jnp.sort(target_quantiles)                   # (Q,)
    # First interpolation: map data values to probability levels via the per-feature
    # inverse CDF grid: Interp1d(x=source_quantiles.T, y=quantiles, xnew=x.T)
    def interp_feat(xnew_col, xs_col):
        return jnp.interp(xnew_col, xs_col, quantiles)
    q = jax.vmap(interp_feat, in_axes=(1, 1), out_axes=1)(xf, sq)  # (B, F)
    q = jnp.clip(q, 0.0, 1.0)
    # Second interpolation: map probability levels to target quantiles:
    # Interp1d(x=quantiles, y=target_quantiles, xnew=q)
    out = jnp.interp(q.reshape(-1), quantiles, tq).reshape(q.shape)
    out = out.reshape(original_shape)
    out = jnp.moveaxis(out, -1, 1)
    return out

if __name__ == "__main__":
    import jax
    _d = setup_inputs()
    print(jax.jit(kernel)(*tuple(_d.values())))

</pallas_src>

<mosaic_0001>
#map = affine_map<(d0, d1) -> (0)>
module attributes {stable_mosaic.version = 14 : i64} {
  func.func @sc_call(%arg0: i32, %arg1: i32, %arg2: memref<8388608xf32, #tpu.memory_space<hbm>>, %arg3: memref<32768xf32, #tpu.memory_space<hbm>>, %arg4: memref<256xf32, #tpu.memory_space<hbm>>, %arg5: memref<8388608xf32, #tpu.memory_space<hbm>>, %arg6: memref<32768xf32, #tpu.memory_space<vmem>>, %arg7: memref<256xf32, #tpu.memory_space<vmem>>, %arg8: memref<16384xf32, #tpu.memory_space<vmem>>, %arg9: memref<16384xf32, #tpu.memory_space<vmem>>, %arg10: memref<16384xf32, #tpu.memory_space<vmem>>, %arg11: memref<16384xf32, #tpu.memory_space<vmem>>, %arg12: memref<!tpu.dma_semaphore, #tpu.memory_space<semaphore_mem>>, %arg13: memref<!tpu.dma_semaphore, #tpu.memory_space<semaphore_mem>>, %arg14: memref<!tpu.dma_semaphore, #tpu.memory_space<semaphore_mem>>, %arg15: memref<!tpu.dma_semaphore, #tpu.memory_space<semaphore_mem>>) attributes {dimension_semantics = [#tpu.dimension_semantics<core_parallel>, #tpu.dimension_semantics<subcore_parallel>], iteration_bounds = array<i64: 2, 16>, scalar_prefetch = 0 : i64, scratch_operands = 10 : i64, tpu.core_type = #tpu.core_type<sc_vector_subcore>, window_params = [{transform_indices = #map}, {transform_indices = #map}, {transform_indices = #map}, {transform_indices = #map}]} {
    %mul3A = arith.constant 2 : i32
    %mul3A_0 = arith.muli %arg1, %mul3A : i32
    %add3A = arith.addi %mul3A_0, %arg0 : i32
    "tpu.region"() ({
      %run_scoped3A = tpu.sem_alloc : memref<!tpu.dma_semaphore, #tpu.memory_space<semaphore_mem>>
      tpu.enqueue_dma source(%arg3 : memref<32768xf32, #tpu.memory_space<hbm>>) target(%arg6 : memref<32768xf32, #tpu.memory_space<vmem>>) target_semaphore(%run_scoped3A : memref<!tpu.dma_semaphore, #tpu.memory_space<semaphore_mem>>)
      tpu.wait_dma2 semaphore(%run_scoped3A : memref<!tpu.dma_semaphore, #tpu.memory_space<semaphore_mem>>) src(%arg3 : memref<32768xf32, #tpu.memory_space<hbm>>) dst(%arg6 : memref<32768xf32, #tpu.memory_space<vmem>>)
      tpu.yield
    }) : () -> ()
    "tpu.region"() ({
      %run_scoped3A = tpu.sem_alloc : memref<!tpu.dma_semaphore, #tpu.memory_space<semaphore_mem>>
      tpu.enqueue_dma source(%arg4 : memref<256xf32, #tpu.memory_space<hbm>>) target(%arg7 : memref<256xf32, #tpu.memory_space<vmem>>) target_semaphore(%run_scoped3A : memref<!tpu.dma_semaphore, #tpu.memory_space<semaphore_mem>>)
      tpu.wait_dma2 semaphore(%run_scoped3A : memref<!tpu.dma_semaphore, #tpu.memory_space<semaphore_mem>>) src(%arg4 : memref<256xf32, #tpu.memory_space<hbm>>) dst(%arg7 : memref<256xf32, #tpu.memory_space<vmem>>)
      tpu.yield
    }) : () -> ()
    %mul3A_1 = arith.constant 262144 : i32
    %mul3A_2 = arith.muli %add3A, %mul3A_1 : i32
    %iota3A = tpu.iota {dimensions = array<i32: 0>} : vector<16xi32>
    %add3A_3 = arith.constant 0 : i32
    %add3A_4 = vector.broadcast %add3A_3 : i32 to vector<16xi32>
    %add3A_5 = arith.addi %iota3A, %add3A_4 : vector<16xi32>
    %add3A_6 = arith.constant 16 : i32
    %add3A_7 = vector.broadcast %add3A_6 : i32 to vector<16xi32>
    %add3A_8 = arith.addi %iota3A, %add3A_7 : vector<16xi32>
    %add3A_9 = arith.constant 32 : i32
    %add3A_10 = vector.broadcast %add3A_9 : i32 to vector<16xi32>
    %add3A_11 = arith.addi %iota3A, %add3A_10 : vector<16xi32>
    %add3A_12 = arith.constant 48 : i32
    %add3A_13 = vector.broadcast %add3A_12 : i32 to vector<16xi32>
    %add3A_14 = arith.addi %iota3A, %add3A_13 : vector<16xi32>
    %add3A_15 = arith.constant 64 : i32
    %add3A_16 = vector.broadcast %add3A_15 : i32 to vector<16xi32>
    %add3A_17 = arith.addi %iota3A, %add3A_16 : vector<16xi32>
    %add3A_18 = arith.constant 80 : i32
    %add3A_19 = vector.broadcast %add3A_18 : i32 to vector<16xi32>
    %add3A_20 = arith.addi %iota3A, %add3A_19 : vector<16xi32>
    %add3A_21 = arith.constant 96 : i32
    %add3A_22 = vector.broadcast %add3A_21 : i32 to vector<16xi32>
    %add3A_23 = arith.addi %iota3A, %add3A_22 : vector<16xi32>
    %add3A_24 = arith.constant 112 : i32
    %add3A_25 = vector.broadcast %add3A_24 : i32 to vector<16xi32>
    %add3A_26 = arith.addi %iota3A, %add3A_25 : vector<16xi32>
    %add3A_27 = arith.constant 32640 : i32
    %add3A_28 = vector.broadcast %add3A_27 : i32 to vector<16xi32>
    %add3A_29 = arith.addi %add3A_5, %add3A_28 : vector<16xi32>
    %gather3A = tpu.vector_load_idx %arg6[%add3A_29] : memref<32768xf32, #tpu.memory_space<vmem>>[vector<16xi32>], vector<16xf32>,
    %add3A_30 = arith.constant 32640 : i32
    %add3A_31 = vector.broadcast %add3A_30 : i32 to vector<16xi32>
    %add3A_32 = arith.addi %add3A_8, %add3A_31 : vector<16xi32>
    %gather3A_33 = tpu.vector_load_idx %arg6[%add3A_32] : memref<32768xf32, #tpu.memory_space<vmem>>[vector<16xi32>], vector<16xf32>,
    %add3A_34 = arith.constant 32640 : i32
    %add3A_35 = vector.broadcast %add3A_34 : i32 to vector<16xi32>
    %add3A_36 = arith.addi %add3A_11, %add3A_35 : vector<16xi32>
    %gather3A_37 = tpu.vector_load_idx %arg6[%add3A_36] : memref<32768xf32, #tpu.memory_space<vmem>>[vector<16xi32>], vector<16xf32>,
    %add3A_38 = arith.constant 32640 : i32
    %add3A_39 = vector.broadcast %add3A_38 : i32 to vector<16xi32>
    %add3A_40 = arith.addi %add3A_14, %add3A_39 : vector<16xi32>
    %gather3A_41 = tpu.vector_load_idx %arg6[%add3A_40] : memref<32768xf32, #tpu.memory_space<vmem>>[vector<16xi32>], vector<16xf32>,
    %add3A_42 = arith.constant 32640 : i32
    %add3A_43 = vector.broadcast %add3A_42 : i32 to vector<16xi32>
    %add3A_44 = arith.addi %add3A_17, %add3A_43 : vector<16xi32>
    %gather3A_45 = tpu.vector_load_idx %arg6[%add3A_44] : memref<32768xf32, #tpu.memory_space<vmem>>[vector<16xi32>], vector<16xf32>,
    %add3A_46 = arith.constant 32640 : i32
    %add3A_47 = vector.broadcast %add3A_46 : i32 to vector<16xi32>
    %add3A_48 = arith.addi %add3A_20, %add3A_47 : vector<16xi32>
    %gather3A_49 = tpu.vector_load_idx %arg6[%add3A_48] : memref<32768xf32, #tpu.memory_space<vmem>>[vector<16xi32>], vector<16xf32>,
    %add3A_50 = arith.constant 32640 : i32
    %add3A_51 = vector.broadcast %add3A_50 : i32 to vector<16xi32>
    %add3A_52 = arith.addi %add3A_23, %add3A_51 : vector<16xi32>
    %gather3A_53 = tpu.vector_load_idx %arg6[%add3A_52] : memref<32768xf32, #tpu.memory_space<vmem>>[vector<16xi32>], vector<16xf32>,
    %add3A_54 = arith.constant 32640 : i32
    %add3A_55 = vector.broadcast %add3A_54 : i32 to vector<16xi32>
    %add3A_56 = arith.addi %add3A_26, %add3A_55 : vector<16xi32>
    %gather3A_57 = tpu.vector_load_idx %arg6[%add3A_56] : memref<32768xf32, #tpu.memory_space<vmem>>[vector<16xi32>], vector<16xf32>,
    %add3A_58 = arith.constant 0 : i32
    %add3A_59 = arith.addi %mul3A_2, %add3A_58 : i32
    %dma_start3A = tpu.memref_slice %arg2[%add3A_59] : memref<8388608xf32, #tpu.memory_space<hbm>> -> memref<16384xf32, #tpu.memory_space<hbm>>
    %dma_start3A_60 = tpu.memref_slice %arg2[%add3A_59] : memref<8388608xf32, #tpu.memory_space<hbm>> -> memref<16384xf32, #tpu.memory_space<hbm>>
    tpu.enqueue_dma source(%dma_start3A_60 : memref<16384xf32, #tpu.memory_space<hbm>>) target(%arg8 : memref<16384xf32, #tpu.memory_space<vmem>>) target_semaphore(%arg12 : memref<!tpu.dma_semaphore, #tpu.memory_space<semaphore_mem>>)
    %add3A_61 = arith.constant 16384 : i32
    %add3A_62 = arith.addi %mul3A_2, %add3A_61 : i32
    %dma_start3A_63 = tpu.memref_slice %arg2[%add3A_62] : memref<8388608xf32, #tpu.memory_space<hbm>> -> memref<16384xf32, #tpu.memory_space<hbm>>
    %dma_start3A_64 = tpu.memref_slice %arg2[%add3A_62] : memref<8388608xf32, #tpu.memory_space<hbm>> -> memref<16384xf32, #tpu.memory_space<hbm>>
    tpu.enqueue_dma source(%dma_start3A_64 : memref<16384xf32, #tpu.memory_space<hbm>>) target(%arg9 : memref<16384xf32, #tpu.memory_space<vmem>>) target_semaphore(%arg13 : memref<!tpu.dma_semaphore, #tpu.memory_space<semaphore_mem>>)
    %scan3A = arith.constant 0 : i32
    %scan3A_65 = arith.constant 0.00392156886 : f32
    %scan3A_66 = arith.constant 0 : i32
    %scan3A_67 = arith.constant 8 : i32
    %scan3A_68 = arith.addi %scan3A_66, %scan3A_67 : i32
    %scan3A_69 = arith.constant 1 : i32
    scf.for %scan3A_78 = %scan3A_66 to %scan3A_68 step %scan3A_69  : i32 {
      %mul3A_79 = arith.constant 2 : i32
      %mul3A_80 = arith.muli %scan3A_78, %mul3A_79 : i32
      %add3A_81 = arith.constant 0 : i32
      %add3A_82 = arith.addi %mul3A_80, %add3A_81 : i32
      %mul3A_83 = arith.constant 16384 : i32
      %mul3A_84 = arith.muli %add3A_82, %mul3A_83 : i32
      %add3A_85 = arith.addi %mul3A_2, %mul3A_84 : i32
      %dma_wait3A_86 = tpu.memref_slice %arg2[%add3A_85] : memref<8388608xf32, #tpu.memory_space<hbm>> -> memref<16384xf32, #tpu.memory_space<hbm>>
      %dma_wait3A_87 = tpu.memref_slice %arg2[%add3A_85] : memref<8388608xf32, #tpu.memory_space<hbm>> -> memref<16384xf32, #tpu.memory_space<hbm>>
      tpu.wait_dma2 semaphore(%arg12 : memref<!tpu.dma_semaphore, #tpu.memory_space<semaphore_mem>>) src(%dma_wait3A_87 : memref<16384xf32, #tpu.memory_space<hbm>>) dst(%arg8 : memref<16384xf32, #tpu.memory_space<vmem>>)
      %gt3A = arith.constant 0 : i32
      %gt3A_88 = arith.cmpi sgt, %scan3A_78, %gt3A : i32
      %convert_element_type3A = arith.extui %gt3A_88 : i1 to i32
      %cond3A = arith.constant 0 : i32
      %cond3A_89 = arith.cmpi ne, %convert_element_type3A, %cond3A : i32
      scf.if %cond3A_89 {
        %sub3A = arith.constant 32768 : i32
        %sub3A_129 = arith.subi %add3A_85, %sub3A : i32
        %dma_wait3A_130 = tpu.memref_slice %arg5[%sub3A_129] : memref<8388608xf32, #tpu.memory_space<hbm>> -> memref<16384xf32, #tpu.memory_space<hbm>>
        %dma_wait3A_131 = tpu.memref_slice %arg5[%sub3A_129] : memref<8388608xf32, #tpu.memory_space<hbm>> -> memref<16384xf32, #tpu.memory_space<hbm>>
        tpu.wait_dma2 semaphore(%arg14 : memref<!tpu.dma_semaphore, #tpu.memory_space<semaphore_mem>>) src(%arg10 : memref<16384xf32, #tpu.memory_space<vmem>>) dst(%dma_wait3A_131 : memref<16384xf32, #tpu.memory_space<hbm>>)
      } else {
      }
      %scan3A_90 = arith.constant 0 : i32
      %scan3A_91 = arith.constant 0 : i32
      %scan3A_92 = arith.constant 128 : i32
      %scan3A_93 = arith.addi %scan3A_91, %scan3A_92 : i32
      %scan3A_94 = arith.constant 1 : i32
      scf.for %scan3A_129 = %scan3A_91 to %scan3A_93 step %scan3A_94  : i32 {
        %mul3A_130 = arith.constant 128 : i32
        %mul3A_131 = arith.muli %scan3A_129, %mul3A_130 : i32
        %add3A_132 = arith.constant 0 : i32
        %add3A_133 = arith.addi %mul3A_131, %add3A_132 : i32
        %get3A = arith.index_cast %add3A_133 : i32 to index
        %get3A_134 = tpu.vector_load %arg8[%get3A] {strides = array<i32>} : memref<16384xf32, #tpu.memory_space<vmem>>, vector<16xf32>,
        %add3A_135 = arith.constant 16 : i32
        %add3A_136 = arith.addi %mul3A_131, %add3A_135 : i32
        %get3A_137 = arith.index_cast %add3A_136 : i32 to index
        %get3A_138 = tpu.vector_load %arg8[%get3A_137] {strides = array<i32>} : memref<16384xf32, #tpu.memory_space<vmem>>, vector<16xf32>,
        %add3A_139 = arith.constant 32 : i32
        %add3A_140 = arith.addi %mul3A_131, %add3A_139 : i32
        %get3A_141 = arith.index_cast %add3A_140 : i32 to index
        %get3A_142 = tpu.vector_load %arg8[%get3A_141] {strides = array<i32>} : memref<16384xf32, #tpu.memory_space<vmem>>, vector<16xf32>,
        %add3A_143 = arith.constant 48 : i32
        %add3A_144 = arith.addi %mul3A_131, %add3A_143 : i32
        %get3A_145 = arith.index_cast %add3A_144 : i32 to index
        %get3A_146 = tpu.vector_load %arg8[%get3A_145] {strides = array<i32>} : memref<16384xf32, #tpu.memory_space<vmem>>, vector<16xf32>,
        %add3A_147 = arith.constant 64 : i32
        %add3A_148 = arith.addi %mul3A_131, %add3A_147 : i32
        %get3A_149 = arith.index_cast %add3A_148 : i32 to index
        %get3A_150 = tpu.vector_load %arg8[%get3A_149] {strides = array<i32>} : memref<16384xf32, #tpu.memory_space<vmem>>, vector<16xf32>,
        %add3A_151 = arith.constant 80 : i32
        %add3A_152 = arith.addi %mul3A_131, %add3A_151 : i32
        %get3A_153 = arith.index_cast %add3A_152 : i32 to index
        %get3A_154 = tpu.vector_load %arg8[%get3A_153] {strides = array<i32>} : memref<16384xf32, #tpu.memory_space<vmem>>, vector<16xf32>,
        %add3A_155 = arith.constant 96 : i32
        %add3A_156 = arith.addi %mul3A_131, %add3A_155 : i32
        %get3A_157 = arith.index_cast %add3A_156 : i32 to index
        %get3A_158 = tpu.vector_load %arg8[%get3A_157] {strides = array<i32>} : memref<16384xf32, #tpu.memory_space<vmem>>, vector<16xf32>,
        %add3A_159 = arith.constant 112 : i32
        %add3A_160 = arith.addi %mul3A_131, %add3A_159 : i32
        %get3A_161 = arith.index_cast %add3A_160 : i32 to index
        %get3A_162 = tpu.vector_load %arg8[%get3A_161] {strides = array<i32>} : memref<16384xf32, #tpu.memory_space<vmem>>, vector<16xf32>,
        %add3A_163 = arith.constant 16256 : i32
        %add3A_164 = vector.broadcast %add3A_163 : i32 to vector<16xi32>
        %add3A_165 = arith.addi %add3A_5, %add3A_164 : vector<16xi32>
        %gather3A_166 = tpu.vector_load_idx %arg6[%add3A_165] : memref<32768xf32, #tpu.memory_space<vmem>>[vector<16xi32>], vector<16xf32>,
        %add3A_167 = arith.constant 16256 : i32
        %add3A_168 = vector.broadcast %add3A_167 : i32 to vector<16xi32>
        %add3A_169 = arith.addi %add3A_8, %add3A_168 : vector<16xi32>
        %gather3A_170 = tpu.vector_load_idx %arg6[%add3A_169] : memref<32768xf32, #tpu.memory_space<vmem>>[vector<16xi32>], vector<16xf32>,
        %add3A_171 = arith.constant 16256 : i32
        %add3A_172 = vector.broadcast %add3A_171 : i32 to vector<16xi32>
        %add3A_173 = arith.addi %add3A_11, %add3A_172 : vector<16xi32>
        %gather3A_174 = tpu.vector_load_idx %arg6[%add3A_173] : memref<32768xf32, #tpu.memory_space<vmem>>[vector<16xi32>], vector<16xf32>,
        %add3A_175 = arith.constant 16256 : i32
        %add3A_176 = vector.broadcast %add3A_175 : i32 to vector<16xi32>
        %add3A_177 = arith.addi %add3A_14, %add3A_176 : vector<16xi32>
        %gather3A_178 = tpu.vector_load_idx %arg6[%add3A_177] : memref<32768xf32, #tpu.memory_space<vmem>>[vector<16xi32>], vector<16xf32>,
        %add3A_179 = arith.constant 16256 : i32
        %add3A_180 = vector.broadcast %add3A_179 : i32 to vector<16xi32>
        %add3A_181 = arith.addi %add3A_17, %add3A_180 : vector<16xi32>
        %gather3A_182 = tpu.vector_load_idx %arg6[%add3A_181] : memref<32768xf32, #tpu.memory_space<vmem>>[vector<16xi32>], vector<16xf32>,
        %add3A_183 = arith.constant 16256 : i32
        %add3A_184 = vector.broadcast %add3A_183 : i32 to vector<16xi32>
        %add3A_185 = arith.addi %add3A_20, %add3A_184 : vector<16xi32>
        %gather3A_186 = tpu.vector_load_idx %arg6[%add3A_185] : memref<32768xf32, #tpu.memory_space<vmem>>[vector<16xi32>], vector<16xf32>,
        %add3A_187 = arith.constant 16256 : i32
        %add3A_188 = vector.broadcast %add3A_187 : i32 to vector<16xi32>
        %add3A_189 = arith.addi %add3A_23, %add3A_188 : vector<16xi32>
        %gather3A_190 = tpu.vector_load_idx %arg6[%add3A_189] : memref<32768xf32, #tpu.memory_space<vmem>>[vector<16xi32>], vector<16xf32>,
        %add3A_191 = arith.constant 16256 : i32
        %add3A_192 = vector.broadcast %add3A_191 : i32 to vector<16xi32>
        %add3A_193 = arith.addi %add3A_26, %add3A_192 : vector<16xi32>
        %gather3A_194 = tpu.vector_load_idx %arg6[%add3A_193] : memref<32768xf32, #tpu.memory_space<vmem>>[vector<16xi32>], vector<16xf32>,
        %le3A = arith.cmpf ole, %gather3A_166, %get3A_134 : vector<16xf32>
        %jit3A = arith.constant 16384 : i32
        %jit3A_195 = arith.constant 0 : i32
        %broadcast_in_dim3A = vector.broadcast %jit3A : i32 to vector<16xi32>
        %broadcast_in_dim3A_196 = vector.broadcast %jit3A_195 : i32 to vector<16xi32>
        %select_n3A = arith.select %le3A, %broadcast_in_dim3A, %broadcast_in_dim3A_196 : vector<16xi1>, vector<16xi32>
        %add3A_197 = arith.addi %add3A_5, %select_n3A : vector<16xi32>
        %le3A_198 = arith.cmpf ole, %gather3A_170, %get3A_138 : vector<16xf32>
        %jit3A_199 = arith.constant 16384 : i32
        %jit3A_200 = arith.constant 0 : i32
        %broadcast_in_dim3A_201 = vector.broadcast %jit3A_199 : i32 to vector<16xi32>
        %broadcast_in_dim3A_202 = vector.broadcast %jit3A_200 : i32 to vector<16xi32>
        %select_n3A_203 = arith.select %le3A_198, %broadcast_in_dim3A_201, %broadcast_in_dim3A_202 : vector<16xi1>, vector<16xi32>
        %add3A_204 = arith.addi %add3A_8, %select_n3A_203 : vector<16xi32>
        %le3A_205 = arith.cmpf ole, %gather3A_174, %get3A_142 : vector<16xf32>
        %jit3A_206 = arith.constant 16384 : i32
        %jit3A_207 = arith.constant 0 : i32
        %broadcast_in_dim3A_208 = vector.broadcast %jit3A_206 : i32 to vector<16xi32>
        %broadcast_in_dim3A_209 = vector.broadcast %jit3A_207 : i32 to vector<16xi32>
        %select_n3A_210 = arith.select %le3A_205, %broadcast_in_dim3A_208, %broadcast_in_dim3A_209 : vector<16xi1>, vector<16xi32>
        %add3A_211 = arith.addi %add3A_11, %select_n3A_210 : vector<16xi32>
        %le3A_212 = arith.cmpf ole, %gather3A_178, %get3A_146 : vector<16xf32>
        %jit3A_213 = arith.constant 16384 : i32
        %jit3A_214 = arith.constant 0 : i32
        %broadcast_in_dim3A_215 = vector.broadcast %jit3A_213 : i32 to vector<16xi32>
        %broadcast_in_dim3A_216 = vector.broadcast %jit3A_214 : i32 to vector<16xi32>
        %select_n3A_217 = arith.select %le3A_212, %broadcast_in_dim3A_215, %broadcast_in_dim3A_216 : vector<16xi1>, vector<16xi32>
        %add3A_218 = arith.addi %add3A_14, %select_n3A_217 : vector<16xi32>
        %le3A_219 = arith.cmpf ole, %gather3A_182, %get3A_150 : vector<16xf32>
        %jit3A_220 = arith.constant 16384 : i32
        %jit3A_221 = arith.constant 0 : i32
        %broadcast_in_dim3A_222 = vector.broadcast %jit3A_220 : i32 to vector<16xi32>
        %broadcast_in_dim3A_223 = vector.broadcast %jit3A_221 : i32 to vector<16xi32>
        %select_n3A_224 = arith.select %le3A_219, %broadcast_in_dim3A_222, %broadcast_in_dim3A_223 : vector<16xi1>, vector<16xi32>
        %add3A_225 = arith.addi %add3A_17, %select_n3A_224 : vector<16xi32>
        %le3A_226 = arith.cmpf ole, %gather3A_186, %get3A_154 : vector<16xf32>
        %jit3A_227 = arith.constant 16384 : i32
        %jit3A_228 = arith.constant 0 : i32
        %broadcast_in_dim3A_229 = vector.broadcast %jit3A_227 : i32 to vector<16xi32>
        %broadcast_in_dim3A_230 = vector.broadcast %jit3A_228 : i32 to vector<16xi32>
        %select_n3A_231 = arith.select %le3A_226, %broadcast_in_dim3A_229, %broadcast_in_dim3A_230 : vector<16xi1>, vector<16xi32>
        %add3A_232 = arith.addi %add3A_20, %select_n3A_231 : vector<16xi32>
        %le3A_233 = arith.cmpf ole, %gather3A_190, %get3A_158 : vector<16xf32>
        %jit3A_234 = arith.constant 16384 : i32
        %jit3A_235 = arith.constant 0 : i32
        %broadcast_in_dim3A_236 = vector.broadcast %jit3A_234 : i32 to vector<16xi32>
        %broadcast_in_dim3A_237 = vector.broadcast %jit3A_235 : i32 to vector<16xi32>
        %select_n3A_238 = arith.select %le3A_233, %broadcast_in_dim3A_236, %broadcast_in_dim3A_237 : vector<16xi1>, vector<16xi32>
        %add3A_239 = arith.addi %add3A_23, %select_n3A_238 : vector<16xi32>
        %le3A_240 = arith.cmpf ole, %gather3A_194, %get3A_162 : vector<16xf32>
        %jit3A_241 = arith.constant 16384 : i32
        %jit3A_242 = arith.constant 0 : i32
        %broadcast_in_dim3A_243 = vector.broadcast %jit3A_241 : i32 to vector<16xi32>
        %broadcast_in_dim3A_244 = vector.broadcast %jit3A_242 : i32 to vector<16xi32>
        %select_n3A_245 = arith.select %le3A_240, %broadcast_in_dim3A_243, %broadcast_in_dim3A_244 : vector<16xi1>, vector<16xi32>
        %add3A_246 = arith.addi %add3A_26, %select_n3A_245 : vector<16xi32>
        %add3A_247 = arith.constant 8064 : i32
        %add3A_248 = vector.broadcast %add3A_247 : i32 to vector<16xi32>
        %add3A_249 = arith.addi %add3A_197, %add3A_248 : vector<16xi32>
        %gather3A_250 = tpu.vector_load_idx %arg6[%add3A_249] : memref<32768xf32, #tpu.memory_space<vmem>>[vector<16xi32>], vector<16xf32>,
        %add3A_251 = arith.constant 8064 : i32
        %add3A_252 = vector.broadcast %add3A_251 : i32 to vector<16xi32>
        %add3A_253 = arith.addi %add3A_204, %add3A_252 : vector<16xi32>
        %gather3A_254 = tpu.vector_load_idx %arg6[%add3A_253] : memref<32768xf32, #tpu.memory_space<vmem>>[vector<16xi32>], vector<16xf32>,
        %add3A_255 = arith.constant 8064 : i32
        %add3A_256 = vector.broadcast %add3A_255 : i32 to vector<16xi32>
        %add3A_257 = arith.addi %add3A_211, %add3A_256 : vector<16xi32>
        %gather3A_258 = tpu.vector_load_idx %arg6[%add3A_257] : memref<32768xf32, #tpu.memory_space<vmem>>[vector<16xi32>], vector<16xf32>,
        %add3A_259 = arith.constant 8064 : i32
        %add3A_260 = vector.broadcast %add3A_259 : i32 to vector<16xi32>
        %add3A_261 = arith.addi %add3A_218, %add3A_260 : vector<16xi32>
        %gather3A_262 = tpu.vector_load_idx %arg6[%add3A_261] : memref<32768xf32, #tpu.memory_space<vmem>>[vector<16xi32>], vector<16xf32>,
        %add3A_263 = arith.constant 8064 : i32
        %add3A_264 = vector.broadcast %add3A_263 : i32 to vector<16xi32>
        %add3A_265 = arith.addi %add3A_225, %add3A_264 : vector<16xi32>
        %gather3A_266 = tpu.vector_load_idx %arg6[%add3A_265] : memref<32768xf32, #tpu.memory_space<vmem>>[vector<16xi32>], vector<16xf32>,
        %add3A_267 = arith.constant 8064 : i32
        %add3A_268 = vector.broadcast %add3A_267 : i32 to vector<16xi32>
        %add3A_269 = arith.addi %add3A_232, %add3A_268 : vector<16xi32>
        %gather3A_270 = tpu.vector_load_idx %arg6[%add3A_269] : memref<32768xf32, #tpu.memory_space<vmem>>[vector<16xi32>], vector<16xf32>,
        %add3A_271 = arith.constant 8064 : i32
        %add3A_272 = vector.broadcast %add3A_271 : i32 to vector<16xi32>
        %add3A_273 = arith.addi %add3A_239, %add3A_272 : vector<16xi32>
        %gather3A_274 = tpu.vector_load_idx %arg6[%add3A_273] : memref<32768xf32, #tpu.memory_space<vmem>>[vector<16xi32>], vector<16xf32>,
        %add3A_275 = arith.constant 8064 : i32
        %add3A_276 = vector.broadcast %add3A_275 : i32 to vector<16xi32>
        %add3A_277 = arith.addi %add3A_246, %add3A_276 : vector<16xi32>
        %gather3A_278 = tpu.vector_load_idx %arg6[%add3A_277] : memref<32768xf32, #tpu.memory_space<vmem>>[vector<16xi32>], vector<16xf32>,
        %le3A_279 = arith.cmpf ole, %gather3A_250, %get3A_134 : vector<16xf32>
        %jit3A_280 = arith.constant 8192 : i32
        %jit3A_281 = arith.constant 0 : i32
        %broadcast_in_dim3A_282 = vector.broadcast %jit3A_280 : i32 to vector<16xi32>
        %broadcast_in_dim3A_283 = vector.broadcast %jit3A_281 : i32 to vector<16xi32>
        %select_n3A_284 = arith.select %le3A_279, %broadcast_in_dim3A_282, %broadcast_in_dim3A_283 : vector<16xi1>, vector<16xi32>
        %add3A_285 = arith.addi %add3A_197, %select_n3A_284 : vector<16xi32>
        %le3A_286 = arith.cmpf ole, %gather3A_254, %get3A_138 : vector<16xf32>
        %jit3A_287 = arith.constant 8192 : i32
        %jit3A_288 = arith.constant 0 : i32
        %broadcast_in_dim3A_289 = vector.broadcast %jit3A_287 : i32 to vector<16xi32>
        %broadcast_in_dim3A_290 = vector.broadcast %jit3A_288 : i32 to vector<16xi32>
        %select_n3A_291 = arith.select %le3A_286, %broadcast_in_dim3A_289, %broadcast_in_dim3A_290 : vector<16xi1>, vector<16xi32>
        %add3A_292 = arith.addi %add3A_204, %select_n3A_291 : vector<16xi32>
        %le3A_293 = arith.cmpf ole, %gather3A_258, %get3A_142 : vector<16xf32>
        %jit3A_294 = arith.constant 8192 : i32
        %jit3A_295 = arith.constant 0 : i32
        %broadcast_in_dim3A_296 = vector.broadcast %jit3A_294 : i32 to vector<16xi32>
        %broadcast_in_dim3A_297 = vector.broadcast %jit3A_295 : i32 to vector<16xi32>
        %select_n3A_298 = arith.select %le3A_293, %broadcast_in_dim3A_296, %broadcast_in_dim3A_297 : vector<16xi1>, vector<16xi32>
        %add3A_299 = arith.addi %add3A_211, %select_n3A_298 : vector<16xi32>
        %le3A_300 = arith.cmpf ole, %gather3A_262, %get3A_146 : vector<16xf32>
        %jit3A_301 = arith.constant 8192 : i32
        %jit3A_302 = arith.constant 0 : i32
        %broadcast_in_dim3A_303 = vector.broadcast %jit3A_301 : i32 to vector<16xi32>
        %broadcast_in_dim3A_304 = vector.broadcast %jit3A_302 : i32 to vector<16xi32>
        %select_n3A_305 = arith.select %le3A_300, %broadcast_in_dim3A_303, %broadcast_in_dim3A_304 : vector<16xi1>, vector<16xi32>
        %add3A_306 = arith.addi %add3A_218, %select_n3A_305 : vector<16xi32>
        %le3A_307 = arith.cmpf ole, %gather3A_266, %get3A_150 : vector<16xf32>
        %jit3A_308 = arith.constant 8192 : i32
        %jit3A_309 = arith.constant 0 : i32
        %broadcast_in_dim3A_310 = vector.broadcast %jit3A_308 : i32 to vector<16xi32>
        %broadcast_in_dim3A_311 = vector.broadcast %jit3A_309 : i32 to vector<16xi32>
        %select_n3A_312 = arith.select %le3A_307, %broadcast_in_dim3A_310, %broadcast_in_dim3A_311 : vector<16xi1>, vector<16xi32>
        %add3A_313 = arith.addi %add3A_225, %select_n3A_312 : vector<16xi32>
        %le3A_314 = arith.cmpf ole, %gather3A_270, %get3A_154 : vector<16xf32>
        %jit3A_315 = arith.constant 8192 : i32
        %jit3A_316 = arith.constant 0 : i32
        %broadcast_in_dim3A_317 = vector.broadcast %jit3A_315 : i32 to vector<16xi32>
        %broadcast_in_dim3A_318 = vector.broadcast %jit3A_316 : i32 to vector<16xi32>
        %select_n3A_319 = arith.select %le3A_314, %broadcast_in_dim3A_317, %broadcast_in_dim3A_318 : vector<16xi1>, vector<16xi32>
        %add3A_320 = arith.addi %add3A_232, %select_n3A_319 : vector<16xi32>
        %le3A_321 = arith.cmpf ole, %gather3A_274, %get3A_158 : vector<16xf32>
        %jit3A_322 = arith.constant 8192 : i32
        %jit3A_323 = arith.constant 0 : i32
        %broadcast_in_dim3A_324 = vector.broadcast %jit3A_322 : i32 to vector<16xi32>
        %broadcast_in_dim3A_325 = vector.broadcast %jit3A_323 : i32 to vector<16xi32>
        %select_n3A_326 = arith.select %le3A_321, %broadcast_in_dim3A_324, %broadcast_in_dim3A_325 : vector<16xi1>, vector<16xi32>
        %add3A_327 = arith.addi %add3A_239, %select_n3A_326 : vector<16xi32>
        %le3A_328 = arith.cmpf ole, %gather3A_278, %get3A_162 : vector<16xf32>
        %jit3A_329 = arith.constant 8192 : i32
        %jit3A_330 = arith.constant 0 : i32
        %broadcast_in_dim3A_331 = vector.broadcast %jit3A_329 : i32 to vector<16xi32>
        %broadcast_in_dim3A_332 = vector.broadcast %jit3A_330 : i32 to vector<16xi32>
        %select_n3A_333 = arith.select %le3A_328, %broadcast_in_dim3A_331, %broadcast_in_dim3A_332 : vector<16xi1>, vector<16xi32>
        %add3A_334 = arith.addi %add3A_246, %select_n3A_333 : vector<16xi32>
        %add3A_335 = arith.constant 3968 : i32
        %add3A_336 = vector.broadcast %add3A_335 : i32 to vector<16xi32>
        %add3A_337 = arith.addi %add3A_285, %add3A_336 : vector<16xi32>
        %gather3A_338 = tpu.vector_load_idx %arg6[%add3A_337] : memref<32768xf32, #tpu.memory_space<vmem>>[vector<16xi32>], vector<16xf32>,
        %add3A_339 = arith.constant 3968 : i32
        %add3A_340 = vector.broadcast %add3A_339 : i32 to vector<16xi32>
        %add3A_341 = arith.addi %add3A_292, %add3A_340 : vector<16xi32>
        %gather3A_342 = tpu.vector_load_idx %arg6[%add3A_341] : memref<32768xf32, #tpu.memory_space<vmem>>[vector<16xi32>], vector<16xf32>,
        %add3A_343 = arith.constant 3968 : i32
        %add3A_344 = vector.broadcast %add3A_343 : i32 to vector<16xi32>
        %add3A_345 = arith.addi %add3A_299, %add3A_344 : vector<16xi32>
        %gather3A_346 = tpu.vector_load_idx %arg6[%add3A_345] : memref<32768xf32, #tpu.memory_space<vmem>>[vector<16xi32>], vector<16xf32>,
        %add3A_347 = arith.constant 3968 : i32
        %add3A_348 = vector.broadcast %add3A_347 : i32 to vector<16xi32>
        %add3A_349 = arith.addi %add3A_306, %add3A_348 : vector<16xi32>
        %gather3A_350 = tpu.vector_load_idx %arg6[%add3A_349] : memref<32768xf32, #tpu.memory_space<vmem>>[vector<16xi32>], vector<16xf32>,
        %add3A_351 = arith.constant 3968 : i32
        %add3A_352 = vector.broadcast %add3A_351 : i32 to vector<16xi32>
        %add3A_353 = arith.addi %add3A_313, %add3A_352 : vector<16xi32>
        %gather3A_354 = tpu.vector_load_idx %arg6[%add3A_353] : memref<32768xf32, #tpu.memory_space<vmem>>[vector<16xi32>], vector<16xf32>,
        %add3A_355 = arith.constant 3968 : i32
        %add3A_356 = vector.broadcast %add3A_355 : i32 to vector<16xi32>
        %add3A_357 = arith.addi %add3A_320, %add3A_356 : vector<16xi32>
        %gather3A_358 = tpu.vector_load_idx %arg6[%add3A_357] : memref<32768xf32, #tpu.memory_space<vmem>>[vector<16xi32>], vector<16xf32>,
        %add3A_359 = arith.constant 3968 : i32
        %add3A_360 = vector.broadcast %add3A_359 : i32 to vector<16xi32>
        %add3A_361 = arith.addi %add3A_327, %add3A_360 : vector<16xi32>
        %gather3A_362 = tpu.vector_load_idx %arg6[%add3A_361] : memref<32768xf32, #tpu.memory_space<vmem>>[vector<16xi32>], vector<16xf32>,
        %add3A_363 = arith.constant 3968 : i32
        %add3A_364 = vector.broadcast %add3A_363 : i32 to vector<16xi32>
        %add3A_365 = arith.addi %add3A_334, %add3A_364 : vector<16xi32>
        %gather3A_366 = tpu.vector_load_idx %arg6[%add3A_365] : memref<32768xf32, #tpu.memory_space<vmem>>[vector<16xi32>], vector<16xf32>,
        %le3A_367 = arith.cmpf ole, %gather3A_338, %get3A_134 : vector<16xf32>
        %jit3A_368 = arith.constant 4096 : i32
        %jit3A_369 = arith.constant 0 : i32
        %broadcast_in_dim3A_370 = vector.broadcast %jit3A_368 : i32 to vector<16xi32>
        %broadcast_in_dim3A_371 = vector.broadcast %jit3A_369 : i32 to vector<16xi32>
        %select_n3A_372 = arith.select %le3A_367, %broadcast_in_dim3A_370, %broadcast_in_dim3A_371 : vector<16xi1>, vector<16xi32>
        %add3A_373 = arith.addi %add3A_285, %select_n3A_372 : vector<16xi32>
        %le3A_374 = arith.cmpf ole, %gather3A_342, %get3A_138 : vector<16xf32>
        %jit3A_375 = arith.constant 4096 : i32
        %jit3A_376 = arith.constant 0 : i32
        %broadcast_in_dim3A_377 = vector.broadcast %jit3A_375 : i32 to vector<16xi32>
        %broadcast_in_dim3A_378 = vector.broadcast %jit3A_376 : i32 to vector<16xi32>
        %select_n3A_379 = arith.select %le3A_374, %broadcast_in_dim3A_377, %broadcast_in_dim3A_378 : vector<16xi1>, vector<16xi32>
        %add3A_380 = arith.addi %add3A_292, %select_n3A_379 : vector<16xi32>
        %le3A_381 = arith.cmpf ole, %gather3A_346, %get3A_142 : vector<16xf32>
        %jit3A_382 = arith.constant 4096 : i32
        %jit3A_383 = arith.constant 0 : i32
        %broadcast_in_dim3A_384 = vector.broadcast %jit3A_382 : i32 to vector<16xi32>
        %broadcast_in_dim3A_385 = vector.broadcast %jit3A_383 : i32 to vector<16xi32>
        %select_n3A_386 = arith.select %le3A_381, %broadcast_in_dim3A_384, %broadcast_in_dim3A_385 : vector<16xi1>, vector<16xi32>
        %add3A_387 = arith.addi %add3A_299, %select_n3A_386 : vector<16xi32>
        %le3A_388 = arith.cmpf ole, %gather3A_350, %get3A_146 : vector<16xf32>
        %jit3A_389 = arith.constant 4096 : i32
        %jit3A_390 = arith.constant 0 : i32
        %broadcast_in_dim3A_391 = vector.broadcast %jit3A_389 : i32 to vector<16xi32>
        %broadcast_in_dim3A_392 = vector.broadcast %jit3A_390 : i32 to vector<16xi32>
        %select_n3A_393 = arith.select %le3A_388, %broadcast_in_dim3A_391, %broadcast_in_dim3A_392 : vector<16xi1>, vector<16xi32>
        %add3A_394 = arith.addi %add3A_306, %select_n3A_393 : vector<16xi32>
        %le3A_395 = arith.cmpf ole, %gather3A_354, %get3A_150 : vector<16xf32>
        %jit3A_396 = arith.constant 4096 : i32
        %jit3A_397 = arith.constant 0 : i32
        %broadcast_in_dim3A_398 = vector.broadcast %jit3A_396 : i32 to vector<16xi32>
        %broadcast_in_dim3A_399 = vector.broadcast %jit3A_397 : i32 to vector<16xi32>
        %select_n3A_400 = arith.select %le3A_395, %broadcast_in_dim3A_398, %broadcast_in_dim3A_399 : vector<16xi1>, vector<16xi32>
        %add3A_401 = arith.addi %add3A_313, %select_n3A_400 : vector<16xi32>
        %le3A_402 = arith.cmpf ole, %gather3A_358, %get3A_154 : vector<16xf32>
        %jit3A_403 = arith.constant 4096 : i32
        %jit3A_404 = arith.constant 0 : i32
        %broadcast_in_dim3A_405 = vector.broadcast %jit3A_403 : i32 to vector<16xi32>
        %broadcast_in_dim3A_406 = vector.broadcast %jit3A_404 : i32 to vector<16xi32>
        %select_n3A_407 = arith.select %le3A_402, %broadcast_in_dim3A_405, %broadcast_in_dim3A_406 : vector<16xi1>, vector<16xi32>
        %add3A_408 = arith.addi %add3A_320, %select_n3A_407 : vector<16xi32>
        %le3A_409 = arith.cmpf ole, %gather3A_362, %get3A_158 : vector<16xf32>
        %jit3A_410 = arith.constant 4096 : i32
        %jit3A_411 = arith.constant 0 : i32
        %broadcast_in_dim3A_412 = vector.broadcast %jit3A_410 : i32 to vector<16xi32>
        %broadcast_in_dim3A_413 = vector.broadcast %jit3A_411 : i32 to vector<16xi32>
        %select_n3A_414 = arith.select %le3A_409, %broadcast_in_dim3A_412, %broadcast_in_dim3A_413 : vector<16xi1>, vector<16xi32>
        %add3A_415 = arith.addi %add3A_327, %select_n3A_414 : vector<16xi32>
        %le3A_416 = arith.cmpf ole, %gather3A_366, %get3A_162 : vector<16xf32>
        %jit3A_417 = arith.constant 4096 : i32
        %jit3A_418 = arith.constant 0 : i32
        %broadcast_in_dim3A_419 = vector.broadcast %jit3A_417 : i32 to vector<16xi32>
        %broadcast_in_dim3A_420 = vector.broadcast %jit3A_418 : i32 to vector<16xi32>
        %select_n3A_421 = arith.select %le3A_416, %broadcast_in_dim3A_419, %broadcast_in_dim3A_420 : vector<16xi1>, vector<16xi32>
        %add3A_422 = arith.addi %add3A_334, %select_n3A_421 : vector<16xi32>
        %add3A_423 = arith.constant 1920 : i32
        %add3A_424 = vector.broadcast %add3A_423 : i32 to vector<16xi32>
        %add3A_425 = arith.addi %add3A_373, %add3A_424 : vector<16xi32>
        %gather3A_426 = tpu.vector_load_idx %arg6[%add3A_425] : memref<32768xf32, #tpu.memory_space<vmem>>[vector<16xi32>], vector<16xf32>,
        %add3A_427 = arith.constant 1920 : i32
        %add3A_428 = vector.broadcast %add3A_427 : i32 to vector<16xi32>
        %add3A_429 = arith.addi %add3A_380, %add3A_428 : vector<16xi32>
        %gather3A_430 = tpu.vector_load_idx %arg6[%add3A_429] : memref<32768xf32, #tpu.memory_space<vmem>>[vector<16xi32>], vector<16xf32>,
        %add3A_431 = arith.constant 1920 : i32
        %add3A_432 = vector.broadcast %add3A_431 : i32 to vector<16xi32>
        %add3A_433 = arith.addi %add3A_387, %add3A_432 : vector<16xi32>
        %gather3A_434 = tpu.vector_load_idx %arg6[%add3A_433] : memref<32768xf32, #tpu.memory_space<vmem>>[vector<16xi32>], vector<16xf32>,
        %add3A_435 = arith.constant 1920 : i32
        %add3A_436 = vector.broadcast %add3A_435 : i32 to vector<16xi32>
        %add3A_437 = arith.addi %add3A_394, %add3A_436 : vector<16xi32>
        %gather3A_438 = tpu.vector_load_idx %arg6[%add3A_437] : memref<32768xf32, #tpu.memory_space<vmem>>[vector<16xi32>], vector<16xf32>,
        %add3A_439 = arith.constant 1920 : i32
        %add3A_440 = vector.broadcast %add3A_439 : i32 to vector<16xi32>
        %add3A_441 = arith.addi %add3A_401, %add3A_440 : vector<16xi32>
        %gather3A_442 = tpu.vector_load_idx %arg6[%add3A_441] : memref<32768xf32, #tpu.memory_space<vmem>>[vector<16xi32>], vector<16xf32>,
        %add3A_443 = arith.constant 1920 : i32
        %add3A_444 = vector.broadcast %add3A_443 : i32 to vector<16xi32>
        %add3A_445 = arith.addi %add3A_408, %add3A_444 : vector<16xi32>
        %gather3A_446 = tpu.vector_load_idx %arg6[%add3A_445] : memref<32768xf32, #tpu.memory_space<vmem>>[vector<16xi32>], vector<16xf32>,
        %add3A_447 = arith.constant 1920 : i32
        %add3A_448 = vector.broadcast %add3A_447 : i32 to vector<16xi32>
        %add3A_449 = arith.addi %add3A_415, %add3A_448 : vector<16xi32>
        %gather3A_450 = tpu.vector_load_idx %arg6[%add3A_449] : memref<32768xf32, #tpu.memory_space<vmem>>[vector<16xi32>], vector<16xf32>,
        %add3A_451 = arith.constant 1920 : i32
        %add3A_452 = vector.broadcast %add3A_451 : i32 to vector<16xi32>
        %add3A_453 = arith.addi %add3A_422, %add3A_452 : vector<16xi32>
        %gather3A_454 = tpu.vector_load_idx %arg6[%add3A_453] : memref<32768xf32, #tpu.memory_space<vmem>>[vector<16xi32>], vector<16xf32>,
        %le3A_455 = arith.cmpf ole, %gather3A_426, %get3A_134 : vector<16xf32>
        %jit3A_456 = arith.constant 2048 : i32
        %jit3A_457 = arith.constant 0 : i32
        %broadcast_in_dim3A_458 = vector.broadcast %jit3A_456 : i32 to vector<16xi32>
        %broadcast_in_dim3A_459 = vector.broadcast %jit3A_457 : i32 to vector<16xi32>
        %select_n3A_460 = arith.select %le3A_455, %broadcast_in_dim3A_458, %broadcast_in_dim3A_459 : vector<16xi1>, vector<16xi32>
        %add3A_461 = arith.addi %add3A_373, %select_n3A_460 : vector<16xi32>
        %le3A_462 = arith.cmpf ole, %gather3A_430, %get3A_138 : vector<16xf32>
        %jit3A_463 = arith.constant 2048 : i32
        %jit3A_464 = arith.constant 0 : i32
        %broadcast_in_dim3A_465 = vector.broadcast %jit3A_463 : i32 to vector<16xi32>
        %broadcast_in_dim3A_466 = vector.broadcast %jit3A_464 : i32 to vector<16xi32>
        %select_n3A_467 = arith.select %le3A_462, %broadcast_in_dim3A_465, %broadcast_in_dim3A_466 : vector<16xi1>, vector<16xi32>
        %add3A_468 = arith.addi %add3A_380, %select_n3A_467 : vector<16xi32>
        %le3A_469 = arith.cmpf ole, %gather3A_434, %get3A_142 : vector<16xf32>
        %jit3A_470 = arith.constant 2048 : i32
        %jit3A_471 = arith.constant 0 : i32
        %broadcast_in_dim3A_472 = vector.broadcast %jit3A_470 : i32 to vector<16xi32>
        %broadcast_in_dim3A_473 = vector.broadcast %jit3A_471 : i32 to vector<16xi32>
        %select_n3A_474 = arith.select %le3A_469, %broadcast_in_dim3A_472, %broadcast_in_dim3A_473 : vector<16xi1>, vector<16xi32>
        %add3A_475 = arith.addi %add3A_387, %select_n3A_474 : vector<16xi32>
        %le3A_476 = arith.cmpf ole, %gather3A_438, %get3A_146 : vector<16xf32>
        %jit3A_477 = arith.constant 2048 : i32
        %jit3A_478 = arith.constant 0 : i32
        %broadcast_in_dim3A_479 = vector.broadcast %jit3A_477 : i32 to vector<16xi32>
        %broadcast_in_dim3A_480 = vector.broadcast %jit3A_478 : i32 to vector<16xi32>
        %select_n3A_481 = arith.select %le3A_476, %broadcast_in_dim3A_479, %broadcast_in_dim3A_480 : vector<16xi1>, vector<16xi32>
        %add3A_482 = arith.addi %add3A_394, %select_n3A_481 : vector<16xi32>
        %le3A_483 = arith.cmpf ole, %gather3A_442, %get3A_150 : vector<16xf32>
        %jit3A_484 = arith.constant 2048 : i32
        %jit3A_485 = arith.constant 0 : i32
        %broadcast_in_dim3A_486 = vector.broadcast %jit3A_484 : i32 to vector<16xi32>
        %broadcast_in_dim3A_487 = vector.broadcast %jit3A_485 : i32 to vector<16xi32>
        %select_n3A_488 = arith.select %le3A_483, %broadcast_in_dim3A_486, %broadcast_in_dim3A_487 : vector<16xi1>, vector<16xi32>
        %add3A_489 = arith.addi %add3A_401, %select_n3A_488 : vector<16xi32>
        %le3A_490 = arith.cmpf ole, %gather3A_446, %get3A_154 : vector<16xf32>
        %jit3A_491 = arith.constant 2048 : i32
        %jit3A_492 = arith.constant 0 : i32
        %broadcast_in_dim3A_493 = vector.broadcast %jit3A_491 : i32 to vector<16xi32>
        %broadcast_in_dim3A_494 = vector.broadcast %jit3A_492 : i32 to vector<16xi32>
        %select_n3A_495 = arith.select %le3A_490, %broadcast_in_dim3A_493, %broadcast_in_dim3A_494 : vector<16xi1>, vector<16xi32>
        %add3A_496 = arith.addi %add3A_408, %select_n3A_495 : vector<16xi32>
        %le3A_497 = arith.cmpf ole, %gather3A_450, %get3A_158 : vector<16xf32>
        %jit3A_498 = arith.constant 2048 : i32
        %jit3A_499 = arith.constant 0 : i32
        %broadcast_in_dim3A_500 = vector.broadcast %jit3A_498 : i32 to vector<16xi32>
        %broadcast_in_dim3A_501 = vector.broadcast %jit3A_499 : i32 to vector<16xi32>
        %select_n3A_502 = arith.select %le3A_497, %broadcast_in_dim3A_500, %broadcast_in_dim3A_501 : vector<16xi1>, vector<16xi32>
        %add3A_503 = arith.addi %add3A_415, %select_n3A_502 : vector<16xi32>
        %le3A_504 = arith.cmpf ole, %gather3A_454, %get3A_162 : vector<16xf32>
        %jit3A_505 = arith.constant 2048 : i32
        %jit3A_506 = arith.constant 0 : i32
        %broadcast_in_dim3A_507 = vector.broadcast %jit3A_505 : i32 to vector<16xi32>
        %broadcast_in_dim3A_508 = vector.broadcast %jit3A_506 : i32 to vector<16xi32>
        %select_n3A_509 = arith.select %le3A_504, %broadcast_in_dim3A_507, %broadcast_in_dim3A_508 : vector<16xi1>, vector<16xi32>
        %add3A_510 = arith.addi %add3A_422, %select_n3A_509 : vector<16xi32>
        %add3A_511 = arith.constant 896 : i32
        %add3A_512 = vector.broadcast %add3A_511 : i32 to vector<16xi32>
        %add3A_513 = arith.addi %add3A_461, %add3A_512 : vector<16xi32>
        %gather3A_514 = tpu.vector_load_idx %arg6[%add3A_513] : memref<32768xf32, #tpu.memory_space<vmem>>[vector<16xi32>], vector<16xf32>,
        %add3A_515 = arith.constant 896 : i32
        %add3A_516 = vector.broadcast %add3A_515 : i32 to vector<16xi32>
        %add3A_517 = arith.addi %add3A_468, %add3A_516 : vector<16xi32>
        %gather3A_518 = tpu.vector_load_idx %arg6[%add3A_517] : memref<32768xf32, #tpu.memory_space<vmem>>[vector<16xi32>], vector<16xf32>,
        %add3A_519 = arith.constant 896 : i32
        %add3A_520 = vector.broadcast %add3A_519 : i32 to vector<16xi32>
        %add3A_521 = arith.addi %add3A_475, %add3A_520 : vector<16xi32>
        %gather3A_522 = tpu.vector_load_idx %arg6[%add3A_521] : memref<32768xf32, #tpu.memory_space<vmem>>[vector<16xi32>], vector<16xf32>,
        %add3A_523 = arith.constant 896 : i32
        %add3A_524 = vector.broadcast %add3A_523 : i32 to vector<16xi32>
        %add3A_525 = arith.addi %add3A_482, %add3A_524 : vector<16xi32>
        %gather3A_526 = tpu.vector_load_idx %arg6[%add3A_525] : memref<32768xf32, #tpu.memory_space<vmem>>[vector<16xi32>], vector<16xf32>,
        %add3A_527 = arith.constant 896 : i32
        %add3A_528 = vector.broadcast %add3A_527 : i32 to vector<16xi32>
        %add3A_529 = arith.addi %add3A_489, %add3A_528 : vector<16xi32>
        %gather3A_530 = tpu.vector_load_idx %arg6[%add3A_529] : memref<32768xf32, #tpu.memory_space<vmem>>[vector<16xi32>], vector<16xf32>,
        %add3A_531 = arith.constant 896 : i32
        %add3A_532 = vector.broadcast %add3A_531 : i32 to vector<16xi32>
        %add3A_533 = arith.addi %add3A_496, %add3A_532 : vector<16xi32>
        %gather3A_534 = tpu.vector_load_idx %arg6[%add3A_533] : memref<32768xf32, #tpu.memory_space<vmem>>[vector<16xi32>], vector<16xf32>,
        %add3A_535 = arith.constant 896 : i32
        %add3A_536 = vector.broadcast %add3A_535 : i32 to vector<16xi32>
        %add3A_537 = arith.addi %add3A_503, %add3A_536 : vector<16xi32>
        %gather3A_538 = tpu.vector_load_idx %arg6[%add3A_537] : memref<32768xf32, #tpu.memory_space<vmem>>[vector<16xi32>], vector<16xf32>,
        %add3A_539 = arith.constant 896 : i32
        %add3A_540 = vector.broadcast %add3A_539 : i32 to vector<16xi32>
        %add3A_541 = arith.addi %add3A_510, %add3A_540 : vector<16xi32>
        %gather3A_542 = tpu.vector_load_idx %arg6[%add3A_541] : memref<32768xf32, #tpu.memory_space<vmem>>[vector<16xi32>], vector<16xf32>,
        %le3A_543 = arith.cmpf ole, %gather3A_514, %get3A_134 : vector<16xf32>
        %jit3A_544 = arith.constant 1024 : i32
        %jit3A_545 = arith.constant 0 : i32
        %broadcast_in_dim3A_546 = vector.broadcast %jit3A_544 : i32 to vector<16xi32>
        %broadcast_in_dim3A_547 = vector.broadcast %jit3A_545 : i32 to vector<16xi32>
        %select_n3A_548 = arith.select %le3A_543, %broadcast_in_dim3A_546, %broadcast_in_dim3A_547 : vector<16xi1>, vector<16xi32>
        %add3A_549 = arith.addi %add3A_461, %select_n3A_548 : vector<16xi32>
        %le3A_550 = arith.cmpf ole, %gather3A_518, %get3A_138 : vector<16xf32>
        %jit3A_551 = arith.constant 1024 : i32
        %jit3A_552 = arith.constant 0 : i32
        %broadcast_in_dim3A_553 = vector.broadcast %jit3A_551 : i32 to vector<16xi32>
        %broadcast_in_dim3A_554 = vector.broadcast %jit3A_552 : i32 to vector<16xi32>
        %select_n3A_555 = arith.select %le3A_550, %broadcast_in_dim3A_553, %broadcast_in_dim3A_554 : vector<16xi1>, vector<16xi32>
        %add3A_556 = arith.addi %add3A_468, %select_n3A_555 : vector<16xi32>
        %le3A_557 = arith.cmpf ole, %gather3A_522, %get3A_142 : vector<16xf32>
        %jit3A_558 = arith.constant 1024 : i32
        %jit3A_559 = arith.constant 0 : i32
        %broadcast_in_dim3A_560 = vector.broadcast %jit3A_558 : i32 to vector<16xi32>
        %broadcast_in_dim3A_561 = vector.broadcast %jit3A_559 : i32 to vector<16xi32>
        %select_n3A_562 = arith.select %le3A_557, %broadcast_in_dim3A_560, %broadcast_in_dim3A_561 : vector<16xi1>, vector<16xi32>
        %add3A_563 = arith.addi %add3A_475, %select_n3A_562 : vector<16xi32>
        %le3A_564 = arith.cmpf ole, %gather3A_526, %get3A_146 : vector<16xf32>
        %jit3A_565 = arith.constant 1024 : i32
        %jit3A_566 = arith.constant 0 : i32
        %broadcast_in_dim3A_567 = vector.broadcast %jit3A_565 : i32 to vector<16xi32>
        %broadcast_in_dim3A_568 = vector.broadcast %jit3A_566 : i32 to vector<16xi32>
        %select_n3A_569 = arith.select %le3A_564, %broadcast_in_dim3A_567, %broadcast_in_dim3A_568 : vector<16xi1>, vector<16xi32>
        %add3A_570 = arith.addi %add3A_482, %select_n3A_569 : vector<16xi32>
        %le3A_571 = arith.cmpf ole, %gather3A_530, %get3A_150 : vector<16xf32>
        %jit3A_572 = arith.constant 1024 : i32
        %jit3A_573 = arith.constant 0 : i32
        %broadcast_in_dim3A_574 = vector.broadcast %jit3A_572 : i32 to vector<16xi32>
        %broadcast_in_dim3A_575 = vector.broadcast %jit3A_573 : i32 to vector<16xi32>
        %select_n3A_576 = arith.select %le3A_571, %broadcast_in_dim3A_574, %broadcast_in_dim3A_575 : vector<16xi1>, vector<16xi32>
        %add3A_577 = arith.addi %add3A_489, %select_n3A_576 : vector<16xi32>
        %le3A_578 = arith.cmpf ole, %gather3A_534, %get3A_154 : vector<16xf32>
        %jit3A_579 = arith.constant 1024 : i32
        %jit3A_580 = arith.constant 0 : i32
        %broadcast_in_dim3A_581 = vector.broadcast %jit3A_579 : i32 to vector<16xi32>
        %broadcast_in_dim3A_582 = vector.broadcast %jit3A_580 : i32 to vector<16xi32>
        %select_n3A_583 = arith.select %le3A_578, %broadcast_in_dim3A_581, %broadcast_in_dim3A_582 : vector<16xi1>, vector<16xi32>
        %add3A_584 = arith.addi %add3A_496, %select_n3A_583 : vector<16xi32>
        %le3A_585 = arith.cmpf ole, %gather3A_538, %get3A_158 : vector<16xf32>
        %jit3A_586 = arith.constant 1024 : i32
        %jit3A_587 = arith.constant 0 : i32
        %broadcast_in_dim3A_588 = vector.broadcast %jit3A_586 : i32 to vector<16xi32>
        %broadcast_in_dim3A_589 = vector.broadcast %jit3A_587 : i32 to vector<16xi32>
        %select_n3A_590 = arith.select %le3A_585, %broadcast_in_dim3A_588, %broadcast_in_dim3A_589 : vector<16xi1>, vector<16xi32>
        %add3A_591 = arith.addi %add3A_503, %select_n3A_590 : vector<16xi32>
        %le3A_592 = arith.cmpf ole, %gather3A_542, %get3A_162 : vector<16xf32>
        %jit3A_593 = arith.constant 1024 : i32
        %jit3A_594 = arith.constant 0 : i32
        %broadcast_in_dim3A_595 = vector.broadcast %jit3A_593 : i32 to vector<16xi32>
        %broadcast_in_dim3A_596 = vector.broadcast %jit3A_594 : i32 to vector<16xi32>
        %select_n3A_597 = arith.select %le3A_592, %broadcast_in_dim3A_595, %broadcast_in_dim3A_596 : vector<16xi1>, vector<16xi32>
        %add3A_598 = arith.addi %add3A_510, %select_n3A_597 : vector<16xi32>
        %add3A_599 = arith.constant 384 : i32
        %add3A_600 = vector.broadcast %add3A_599 : i32 to vector<16xi32>
        %add3A_601 = arith.addi %add3A_549, %add3A_600 : vector<16xi32>
        %gather3A_602 = tpu.vector_load_idx %arg6[%add3A_601] : memref<32768xf32, #tpu.memory_space<vmem>>[vector<16xi32>], vector<16xf32>,
        %add3A_603 = arith.constant 384 : i32
        %add3A_604 = vector.broadcast %add3A_603 : i32 to vector<16xi32>
        %add3A_605 = arith.addi %add3A_556, %add3A_604 : vector<16xi32>
        %gather3A_606 = tpu.vector_load_idx %arg6[%add3A_605] : memref<32768xf32, #tpu.memory_space<vmem>>[vector<16xi32>], vector<16xf32>,
        %add3A_607 = arith.constant 384 : i32
        %add3A_608 = vector.broadcast %add3A_607 : i32 to vector<16xi32>
        %add3A_609 = arith.addi %add3A_563, %add3A_608 : vector<16xi32>
        %gather3A_610 = tpu.vector_load_idx %arg6[%add3A_609] : memref<32768xf32, #tpu.memory_space<vmem>>[vector<16xi32>], vector<16xf32>,
        %add3A_611 = arith.constant 384 : i32
        %add3A_612 = vector.broadcast %add3A_611 : i32 to vector<16xi32>
        %add3A_613 = arith.addi %add3A_570, %add3A_612 : vector<16xi32>
        %gather3A_614 = tpu.vector_load_idx %arg6[%add3A_613] : memref<32768xf32, #tpu.memory_space<vmem>>[vector<16xi32>], vector<16xf32>,
        %add3A_615 = arith.constant 384 : i32
        %add3A_616 = vector.broadcast %add3A_615 : i32 to vector<16xi32>
        %add3A_617 = arith.addi %add3A_577, %add3A_616 : vector<16xi32>
        %gather3A_618 = tpu.vector_load_idx %arg6[%add3A_617] : memref<32768xf32, #tpu.memory_space<vmem>>[vector<16xi32>], vector<16xf32>,
        %add3A_619 = arith.constant 384 : i32
        %add3A_620 = vector.broadcast %add3A_619 : i32 to vector<16xi32>
        %add3A_621 = arith.addi %add3A_584, %add3A_620 : vector<16xi32>
        %gather3A_622 = tpu.vector_load_idx %arg6[%add3A_621] : memref<32768xf32, #tpu.memory_space<vmem>>[vector<16xi32>], vector<16xf32>,
        %add3A_623 = arith.constant 384 : i32
        %add3A_624 = vector.broadcast %add3A_623 : i32 to vector<16xi32>
        %add3A_625 = arith.addi %add3A_591, %add3A_624 : vector<16xi32>
        %gather3A_626 = tpu.vector_load_idx %arg6[%add3A_625] : memref<32768xf32, #tpu.memory_space<vmem>>[vector<16xi32>], vector<16xf32>,
        %add3A_627 = arith.constant 384 : i32
        %add3A_628 = vector.broadcast %add3A_627 : i32 to vector<16xi32>
        %add3A_629 = arith.addi %add3A_598, %add3A_628 : vector<16xi32>
        %gather3A_630 = tpu.vector_load_idx %arg6[%add3A_629] : memref<32768xf32, #tpu.memory_space<vmem>>[vector<16xi32>], vector<16xf32>,
        %le3A_631 = arith.cmpf ole, %gather3A_602, %get3A_134 : vector<16xf32>
        %jit3A_632 = arith.constant 512 : i32
        %jit3A_633 = arith.constant 0 : i32
        %broadcast_in_dim3A_634 = vector.broadcast %jit3A_632 : i32 to vector<16xi32>
        %broadcast_in_dim3A_635 = vector.broadcast %jit3A_633 : i32 to vector<16xi32>
        %select_n3A_636 = arith.select %le3A_631, %broadcast_in_dim3A_634, %broadcast_in_dim3A_635 : vector<16xi1>, vector<16xi32>
        %add3A_637 = arith.addi %add3A_549, %select_n3A_636 : vector<16xi32>
        %le3A_638 = arith.cmpf ole, %gather3A_606, %get3A_138 : vector<16xf32>
        %jit3A_639 = arith.constant 512 : i32
        %jit3A_640 = arith.constant 0 : i32
        %broadcast_in_dim3A_641 = vector.broadcast %jit3A_639 : i32 to vector<16xi32>
        %broadcast_in_dim3A_642 = vector.broadcast %jit3A_640 : i32 to vector<16xi32>
        %select_n3A_643 = arith.select %le3A_638, %broadcast_in_dim3A_641, %broadcast_in_dim3A_642 : vector<16xi1>, vector<16xi32>
        %add3A_644 = arith.addi %add3A_556, %select_n3A_643 : vector<16xi32>
        %le3A_645 = arith.cmpf ole, %gather3A_610, %get3A_142 : vector<16xf32>
        %jit3A_646 = arith.constant 512 : i32
        %jit3A_647 = arith.constant 0 : i32
        %broadcast_in_dim3A_648 = vector.broadcast %jit3A_646 : i32 to vector<16xi32>
        %broadcast_in_dim3A_649 = vector.broadcast %jit3A_647 : i32 to vector<16xi32>
        %select_n3A_650 = arith.select %le3A_645, %broadcast_in_dim3A_648, %broadcast_in_dim3A_649 : vector<16xi1>, vector<16xi32>
        %add3A_651 = arith.addi %add3A_563, %select_n3A_650 : vector<16xi32>
        %le3A_652 = arith.cmpf ole, %gather3A_614, %get3A_146 : vector<16xf32>
        %jit3A_653 = arith.constant 512 : i32
        %jit3A_654 = arith.constant 0 : i32
        %broadcast_in_dim3A_655 = vector.broadcast %jit3A_653 : i32 to vector<16xi32>
        %broadcast_in_dim3A_656 = vector.broadcast %jit3A_654 : i32 to vector<16xi32>
        %select_n3A_657 = arith.select %le3A_652, %broadcast_in_dim3A_655, %broadcast_in_dim3A_656 : vector<16xi1>, vector<16xi32>
        %add3A_658 = arith.addi %add3A_570, %select_n3A_657 : vector<16xi32>
        %le3A_659 = arith.cmpf ole, %gather3A_618, %get3A_150 : vector<16xf32>
        %jit3A_660 = arith.constant 512 : i32
        %jit3A_661 = arith.constant 0 : i32
        %broadcast_in_dim3A_662 = vector.broadcast %jit3A_660 : i32 to vector<16xi32>
        %broadcast_in_dim3A_663 = vector.broadcast %jit3A_661 : i32 to vector<16xi32>
        %select_n3A_664 = arith.select %le3A_659, %broadcast_in_dim3A_662, %broadcast_in_dim3A_663 : vector<16xi1>, vector<16xi32>
        %add3A_665 = arith.addi %add3A_577, %select_n3A_664 : vector<16xi32>
        %le3A_666 = arith.cmpf ole, %gather3A_622, %get3A_154 : vector<16xf32>
        %jit3A_667 = arith.constant 512 : i32
        %jit3A_668 = arith.constant 0 : i32
        %broadcast_in_dim3A_669 = vector.broadcast %jit3A_667 : i32 to vector<16xi32>
        %broadcast_in_dim3A_670 = vector.broadcast %jit3A_668 : i32 to vector<16xi32>
        %select_n3A_671 = arith.select %le3A_666, %broadcast_in_dim3A_669, %broadcast_in_dim3A_670 : vector<16xi1>, vector<16xi32>
        %add3A_672 = arith.addi %add3A_584, %select_n3A_671 : vector<16xi32>
        %le3A_673 = arith.cmpf ole, %gather3A_626, %get3A_158 : vector<16xf32>
        %jit3A_674 = arith.constant 512 : i32
        %jit3A_675 = arith.constant 0 : i32
        %broadcast_in_dim3A_676 = vector.broadcast %jit3A_674 : i32 to vector<16xi32>
        %broadcast_in_dim3A_677 = vector.broadcast %jit3A_675 : i32 to vector<16xi32>
        %select_n3A_678 = arith.select %le3A_673, %broadcast_in_dim3A_676, %broadcast_in_dim3A_677 : vector<16xi1>, vector<16xi32>
        %add3A_679 = arith.addi %add3A_591, %select_n3A_678 : vector<16xi32>
        %le3A_680 = arith.cmpf ole, %gather3A_630, %get3A_162 : vector<16xf32>
        %jit3A_681 = arith.constant 512 : i32
        %jit3A_682 = arith.constant 0 : i32
        %broadcast_in_dim3A_683 = vector.broadcast %jit3A_681 : i32 to vector<16xi32>
        %broadcast_in_dim3A_684 = vector.broadcast %jit3A_682 : i32 to vector<16xi32>
        %select_n3A_685 = arith.select %le3A_680, %broadcast_in_dim3A_683, %broadcast_in_dim3A_684 : vector<16xi1>, vector<16xi32>
        %add3A_686 = arith.addi %add3A_598, %select_n3A_685 : vector<16xi32>
        %add3A_687 = arith.constant 128 : i32
        %add3A_688 = vector.broadcast %add3A_687 : i32 to vector<16xi32>
        %add3A_689 = arith.addi %add3A_637, %add3A_688 : vector<16xi32>
        %gather3A_690 = tpu.vector_load_idx %arg6[%add3A_689] : memref<32768xf32, #tpu.memory_space<vmem>>[vector<16xi32>], vector<16xf32>,
        %add3A_691 = arith.constant 128 : i32
        %add3A_692 = vector.broadcast %add3A_691 : i32 to vector<16xi32>
        %add3A_693 = arith.addi %add3A_644, %add3A_692 : vector<16xi32>
        %gather3A_694 = tpu.vector_load_idx %arg6[%add3A_693] : memref<32768xf32, #tpu.memory_space<vmem>>[vector<16xi32>], vector<16xf32>,
        %add3A_695 = arith.constant 128 : i32
        %add3A_696 = vector.broadcast %add3A_695 : i32 to vector<16xi32>
        %add3A_697 = arith.addi %add3A_651, %add3A_696 : vector<16xi32>
        %gather3A_698 = tpu.vector_load_idx %arg6[%add3A_697] : memref<32768xf32, #tpu.memory_space<vmem>>[vector<16xi32>], vector<16xf32>,
        %add3A_699 = arith.constant 128 : i32
        %add3A_700 = vector.broadcast %add3A_699 : i32 to vector<16xi32>
        %add3A_701 = arith.addi %add3A_658, %add3A_700 : vector<16xi32>
        %gather3A_702 = tpu.vector_load_idx %arg6[%add3A_701] : memref<32768xf32, #tpu.memory_space<vmem>>[vector<16xi32>], vector<16xf32>,
        %add3A_703 = arith.constant 128 : i32
        %add3A_704 = vector.broadcast %add3A_703 : i32 to vector<16xi32>
        %add3A_705 = arith.addi %add3A_665, %add3A_704 : vector<16xi32>
        %gather3A_706 = tpu.vector_load_idx %arg6[%add3A_705] : memref<32768xf32, #tpu.memory_space<vmem>>[vector<16xi32>], vector<16xf32>,
        %add3A_707 = arith.constant 128 : i32
        %add3A_708 = vector.broadcast %add3A_707 : i32 to vector<16xi32>
        %add3A_709 = arith.addi %add3A_672, %add3A_708 : vector<16xi32>
        %gather3A_710 = tpu.vector_load_idx %arg6[%add3A_709] : memref<32768xf32, #tpu.memory_space<vmem>>[vector<16xi32>], vector<16xf32>,
        %add3A_711 = arith.constant 128 : i32
        %add3A_712 = vector.broadcast %add3A_711 : i32 to vector<16xi32>
        %add3A_713 = arith.addi %add3A_679, %add3A_712 : vector<16xi32>
        %gather3A_714 = tpu.vector_load_idx %arg6[%add3A_713] : memref<32768xf32, #tpu.memory_space<vmem>>[vector<16xi32>], vector<16xf32>,
        %add3A_715 = arith.constant 128 : i32
        %add3A_716 = vector.broadcast %add3A_715 : i32 to vector<16xi32>
        %add3A_717 = arith.addi %add3A_686, %add3A_716 : vector<16xi32>
        %gather3A_718 = tpu.vector_load_idx %arg6[%add3A_717] : memref<32768xf32, #tpu.memory_space<vmem>>[vector<16xi32>], vector<16xf32>,
        %le3A_719 = arith.cmpf ole, %gather3A_690, %get3A_134 : vector<16xf32>
        %jit3A_720 = arith.constant 256 : i32
        %jit3A_721 = arith.constant 0 : i32
        %broadcast_in_dim3A_722 = vector.broadcast %jit3A_720 : i32 to vector<16xi32>
        %broadcast_in_dim3A_723 = vector.broadcast %jit3A_721 : i32 to vector<16xi32>
        %select_n3A_724 = arith.select %le3A_719, %broadcast_in_dim3A_722, %broadcast_in_dim3A_723 : vector<16xi1>, vector<16xi32>
        %add3A_725 = arith.addi %add3A_637, %select_n3A_724 : vector<16xi32>
        %le3A_726 = arith.cmpf ole, %gather3A_694, %get3A_138 : vector<16xf32>
        %jit3A_727 = arith.constant 256 : i32
        %jit3A_728 = arith.constant 0 : i32
        %broadcast_in_dim3A_729 = vector.broadcast %jit3A_727 : i32 to vector<16xi32>
        %broadcast_in_dim3A_730 = vector.broadcast %jit3A_728 : i32 to vector<16xi32>
        %select_n3A_731 = arith.select %le3A_726, %broadcast_in_dim3A_729, %broadcast_in_dim3A_730 : vector<16xi1>, vector<16xi32>
        %add3A_732 = arith.addi %add3A_644, %select_n3A_731 : vector<16xi32>
        %le3A_733 = arith.cmpf ole, %gather3A_698, %get3A_142 : vector<16xf32>
        %jit3A_734 = arith.constant 256 : i32
        %jit3A_735 = arith.constant 0 : i32
        %broadcast_in_dim3A_736 = vector.broadcast %jit3A_734 : i32 to vector<16xi32>
        %broadcast_in_dim3A_737 = vector.broadcast %jit3A_735 : i32 to vector<16xi32>
        %select_n3A_738 = arith.select %le3A_733, %broadcast_in_dim3A_736, %broadcast_in_dim3A_737 : vector<16xi1>, vector<16xi32>
        %add3A_739 = arith.addi %add3A_651, %select_n3A_738 : vector<16xi32>
        %le3A_740 = arith.cmpf ole, %gather3A_702, %get3A_146 : vector<16xf32>
        %jit3A_741 = arith.constant 256 : i32
        %jit3A_742 = arith.constant 0 : i32
        %broadcast_in_dim3A_743 = vector.broadcast %jit3A_741 : i32 to vector<16xi32>
        %broadcast_in_dim3A_744 = vector.broadcast %jit3A_742 : i32 to vector<16xi32>
        %select_n3A_745 = arith.select %le3A_740, %broadcast_in_dim3A_743, %broadcast_in_dim3A_744 : vector<16xi1>, vector<16xi32>
        %add3A_746 = arith.addi %add3A_658, %select_n3A_745 : vector<16xi32>
        %le3A_747 = arith.cmpf ole, %gather3A_706, %get3A_150 : vector<16xf32>
        %jit3A_748 = arith.constant 256 : i32
        %jit3A_749 = arith.constant 0 : i32
        %broadcast_in_dim3A_750 = vector.broadcast %jit3A_748 : i32 to vector<16xi32>
        %broadcast_in_dim3A_751 = vector.broadcast %jit3A_749 : i32 to vector<16xi32>
        %select_n3A_752 = arith.select %le3A_747, %broadcast_in_dim3A_750, %broadcast_in_dim3A_751 : vector<16xi1>, vector<16xi32>
        %add3A_753 = arith.addi %add3A_665, %select_n3A_752 : vector<16xi32>
        %le3A_754 = arith.cmpf ole, %gather3A_710, %get3A_154 : vector<16xf32>
        %jit3A_755 = arith.constant 256 : i32
        %jit3A_756 = arith.constant 0 : i32
        %broadcast_in_dim3A_757 = vector.broadcast %jit3A_755 : i32 to vector<16xi32>
        %broadcast_in_dim3A_758 = vector.broadcast %jit3A_756 : i32 to vector<16xi32>
        %select_n3A_759 = arith.select %le3A_754, %broadcast_in_dim3A_757, %broadcast_in_dim3A_758 : vector<16xi1>, vector<16xi32>
        %add3A_760 = arith.addi %add3A_672, %select_n3A_759 : vector<16xi32>
        %le3A_761 = arith.cmpf ole, %gather3A_714, %get3A_158 : vector<16xf32>
        %jit3A_762 = arith.constant 256 : i32
        %jit3A_763 = arith.constant 0 : i32
        %broadcast_in_dim3A_764 = vector.broadcast %jit3A_762 : i32 to vector<16xi32>
        %broadcast_in_dim3A_765 = vector.broadcast %jit3A_763 : i32 to vector<16xi32>
        %select_n3A_766 = arith.select %le3A_761, %broadcast_in_dim3A_764, %broadcast_in_dim3A_765 : vector<16xi1>, vector<16xi32>
        %add3A_767 = arith.addi %add3A_679, %select_n3A_766 : vector<16xi32>
        %le3A_768 = arith.cmpf ole, %gather3A_718, %get3A_162 : vector<16xf32>
        %jit3A_769 = arith.constant 256 : i32
        %jit3A_770 = arith.constant 0 : i32
        %broadcast_in_dim3A_771 = vector.broadcast %jit3A_769 : i32 to vector<16xi32>
        %broadcast_in_dim3A_772 = vector.broadcast %jit3A_770 : i32 to vector<16xi32>
        %select_n3A_773 = arith.select %le3A_768, %broadcast_in_dim3A_771, %broadcast_in_dim3A_772 : vector<16xi1>, vector<16xi32>
        %add3A_774 = arith.addi %add3A_686, %select_n3A_773 : vector<16xi32>
        %add3A_775 = arith.constant 0 : i32
        %add3A_776 = vector.broadcast %add3A_775 : i32 to vector<16xi32>
        %add3A_777 = arith.addi %add3A_725, %add3A_776 : vector<16xi32>
        %gather3A_778 = tpu.vector_load_idx %arg6[%add3A_777] : memref<32768xf32, #tpu.memory_space<vmem>>[vector<16xi32>], vector<16xf32>,
        %add3A_779 = arith.constant 0 : i32
        %add3A_780 = vector.broadcast %add3A_779 : i32 to vector<16xi32>
        %add3A_781 = arith.addi %add3A_732, %add3A_780 : vector<16xi32>
        %gather3A_782 = tpu.vector_load_idx %arg6[%add3A_781] : memref<32768xf32, #tpu.memory_space<vmem>>[vector<16xi32>], vector<16xf32>,
        %add3A_783 = arith.constant 0 : i32
        %add3A_784 = vector.broadcast %add3A_783 : i32 to vector<16xi32>
        %add3A_785 = arith.addi %add3A_739, %add3A_784 : vector<16xi32>
        %gather3A_786 = tpu.vector_load_idx %arg6[%add3A_785] : memref<32768xf32, #tpu.memory_space<vmem>>[vector<16xi32>], vector<16xf32>,
        %add3A_787 = arith.constant 0 : i32
        %add3A_788 = vector.broadcast %add3A_787 : i32 to vector<16xi32>
        %add3A_789 = arith.addi %add3A_746, %add3A_788 : vector<16xi32>
        %gather3A_790 = tpu.vector_load_idx %arg6[%add3A_789] : memref<32768xf32, #tpu.memory_space<vmem>>[vector<16xi32>], vector<16xf32>,
        %add3A_791 = arith.constant 0 : i32
        %add3A_792 = vector.broadcast %add3A_791 : i32 to vector<16xi32>
        %add3A_793 = arith.addi %add3A_753, %add3A_792 : vector<16xi32>
        %gather3A_794 = tpu.vector_load_idx %arg6[%add3A_793] : memref<32768xf32, #tpu.memory_space<vmem>>[vector<16xi32>], vector<16xf32>,
        %add3A_795 = arith.constant 0 : i32
        %add3A_796 = vector.broadcast %add3A_795 : i32 to vector<16xi32>
        %add3A_797 = arith.addi %add3A_760, %add3A_796 : vector<16xi32>
        %gather3A_798 = tpu.vector_load_idx %arg6[%add3A_797] : memref<32768xf32, #tpu.memory_space<vmem>>[vector<16xi32>], vector<16xf32>,
        %add3A_799 = arith.constant 0 : i32
        %add3A_800 = vector.broadcast %add3A_799 : i32 to vector<16xi32>
        %add3A_801 = arith.addi %add3A_767, %add3A_800 : vector<16xi32>
        %gather3A_802 = tpu.vector_load_idx %arg6[%add3A_801] : memref<32768xf32, #tpu.memory_space<vmem>>[vector<16xi32>], vector<16xf32>,
        %add3A_803 = arith.constant 0 : i32
        %add3A_804 = vector.broadcast %add3A_803 : i32 to vector<16xi32>
        %add3A_805 = arith.addi %add3A_774, %add3A_804 : vector<16xi32>
        %gather3A_806 = tpu.vector_load_idx %arg6[%add3A_805] : memref<32768xf32, #tpu.memory_space<vmem>>[vector<16xi32>], vector<16xf32>,
        %le3A_807 = arith.cmpf ole, %gather3A_778, %get3A_134 : vector<16xf32>
        %jit3A_808 = arith.constant 128 : i32
        %jit3A_809 = arith.constant 0 : i32
        %broadcast_in_dim3A_810 = vector.broadcast %jit3A_808 : i32 to vector<16xi32>
        %broadcast_in_dim3A_811 = vector.broadcast %jit3A_809 : i32 to vector<16xi32>
        %select_n3A_812 = arith.select %le3A_807, %broadcast_in_dim3A_810, %broadcast_in_dim3A_811 : vector<16xi1>, vector<16xi32>
        %add3A_813 = arith.addi %add3A_725, %select_n3A_812 : vector<16xi32>
        %le3A_814 = arith.cmpf ole, %gather3A_782, %get3A_138 : vector<16xf32>
        %jit3A_815 = arith.constant 128 : i32
        %jit3A_816 = arith.constant 0 : i32
        %broadcast_in_dim3A_817 = vector.broadcast %jit3A_815 : i32 to vector<16xi32>
        %broadcast_in_dim3A_818 = vector.broadcast %jit3A_816 : i32 to vector<16xi32>
        %select_n3A_819 = arith.select %le3A_814, %broadcast_in_dim3A_817, %broadcast_in_dim3A_818 : vector<16xi1>, vector<16xi32>
        %add3A_820 = arith.addi %add3A_732, %select_n3A_819 : vector<16xi32>
        %le3A_821 = arith.cmpf ole, %gather3A_786, %get3A_142 : vector<16xf32>
        %jit3A_822 = arith.constant 128 : i32
        %jit3A_823 = arith.constant 0 : i32
        %broadcast_in_dim3A_824 = vector.broadcast %jit3A_822 : i32 to vector<16xi32>
        %broadcast_in_dim3A_825 = vector.broadcast %jit3A_823 : i32 to vector<16xi32>
        %select_n3A_826 = arith.select %le3A_821, %broadcast_in_dim3A_824, %broadcast_in_dim3A_825 : vector<16xi1>, vector<16xi32>
        %add3A_827 = arith.addi %add3A_739, %select_n3A_826 : vector<16xi32>
        %le3A_828 = arith.cmpf ole, %gather3A_790, %get3A_146 : vector<16xf32>
        %jit3A_829 = arith.constant 128 : i32
        %jit3A_830 = arith.constant 0 : i32
        %broadcast_in_dim3A_831 = vector.broadcast %jit3A_829 : i32 to vector<16xi32>
        %broadcast_in_dim3A_832 = vector.broadcast %jit3A_830 : i32 to vector<16xi32>
        %select_n3A_833 = arith.select %le3A_828, %broadcast_in_dim3A_831, %broadcast_in_dim3A_832 : vector<16xi1>, vector<16xi32>
        %add3A_834 = arith.addi %add3A_746, %select_n3A_833 : vector<16xi32>
        %le3A_835 = arith.cmpf ole, %gather3A_794, %get3A_150 : vector<16xf32>
        %jit3A_836 = arith.constant 128 : i32
        %jit3A_837 = arith.constant 0 : i32
        %broadcast_in_dim3A_838 = vector.broadcast %jit3A_836 : i32 to vector<16xi32>
        %broadcast_in_dim3A_839 = vector.broadcast %jit3A_837 : i32 to vector<16xi32>
        %select_n3A_840 = arith.select %le3A_835, %broadcast_in_dim3A_838, %broadcast_in_dim3A_839 : vector<16xi1>, vector<16xi32>
        %add3A_841 = arith.addi %add3A_753, %select_n3A_840 : vector<16xi32>
        %le3A_842 = arith.cmpf ole, %gather3A_798, %get3A_154 : vector<16xf32>
        %jit3A_843 = arith.constant 128 : i32
        %jit3A_844 = arith.constant 0 : i32
        %broadcast_in_dim3A_845 = vector.broadcast %jit3A_843 : i32 to vector<16xi32>
        %broadcast_in_dim3A_846 = vector.broadcast %jit3A_844 : i32 to vector<16xi32>
        %select_n3A_847 = arith.select %le3A_842, %broadcast_in_dim3A_845, %broadcast_in_dim3A_846 : vector<16xi1>, vector<16xi32>
        %add3A_848 = arith.addi %add3A_760, %select_n3A_847 : vector<16xi32>
        %le3A_849 = arith.cmpf ole, %gather3A_802, %get3A_158 : vector<16xf32>
        %jit3A_850 = arith.constant 128 : i32
        %jit3A_851 = arith.constant 0 : i32
        %broadcast_in_dim3A_852 = vector.broadcast %jit3A_850 : i32 to vector<16xi32>
        %broadcast_in_dim3A_853 = vector.broadcast %jit3A_851 : i32 to vector<16xi32>
        %select_n3A_854 = arith.select %le3A_849, %broadcast_in_dim3A_852, %broadcast_in_dim3A_853 : vector<16xi1>, vector<16xi32>
        %add3A_855 = arith.addi %add3A_767, %select_n3A_854 : vector<16xi32>
        %le3A_856 = arith.cmpf ole, %gather3A_806, %get3A_162 : vector<16xf32>
        %jit3A_857 = arith.constant 128 : i32
        %jit3A_858 = arith.constant 0 : i32
        %broadcast_in_dim3A_859 = vector.broadcast %jit3A_857 : i32 to vector<16xi32>
        %broadcast_in_dim3A_860 = vector.broadcast %jit3A_858 : i32 to vector<16xi32>
        %select_n3A_861 = arith.select %le3A_856, %broadcast_in_dim3A_859, %broadcast_in_dim3A_860 : vector<16xi1>, vector<16xi32>
        %add3A_862 = arith.addi %add3A_774, %select_n3A_861 : vector<16xi32>
        %add3A_863 = arith.constant 128 : i32
        %add3A_864 = vector.broadcast %add3A_863 : i32 to vector<16xi32>
        %add3A_865 = arith.addi %add3A_5, %add3A_864 : vector<16xi32>
        %max3A = arith.maxsi %add3A_813, %add3A_865 : vector<16xi32>
        %add3A_866 = arith.constant 128 : i32
        %add3A_867 = vector.broadcast %add3A_866 : i32 to vector<16xi32>
        %add3A_868 = arith.addi %add3A_8, %add3A_867 : vector<16xi32>
        %max3A_869 = arith.maxsi %add3A_820, %add3A_868 : vector<16xi32>
        %add3A_870 = arith.constant 128 : i32
        %add3A_871 = vector.broadcast %add3A_870 : i32 to vector<16xi32>
        %add3A_872 = arith.addi %add3A_11, %add3A_871 : vector<16xi32>
        %max3A_873 = arith.maxsi %add3A_827, %add3A_872 : vector<16xi32>
        %add3A_874 = arith.constant 128 : i32
        %add3A_875 = vector.broadcast %add3A_874 : i32 to vector<16xi32>
        %add3A_876 = arith.addi %add3A_14, %add3A_875 : vector<16xi32>
        %max3A_877 = arith.maxsi %add3A_834, %add3A_876 : vector<16xi32>
        %add3A_878 = arith.constant 128 : i32
        %add3A_879 = vector.broadcast %add3A_878 : i32 to vector<16xi32>
        %add3A_880 = arith.addi %add3A_17, %add3A_879 : vector<16xi32>
        %max3A_881 = arith.maxsi %add3A_841, %add3A_880 : vector<16xi32>
        %add3A_882 = arith.constant 128 : i32
        %add3A_883 = vector.broadcast %add3A_882 : i32 to vector<16xi32>
        %add3A_884 = arith.addi %add3A_20, %add3A_883 : vector<16xi32>
        %max3A_885 = arith.maxsi %add3A_848, %add3A_884 : vector<16xi32>
        %add3A_886 = arith.constant 128 : i32
        %add3A_887 = vector.broadcast %add3A_886 : i32 to vector<16xi32>
        %add3A_888 = arith.addi %add3A_23, %add3A_887 : vector<16xi32>
        %max3A_889 = arith.maxsi %add3A_855, %add3A_888 : vector<16xi32>
        %add3A_890 = arith.constant 128 : i32
        %add3A_891 = vector.broadcast %add3A_890 : i32 to vector<16xi32>
        %add3A_892 = arith.addi %add3A_26, %add3A_891 : vector<16xi32>
        %max3A_893 = arith.maxsi %add3A_862, %add3A_892 : vector<16xi32>
        %sub3A = arith.constant 128 : i32
        %sub3A_894 = vector.broadcast %sub3A : i32 to vector<16xi32>
        %sub3A_895 = arith.subi %max3A, %sub3A_894 : vector<16xi32>
        %gather3A_896 = tpu.vector_load_idx %arg6[%sub3A_895] : memref<32768xf32, #tpu.memory_space<vmem>>[vector<16xi32>], vector<16xf32>,
        %sub3A_897 = arith.constant 128 : i32
        %sub3A_898 = vector.broadcast %sub3A_897 : i32 to vector<16xi32>
        %sub3A_899 = arith.subi %max3A_869, %sub3A_898 : vector<16xi32>
        %gather3A_900 = tpu.vector_load_idx %arg6[%sub3A_899] : memref<32768xf32, #tpu.memory_space<vmem>>[vector<16xi32>], vector<16xf32>,
        %sub3A_901 = arith.constant 128 : i32
        %sub3A_902 = vector.broadcast %sub3A_901 : i32 to vector<16xi32>
        %sub3A_903 = arith.subi %max3A_873, %sub3A_902 : vector<16xi32>
        %gather3A_904 = tpu.vector_load_idx %arg6[%sub3A_903] : memref<32768xf32, #tpu.memory_space<vmem>>[vector<16xi32>], vector<16xf32>,
        %sub3A_905 = arith.constant 128 : i32
        %sub3A_906 = vector.broadcast %sub3A_905 : i32 to vector<16xi32>
        %sub3A_907 = arith.subi %max3A_877, %sub3A_906 : vector<16xi32>
        %gather3A_908 = tpu.vector_load_idx %arg6[%sub3A_907] : memref<32768xf32, #tpu.memory_space<vmem>>[vector<16xi32>], vector<16xf32>,
        %sub3A_909 = arith.constant 128 : i32
        %sub3A_910 = vector.broadcast %sub3A_909 : i32 to vector<16xi32>
        %sub3A_911 = arith.subi %max3A_881, %sub3A_910 : vector<16xi32>
        %gather3A_912 = tpu.vector_load_idx %arg6[%sub3A_911] : memref<32768xf32, #tpu.memory_space<vmem>>[vector<16xi32>], vector<16xf32>,
        %sub3A_913 = arith.constant 128 : i32
        %sub3A_914 = vector.broadcast %sub3A_913 : i32 to vector<16xi32>
        %sub3A_915 = arith.subi %max3A_885, %sub3A_914 : vector<16xi32>
        %gather3A_916 = tpu.vector_load_idx %arg6[%sub3A_915] : memref<32768xf32, #tpu.memory_space<vmem>>[vector<16xi32>], vector<16xf32>,
        %sub3A_917 = arith.constant 128 : i32
        %sub3A_918 = vector.broadcast %sub3A_917 : i32 to vector<16xi32>
        %sub3A_919 = arith.subi %max3A_889, %sub3A_918 : vector<16xi32>
        %gather3A_920 = tpu.vector_load_idx %arg6[%sub3A_919] : memref<32768xf32, #tpu.memory_space<vmem>>[vector<16xi32>], vector<16xf32>,
        %sub3A_921 = arith.constant 128 : i32
        %sub3A_922 = vector.broadcast %sub3A_921 : i32 to vector<16xi32>
        %sub3A_923 = arith.subi %max3A_893, %sub3A_922 : vector<16xi32>
        %gather3A_924 = tpu.vector_load_idx %arg6[%sub3A_923] : memref<32768xf32, #tpu.memory_space<vmem>>[vector<16xi32>], vector<16xf32>,
        %gather3A_925 = tpu.vector_load_idx %arg6[%max3A] : memref<32768xf32, #tpu.memory_space<vmem>>[vector<16xi32>], vector<16xf32>,
        %gather3A_926 = tpu.vector_load_idx %arg6[%max3A_869] : memref<32768xf32, #tpu.memory_space<vmem>>[vector<16xi32>], vector<16xf32>,
        %gather3A_927 = tpu.vector_load_idx %arg6[%max3A_873] : memref<32768xf32, #tpu.memory_space<vmem>>[vector<16xi32>], vector<16xf32>,
        %gather3A_928 = tpu.vector_load_idx %arg6[%max3A_877] : memref<32768xf32, #tpu.memory_space<vmem>>[vector<16xi32>], vector<16xf32>,
        %gather3A_929 = tpu.vector_load_idx %arg6[%max3A_881] : memref<32768xf32, #tpu.memory_space<vmem>>[vector<16xi32>], vector<16xf32>,
        %gather3A_930 = tpu.vector_load_idx %arg6[%max3A_885] : memref<32768xf32, #tpu.memory_space<vmem>>[vector<16xi32>], vector<16xf32>,
        %gather3A_931 = tpu.vector_load_idx %arg6[%max3A_889] : memref<32768xf32, #tpu.memory_space<vmem>>[vector<16xi32>], vector<16xf32>,
        %gather3A_932 = tpu.vector_load_idx %arg6[%max3A_893] : memref<32768xf32, #tpu.memory_space<vmem>>[vector<16xi32>], vector<16xf32>,
        %sub3A_933 = arith.subi %max3A, %add3A_5 : vector<16xi32>
        %shift_right_logical3A = arith.constant 7 : i32
        %shift_right_logical3A_934 = vector.broadcast %shift_right_logical3A : i32 to vector<16xi32>
        %shift_right_logical3A_935 = arith.shrui %sub3A_933, %shift_right_logical3A_934 : vector<16xi32>
        %sub3A_936 = arith.constant 1 : i32
        %sub3A_937 = vector.broadcast %sub3A_936 : i32 to vector<16xi32>
        %sub3A_938 = arith.subi %shift_right_logical3A_935, %sub3A_937 : vector<16xi32>
        %convert_element_type3A_939 = arith.sitofp %sub3A_938 : vector<16xi32> to vector<16xf32>
        %mul3A_940 = vector.broadcast %scan3A_65 : f32 to vector<16xf32>
        %mul3A_941 = arith.mulf %convert_element_type3A_939, %mul3A_940 : vector<16xf32>
        %sub3A_942 = arith.subf %gather3A_925, %gather3A_896 : vector<16xf32>
        %sub3A_943 = arith.subf %get3A_134, %gather3A_896 : vector<16xf32>
        %eq3A = arith.constant 0.000000e+00 : f32
        %eq3A_944 = vector.broadcast %eq3A : f32 to vector<16xf32>
        %eq3A_945 = arith.cmpf oeq, %sub3A_942, %eq3A_944 : vector<16xf32>
        %jit3A_946 = arith.constant 1.000000e+00 : f32
        %broadcast_in_dim3A_947 = vector.broadcast %jit3A_946 : f32 to vector<16xf32>
        %select_n3A_948 = arith.select %eq3A_945, %broadcast_in_dim3A_947, %sub3A_942 : vector<16xi1>, vector<16xf32>
        %div3A = arith.divf %sub3A_943, %select_n3A_948 : vector<16xf32>
        %mul3A_949 = vector.broadcast %scan3A_65 : f32 to vector<16xf32>
        %mul3A_950 = arith.mulf %div3A, %mul3A_949 : vector<16xf32>
        %add3A_951 = arith.addf %mul3A_941, %mul3A_950 : vector<16xf32>
        %select_n3A_952 = arith.select %eq3A_945, %mul3A_941, %add3A_951 : vector<16xi1>, vector<16xf32>
        %gt3A_953 = arith.cmpf ogt, %get3A_134, %gather3A : vector<16xf32>
        %jit3A_954 = arith.constant 1.000000e+00 : f32
        %broadcast_in_dim3A_955 = vector.broadcast %jit3A_954 : f32 to vector<16xf32>
        %select_n3A_956 = arith.select %gt3A_953, %broadcast_in_dim3A_955, %select_n3A_952 : vector<16xi1>, vector<16xf32>
        %jit3A_957 = arith.constant 0.000000e+00 : f32
        %jit3A_958 = arith.constant 1.000000e+00 : f32
        %max3A_959 = vector.broadcast %jit3A_957 : f32 to vector<16xf32>
        %max3A_960 = arith.maximumf %max3A_959, %select_n3A_956 : vector<16xf32>
        %min3A = vector.broadcast %jit3A_958 : f32 to vector<16xf32>
        %min3A_961 = arith.minimumf %min3A, %max3A_960 : vector<16xf32>
        %mul3A_962 = arith.constant 2.550000e+02 : f32
        %mul3A_963 = vector.broadcast %mul3A_962 : f32 to vector<16xf32>
        %mul3A_964 = arith.mulf %min3A_961, %mul3A_963 : vector<16xf32>
        %convert_element_type3A_965 = arith.fptosi %mul3A_964 : vector<16xf32> to vector<16xi32>
        %min3A_966 = arith.constant 254 : i32
        %min3A_967 = vector.broadcast %min3A_966 : i32 to vector<16xi32>
        %min3A_968 = arith.minsi %convert_element_type3A_965, %min3A_967 : vector<16xi32>
        %sub3A_969 = arith.subi %max3A_869, %add3A_8 : vector<16xi32>
        %shift_right_logical3A_970 = arith.constant 7 : i32
        %shift_right_logical3A_971 = vector.broadcast %shift_right_logical3A_970 : i32 to vector<16xi32>
        %shift_right_logical3A_972 = arith.shrui %sub3A_969, %shift_right_logical3A_971 : vector<16xi32>
        %sub3A_973 = arith.constant 1 : i32
        %sub3A_974 = vector.broadcast %sub3A_973 : i32 to vector<16xi32>
        %sub3A_975 = arith.subi %shift_right_logical3A_972, %sub3A_974 : vector<16xi32>
        %convert_element_type3A_976 = arith.sitofp %sub3A_975 : vector<16xi32> to vector<16xf32>
        %mul3A_977 = vector.broadcast %scan3A_65 : f32 to vector<16xf32>
        %mul3A_978 = arith.mulf %convert_element_type3A_976, %mul3A_977 : vector<16xf32>
        %sub3A_979 = arith.subf %gather3A_926, %gather3A_900 : vector<16xf32>
        %sub3A_980 = arith.subf %get3A_138, %gather3A_900 : vector<16xf32>
        %eq3A_981 = arith.constant 0.000000e+00 : f32
        %eq3A_982 = vector.broadcast %eq3A_981 : f32 to vector<16xf32>
        %eq3A_983 = arith.cmpf oeq, %sub3A_979, %eq3A_982 : vector<16xf32>
        %jit3A_984 = arith.constant 1.000000e+00 : f32
        %broadcast_in_dim3A_985 = vector.broadcast %jit3A_984 : f32 to vector<16xf32>
        %select_n3A_986 = arith.select %eq3A_983, %broadcast_in_dim3A_985, %sub3A_979 : vector<16xi1>, vector<16xf32>
        %div3A_987 = arith.divf %sub3A_980, %select_n3A_986 : vector<16xf32>
        %mul3A_988 = vector.broadcast %scan3A_65 : f32 to vector<16xf32>
        %mul3A_989 = arith.mulf %div3A_987, %mul3A_988 : vector<16xf32>
        %add3A_990 = arith.addf %mul3A_978, %mul3A_989 : vector<16xf32>
        %select_n3A_991 = arith.select %eq3A_983, %mul3A_978, %add3A_990 : vector<16xi1>, vector<16xf32>
        %gt3A_992 = arith.cmpf ogt, %get3A_138, %gather3A_33 : vector<16xf32>
        %jit3A_993 = arith.constant 1.000000e+00 : f32
        %broadcast_in_dim3A_994 = vector.broadcast %jit3A_993 : f32 to vector<16xf32>
        %select_n3A_995 = arith.select %gt3A_992, %broadcast_in_dim3A_994, %select_n3A_991 : vector<16xi1>, vector<16xf32>
        %jit3A_996 = arith.constant 0.000000e+00 : f32
        %jit3A_997 = arith.constant 1.000000e+00 : f32
        %max3A_998 = vector.broadcast %jit3A_996 : f32 to vector<16xf32>
        %max3A_999 = arith.maximumf %max3A_998, %select_n3A_995 : vector<16xf32>
        %min3A_1000 = vector.broadcast %jit3A_997 : f32 to vector<16xf32>
        %min3A_1001 = arith.minimumf %min3A_1000, %max3A_999 : vector<16xf32>
        %mul3A_1002 = arith.constant 2.550000e+02 : f32
        %mul3A_1003 = vector.broadcast %mul3A_1002 : f32 to vector<16xf32>
        %mul3A_1004 = arith.mulf %min3A_1001, %mul3A_1003 : vector<16xf32>
        %convert_element_type3A_1005 = arith.fptosi %mul3A_1004 : vector<16xf32> to vector<16xi32>
        %min3A_1006 = arith.constant 254 : i32
        %min3A_1007 = vector.broadcast %min3A_1006 : i32 to vector<16xi32>
        %min3A_1008 = arith.minsi %convert_element_type3A_1005, %min3A_1007 : vector<16xi32>
        %sub3A_1009 = arith.subi %max3A_873, %add3A_11 : vector<16xi32>
        %shift_right_logical3A_1010 = arith.constant 7 : i32
        %shift_right_logical3A_1011 = vector.broadcast %shift_right_logical3A_1010 : i32 to vector<16xi32>
        %shift_right_logical3A_1012 = arith.shrui %sub3A_1009, %shift_right_logical3A_1011 : vector<16xi32>
        %sub3A_1013 = arith.constant 1 : i32
        %sub3A_1014 = vector.broadcast %sub3A_1013 : i32 to vector<16xi32>
        %sub3A_1015 = arith.subi %shift_right_logical3A_1012, %sub3A_1014 : vector<16xi32>
        %convert_element_type3A_1016 = arith.sitofp %sub3A_1015 : vector<16xi32> to vector<16xf32>
        %mul3A_1017 = vector.broadcast %scan3A_65 : f32 to vector<16xf32>
        %mul3A_1018 = arith.mulf %convert_element_type3A_1016, %mul3A_1017 : vector<16xf32>
        %sub3A_1019 = arith.subf %gather3A_927, %gather3A_904 : vector<16xf32>
        %sub3A_1020 = arith.subf %get3A_142, %gather3A_904 : vector<16xf32>
        %eq3A_1021 = arith.constant 0.000000e+00 : f32
        %eq3A_1022 = vector.broadcast %eq3A_1021 : f32 to vector<16xf32>
        %eq3A_1023 = arith.cmpf oeq, %sub3A_1019, %eq3A_1022 : vector<16xf32>
        %jit3A_1024 = arith.constant 1.000000e+00 : f32
        %broadcast_in_dim3A_1025 = vector.broadcast %jit3A_1024 : f32 to vector<16xf32>
        %select_n3A_1026 = arith.select %eq3A_1023, %broadcast_in_dim3A_1025, %sub3A_1019 : vector<16xi1>, vector<16xf32>
        %div3A_1027 = arith.divf %sub3A_1020, %select_n3A_1026 : vector<16xf32>
        %mul3A_1028 = vector.broadcast %scan3A_65 : f32 to vector<16xf32>
        %mul3A_1029 = arith.mulf %div3A_1027, %mul3A_1028 : vector<16xf32>
        %add3A_1030 = arith.addf %mul3A_1018, %mul3A_1029 : vector<16xf32>
        %select_n3A_1031 = arith.select %eq3A_1023, %mul3A_1018, %add3A_1030 : vector<16xi1>, vector<16xf32>
        %gt3A_1032 = arith.cmpf ogt, %get3A_142, %gather3A_37 : vector<16xf32>
        %jit3A_1033 = arith.constant 1.000000e+00 : f32
        %broadcast_in_dim3A_1034 = vector.broadcast %jit3A_1033 : f32 to vector<16xf32>
        %select_n3A_1035 = arith.select %gt3A_1032, %broadcast_in_dim3A_1034, %select_n3A_1031 : vector<16xi1>, vector<16xf32>
        %jit3A_1036 = arith.constant 0.000000e+00 : f32
        %jit3A_1037 = arith.constant 1.000000e+00 : f32
        %max3A_1038 = vector.broadcast %jit3A_1036 : f32 to vector<16xf32>
        %max3A_1039 = arith.maximumf %max3A_1038, %select_n3A_1035 : vector<16xf32>
        %min3A_1040 = vector.broadcast %jit3A_1037 : f32 to vector<16xf32>
        %min3A_1041 = arith.minimumf %min3A_1040, %max3A_1039 : vector<16xf32>
        %mul3A_1042 = arith.constant 2.550000e+02 : f32
        %mul3A_1043 = vector.broadcast %mul3A_1042 : f32 to vector<16xf32>
        %mul3A_1044 = arith.mulf %min3A_1041, %mul3A_1043 : vector<16xf32>
        %convert_element_type3A_1045 = arith.fptosi %mul3A_1044 : vector<16xf32> to vector<16xi32>
        %min3A_1046 = arith.constant 254 : i32
        %min3A_1047 = vector.broadcast %min3A_1046 : i32 to vector<16xi32>
        %min3A_1048 = arith.minsi %convert_element_type3A_1045, %min3A_1047 : vector<16xi32>
        %sub3A_1049 = arith.subi %max3A_877, %add3A_14 : vector<16xi32>
        %shift_right_logical3A_1050 = arith.constant 7 : i32
        %shift_right_logical3A_1051 = vector.broadcast %shift_right_logical3A_1050 : i32 to vector<16xi32>
        %shift_right_logical3A_1052 = arith.shrui %sub3A_1049, %shift_right_logical3A_1051 : vector<16xi32>
        %sub3A_1053 = arith.constant 1 : i32
        %sub3A_1054 = vector.broadcast %sub3A_1053 : i32 to vector<16xi32>
        %sub3A_1055 = arith.subi %shift_right_logical3A_1052, %sub3A_1054 : vector<16xi32>
        %convert_element_type3A_1056 = arith.sitofp %sub3A_1055 : vector<16xi32> to vector<16xf32>
        %mul3A_1057 = vector.broadcast %scan3A_65 : f32 to vector<16xf32>
        %mul3A_1058 = arith.mulf %convert_element_type3A_1056, %mul3A_1057 : vector<16xf32>
        %sub3A_1059 = arith.subf %gather3A_928, %gather3A_908 : vector<16xf32>
        %sub3A_1060 = arith.subf %get3A_146, %gather3A_908 : vector<16xf32>
        %eq3A_1061 = arith.constant 0.000000e+00 : f32
        %eq3A_1062 = vector.broadcast %eq3A_1061 : f32 to vector<16xf32>
        %eq3A_1063 = arith.cmpf oeq, %sub3A_1059, %eq3A_1062 : vector<16xf32>
        %jit3A_1064 = arith.constant 1.000000e+00 : f32
        %broadcast_in_dim3A_1065 = vector.broadcast %jit3A_1064 : f32 to vector<16xf32>
        %select_n3A_1066 = arith.select %eq3A_1063, %broadcast_in_dim3A_1065, %sub3A_1059 : vector<16xi1>, vector<16xf32>
        %div3A_1067 = arith.divf %sub3A_1060, %select_n3A_1066 : vector<16xf32>
        %mul3A_1068 = vector.broadcast %scan3A_65 : f32 to vector<16xf32>
        %mul3A_1069 = arith.mulf %div3A_1067, %mul3A_1068 : vector<16xf32>
        %add3A_1070 = arith.addf %mul3A_1058, %mul3A_1069 : vector<16xf32>
        %select_n3A_1071 = arith.select %eq3A_1063, %mul3A_1058, %add3A_1070 : vector<16xi1>, vector<16xf32>
        %gt3A_1072 = arith.cmpf ogt, %get3A_146, %gather3A_41 : vector<16xf32>
        %jit3A_1073 = arith.constant 1.000000e+00 : f32
        %broadcast_in_dim3A_1074 = vector.broadcast %jit3A_1073 : f32 to vector<16xf32>
        %select_n3A_1075 = arith.select %gt3A_1072, %broadcast_in_dim3A_1074, %select_n3A_1071 : vector<16xi1>, vector<16xf32>
        %jit3A_1076 = arith.constant 0.000000e+00 : f32
        %jit3A_1077 = arith.constant 1.000000e+00 : f32
        %max3A_1078 = vector.broadcast %jit3A_1076 : f32 to vector<16xf32>
        %max3A_1079 = arith.maximumf %max3A_1078, %select_n3A_1075 : vector<16xf32>
        %min3A_1080 = vector.broadcast %jit3A_1077 : f32 to vector<16xf32>
        %min3A_1081 = arith.minimumf %min3A_1080, %max3A_1079 : vector<16xf32>
        %mul3A_1082 = arith.constant 2.550000e+02 : f32
        %mul3A_1083 = vector.broadcast %mul3A_1082 : f32 to vector<16xf32>
        %mul3A_1084 = arith.mulf %min3A_1081, %mul3A_1083 : vector<16xf32>
        %convert_element_type3A_1085 = arith.fptosi %mul3A_1084 : vector<16xf32> to vector<16xi32>
        %min3A_1086 = arith.constant 254 : i32
        %min3A_1087 = vector.broadcast %min3A_1086 : i32 to vector<16xi32>
        %min3A_1088 = arith.minsi %convert_element_type3A_1085, %min3A_1087 : vector<16xi32>
        %sub3A_1089 = arith.subi %max3A_881, %add3A_17 : vector<16xi32>
        %shift_right_logical3A_1090 = arith.constant 7 : i32
        %shift_right_logical3A_1091 = vector.broadcast %shift_right_logical3A_1090 : i32 to vector<16xi32>
        %shift_right_logical3A_1092 = arith.shrui %sub3A_1089, %shift_right_logical3A_1091 : vector<16xi32>
        %sub3A_1093 = arith.constant 1 : i32
        %sub3A_1094 = vector.broadcast %sub3A_1093 : i32 to vector<16xi32>
        %sub3A_1095 = arith.subi %shift_right_logical3A_1092, %sub3A_1094 : vector<16xi32>
        %convert_element_type3A_1096 = arith.sitofp %sub3A_1095 : vector<16xi32> to vector<16xf32>
        %mul3A_1097 = vector.broadcast %scan3A_65 : f32 to vector<16xf32>
        %mul3A_1098 = arith.mulf %convert_element_type3A_1096, %mul3A_1097 : vector<16xf32>
        %sub3A_1099 = arith.subf %gather3A_929, %gather3A_912 : vector<16xf32>
        %sub3A_1100 = arith.subf %get3A_150, %gather3A_912 : vector<16xf32>
        %eq3A_1101 = arith.constant 0.000000e+00 : f32
        %eq3A_1102 = vector.broadcast %eq3A_1101 : f32 to vector<16xf32>
        %eq3A_1103 = arith.cmpf oeq, %sub3A_1099, %eq3A_1102 : vector<16xf32>
        %jit3A_1104 = arith.constant 1.000000e+00 : f32
        %broadcast_in_dim3A_1105 = vector.broadcast %jit3A_1104 : f32 to vector<16xf32>
        %select_n3A_1106 = arith.select %eq3A_1103, %broadcast_in_dim3A_1105, %sub3A_1099 : vector<16xi1>, vector<16xf32>
        %div3A_1107 = arith.divf %sub3A_1100, %select_n3A_1106 : vector<16xf32>
        %mul3A_1108 = vector.broadcast %scan3A_65 : f32 to vector<16xf32>
        %mul3A_1109 = arith.mulf %div3A_1107, %mul3A_1108 : vector<16xf32>
        %add3A_1110 = arith.addf %mul3A_1098, %mul3A_1109 : vector<16xf32>
        %select_n3A_1111 = arith.select %eq3A_1103, %mul3A_1098, %add3A_1110 : vector<16xi1>, vector<16xf32>
        %gt3A_1112 = arith.cmpf ogt, %get3A_150, %gather3A_45 : vector<16xf32>
        %jit3A_1113 = arith.constant 1.000000e+00 : f32
        %broadcast_in_dim3A_1114 = vector.broadcast %jit3A_1113 : f32 to vector<16xf32>
        %select_n3A_1115 = arith.select %gt3A_1112, %broadcast_in_dim3A_1114, %select_n3A_1111 : vector<16xi1>, vector<16xf32>
        %jit3A_1116 = arith.constant 0.000000e+00 : f32
        %jit3A_1117 = arith.constant 1.000000e+00 : f32
        %max3A_1118 = vector.broadcast %jit3A_1116 : f32 to vector<16xf32>
        %max3A_1119 = arith.maximumf %max3A_1118, %select_n3A_1115 : vector<16xf32>
        %min3A_1120 = vector.broadcast %jit3A_1117 : f32 to vector<16xf32>
        %min3A_1121 = arith.minimumf %min3A_1120, %max3A_1119 : vector<16xf32>
        %mul3A_1122 = arith.constant 2.550000e+02 : f32
        %mul3A_1123 = vector.broadcast %mul3A_1122 : f32 to vector<16xf32>
        %mul3A_1124 = arith.mulf %min3A_1121, %mul3A_1123 : vector<16xf32>
        %convert_element_type3A_1125 = arith.fptosi %mul3A_1124 : vector<16xf32> to vector<16xi32>
        %min3A_1126 = arith.constant 254 : i32
        %min3A_1127 = vector.broadcast %min3A_1126 : i32 to vector<16xi32>
        %min3A_1128 = arith.minsi %convert_element_type3A_1125, %min3A_1127 : vector<16xi32>
        %sub3A_1129 = arith.subi %max3A_885, %add3A_20 : vector<16xi32>
        %shift_right_logical3A_1130 = arith.constant 7 : i32
        %shift_right_logical3A_1131 = vector.broadcast %shift_right_logical3A_1130 : i32 to vector<16xi32>
        %shift_right_logical3A_1132 = arith.shrui %sub3A_1129, %shift_right_logical3A_1131 : vector<16xi32>
        %sub3A_1133 = arith.constant 1 : i32
        %sub3A_1134 = vector.broadcast %sub3A_1133 : i32 to vector<16xi32>
        %sub3A_1135 = arith.subi %shift_right_logical3A_1132, %sub3A_1134 : vector<16xi32>
        %convert_element_type3A_1136 = arith.sitofp %sub3A_1135 : vector<16xi32> to vector<16xf32>
        %mul3A_1137 = vector.broadcast %scan3A_65 : f32 to vector<16xf32>
        %mul3A_1138 = arith.mulf %convert_element_type3A_1136, %mul3A_1137 : vector<16xf32>
        %sub3A_1139 = arith.subf %gather3A_930, %gather3A_916 : vector<16xf32>
        %sub3A_1140 = arith.subf %get3A_154, %gather3A_916 : vector<16xf32>
        %eq3A_1141 = arith.constant 0.000000e+00 : f32
        %eq3A_1142 = vector.broadcast %eq3A_1141 : f32 to vector<16xf32>
        %eq3A_1143 = arith.cmpf oeq, %sub3A_1139, %eq3A_1142 : vector<16xf32>
        %jit3A_1144 = arith.constant 1.000000e+00 : f32
        %broadcast_in_dim3A_1145 = vector.broadcast %jit3A_1144 : f32 to vector<16xf32>
        %select_n3A_1146 = arith.select %eq3A_1143, %broadcast_in_dim3A_1145, %sub3A_1139 : vector<16xi1>, vector<16xf32>
        %div3A_1147 = arith.divf %sub3A_1140, %select_n3A_1146 : vector<16xf32>
        %mul3A_1148 = vector.broadcast %scan3A_65 : f32 to vector<16xf32>
        %mul3A_1149 = arith.mulf %div3A_1147, %mul3A_1148 : vector<16xf32>
        %add3A_1150 = arith.addf %mul3A_1138, %mul3A_1149 : vector<16xf32>
        %select_n3A_1151 = arith.select %eq3A_1143, %mul3A_1138, %add3A_1150 : vector<16xi1>, vector<16xf32>
        %gt3A_1152 = arith.cmpf ogt, %get3A_154, %gather3A_49 : vector<16xf32>
        %jit3A_1153 = arith.constant 1.000000e+00 : f32
        %broadcast_in_dim3A_1154 = vector.broadcast %jit3A_1153 : f32 to vector<16xf32>
        %select_n3A_1155 = arith.select %gt3A_1152, %broadcast_in_dim3A_1154, %select_n3A_1151 : vector<16xi1>, vector<16xf32>
        %jit3A_1156 = arith.constant 0.000000e+00 : f32
        %jit3A_1157 = arith.constant 1.000000e+00 : f32
        %max3A_1158 = vector.broadcast %jit3A_1156 : f32 to vector<16xf32>
        %max3A_1159 = arith.maximumf %max3A_1158, %select_n3A_1155 : vector<16xf32>
        %min3A_1160 = vector.broadcast %jit3A_1157 : f32 to vector<16xf32>
        %min3A_1161 = arith.minimumf %min3A_1160, %max3A_1159 : vector<16xf32>
        %mul3A_1162 = arith.constant 2.550000e+02 : f32
        %mul3A_1163 = vector.broadcast %mul3A_1162 : f32 to vector<16xf32>
        %mul3A_1164 = arith.mulf %min3A_1161, %mul3A_1163 : vector<16xf32>
        %convert_element_type3A_1165 = arith.fptosi %mul3A_1164 : vector<16xf32> to vector<16xi32>
        %min3A_1166 = arith.constant 254 : i32
        %min3A_1167 = vector.broadcast %min3A_1166 : i32 to vector<16xi32>
        %min3A_1168 = arith.minsi %convert_element_type3A_1165, %min3A_1167 : vector<16xi32>
        %sub3A_1169 = arith.subi %max3A_889, %add3A_23 : vector<16xi32>
        %shift_right_logical3A_1170 = arith.constant 7 : i32
        %shift_right_logical3A_1171 = vector.broadcast %shift_right_logical3A_1170 : i32 to vector<16xi32>
        %shift_right_logical3A_1172 = arith.shrui %sub3A_1169, %shift_right_logical3A_1171 : vector<16xi32>
        %sub3A_1173 = arith.constant 1 : i32
        %sub3A_1174 = vector.broadcast %sub3A_1173 : i32 to vector<16xi32>
        %sub3A_1175 = arith.subi %shift_right_logical3A_1172, %sub3A_1174 : vector<16xi32>
        %convert_element_type3A_1176 = arith.sitofp %sub3A_1175 : vector<16xi32> to vector<16xf32>
        %mul3A_1177 = vector.broadcast %scan3A_65 : f32 to vector<16xf32>
        %mul3A_1178 = arith.mulf %convert_element_type3A_1176, %mul3A_1177 : vector<16xf32>
        %sub3A_1179 = arith.subf %gather3A_931, %gather3A_920 : vector<16xf32>
        %sub3A_1180 = arith.subf %get3A_158, %gather3A_920 : vector<16xf32>
        %eq3A_1181 = arith.constant 0.000000e+00 : f32
        %eq3A_1182 = vector.broadcast %eq3A_1181 : f32 to vector<16xf32>
        %eq3A_1183 = arith.cmpf oeq, %sub3A_1179, %eq3A_1182 : vector<16xf32>
        %jit3A_1184 = arith.constant 1.000000e+00 : f32
        %broadcast_in_dim3A_1185 = vector.broadcast %jit3A_1184 : f32 to vector<16xf32>
        %select_n3A_1186 = arith.select %eq3A_1183, %broadcast_in_dim3A_1185, %sub3A_1179 : vector<16xi1>, vector<16xf32>
        %div3A_1187 = arith.divf %sub3A_1180, %select_n3A_1186 : vector<16xf32>
        %mul3A_1188 = vector.broadcast %scan3A_65 : f32 to vector<16xf32>
        %mul3A_1189 = arith.mulf %div3A_1187, %mul3A_1188 : vector<16xf32>
        %add3A_1190 = arith.addf %mul3A_1178, %mul3A_1189 : vector<16xf32>
        %select_n3A_1191 = arith.select %eq3A_1183, %mul3A_1178, %add3A_1190 : vector<16xi1>, vector<16xf32>
        %gt3A_1192 = arith.cmpf ogt, %get3A_158, %gather3A_53 : vector<16xf32>
        %jit3A_1193 = arith.constant 1.000000e+00 : f32
        %broadcast_in_dim3A_1194 = vector.broadcast %jit3A_1193 : f32 to vector<16xf32>
        %select_n3A_1195 = arith.select %gt3A_1192, %broadcast_in_dim3A_1194, %select_n3A_1191 : vector<16xi1>, vector<16xf32>
        %jit3A_1196 = arith.constant 0.000000e+00 : f32
        %jit3A_1197 = arith.constant 1.000000e+00 : f32
        %max3A_1198 = vector.broadcast %jit3A_1196 : f32 to vector<16xf32>
        %max3A_1199 = arith.maximumf %max3A_1198, %select_n3A_1195 : vector<16xf32>
        %min3A_1200 = vector.broadcast %jit3A_1197 : f32 to vector<16xf32>
        %min3A_1201 = arith.minimumf %min3A_1200, %max3A_1199 : vector<16xf32>
        %mul3A_1202 = arith.constant 2.550000e+02 : f32
        %mul3A_1203 = vector.broadcast %mul3A_1202 : f32 to vector<16xf32>
        %mul3A_1204 = arith.mulf %min3A_1201, %mul3A_1203 : vector<16xf32>
        %convert_element_type3A_1205 = arith.fptosi %mul3A_1204 : vector<16xf32> to vector<16xi32>
        %min3A_1206 = arith.constant 254 : i32
        %min3A_1207 = vector.broadcast %min3A_1206 : i32 to vector<16xi32>
        %min3A_1208 = arith.minsi %convert_element_type3A_1205, %min3A_1207 : vector<16xi32>
        %sub3A_1209 = arith.subi %max3A_893, %add3A_26 : vector<16xi32>
        %shift_right_logical3A_1210 = arith.constant 7 : i32
        %shift_right_logical3A_1211 = vector.broadcast %shift_right_logical3A_1210 : i32 to vector<16xi32>
        %shift_right_logical3A_1212 = arith.shrui %sub3A_1209, %shift_right_logical3A_1211 : vector<16xi32>
        %sub3A_1213 = arith.constant 1 : i32
        %sub3A_1214 = vector.broadcast %sub3A_1213 : i32 to vector<16xi32>
        %sub3A_1215 = arith.subi %shift_right_logical3A_1212, %sub3A_1214 : vector<16xi32>
        %convert_element_type3A_1216 = arith.sitofp %sub3A_1215 : vector<16xi32> to vector<16xf32>
        %mul3A_1217 = vector.broadcast %scan3A_65 : f32 to vector<16xf32>
        %mul3A_1218 = arith.mulf %convert_element_type3A_1216, %mul3A_1217 : vector<16xf32>
        %sub3A_1219 = arith.subf %gather3A_932, %gather3A_924 : vector<16xf32>
        %sub3A_1220 = arith.subf %get3A_162, %gather3A_924 : vector<16xf32>
        %eq3A_1221 = arith.constant 0.000000e+00 : f32
        %eq3A_1222 = vector.broadcast %eq3A_1221 : f32 to vector<16xf32>
        %eq3A_1223 = arith.cmpf oeq, %sub3A_1219, %eq3A_1222 : vector<16xf32>
        %jit3A_1224 = arith.constant 1.000000e+00 : f32
        %broadcast_in_dim3A_1225 = vector.broadcast %jit3A_1224 : f32 to vector<16xf32>
        %select_n3A_1226 = arith.select %eq3A_1223, %broadcast_in_dim3A_1225, %sub3A_1219 : vector<16xi1>, vector<16xf32>
        %div3A_1227 = arith.divf %sub3A_1220, %select_n3A_1226 : vector<16xf32>
        %mul3A_1228 = vector.broadcast %scan3A_65 : f32 to vector<16xf32>
        %mul3A_1229 = arith.mulf %div3A_1227, %mul3A_1228 : vector<16xf32>
        %add3A_1230 = arith.addf %mul3A_1218, %mul3A_1229 : vector<16xf32>
        %select_n3A_1231 = arith.select %eq3A_1223, %mul3A_1218, %add3A_1230 : vector<16xi1>, vector<16xf32>
        %gt3A_1232 = arith.cmpf ogt, %get3A_162, %gather3A_57 : vector<16xf32>
        %jit3A_1233 = arith.constant 1.000000e+00 : f32
        %broadcast_in_dim3A_1234 = vector.broadcast %jit3A_1233 : f32 to vector<16xf32>
        %select_n3A_1235 = arith.select %gt3A_1232, %broadcast_in_dim3A_1234, %select_n3A_1231 : vector<16xi1>, vector<16xf32>
        %jit3A_1236 = arith.constant 0.000000e+00 : f32
        %jit3A_1237 = arith.constant 1.000000e+00 : f32
        %max3A_1238 = vector.broadcast %jit3A_1236 : f32 to vector<16xf32>
        %max3A_1239 = arith.maximumf %max3A_1238, %select_n3A_1235 : vector<16xf32>
        %min3A_1240 = vector.broadcast %jit3A_1237 : f32 to vector<16xf32>
        %min3A_1241 = arith.minimumf %min3A_1240, %max3A_1239 : vector<16xf32>
        %mul3A_1242 = arith.constant 2.550000e+02 : f32
        %mul3A_1243 = vector.broadcast %mul3A_1242 : f32 to vector<16xf32>
        %mul3A_1244 = arith.mulf %min3A_1241, %mul3A_1243 : vector<16xf32>
        %convert_element_type3A_1245 = arith.fptosi %mul3A_1244 : vector<16xf32> to vector<16xi32>
        %min3A_1246 = arith.constant 254 : i32
        %min3A_1247 = vector.broadcast %min3A_1246 : i32 to vector<16xi32>
        %min3A_1248 = arith.minsi %convert_element_type3A_1245, %min3A_1247 : vector<16xi32>
        %gather3A_1249 = tpu.vector_load_idx %arg7[%min3A_968] : memref<256xf32, #tpu.memory_space<vmem>>[vector<16xi32>], vector<16xf32>,
        %gather3A_1250 = tpu.vector_load_idx %arg7[%min3A_1008] : memref<256xf32, #tpu.memory_space<vmem>>[vector<16xi32>], vector<16xf32>,
        %gather3A_1251 = tpu.vector_load_idx %arg7[%min3A_1048] : memref<256xf32, #tpu.memory_space<vmem>>[vector<16xi32>], vector<16xf32>,
        %gather3A_1252 = tpu.vector_load_idx %arg7[%min3A_1088] : memref<256xf32, #tpu.memory_space<vmem>>[vector<16xi32>], vector<16xf32>,
        %gather3A_1253 = tpu.vector_load_idx %arg7[%min3A_1128] : memref<256xf32, #tpu.memory_space<vmem>>[vector<16xi32>], vector<16xf32>,
        %gather3A_1254 = tpu.vector_load_idx %arg7[%min3A_1168] : memref<256xf32, #tpu.memory_space<vmem>>[vector<16xi32>], vector<16xf32>,
        %gather3A_1255 = tpu.vector_load_idx %arg7[%min3A_1208] : memref<256xf32, #tpu.memory_space<vmem>>[vector<16xi32>], vector<16xf32>,
        %gather3A_1256 = tpu.vector_load_idx %arg7[%min3A_1248] : memref<256xf32, #tpu.memory_space<vmem>>[vector<16xi32>], vector<16xf32>,
        %add3A_1257 = arith.constant 1 : i32
        %add3A_1258 = vector.broadcast %add3A_1257 : i32 to vector<16xi32>
        %add3A_1259 = arith.addi %min3A_968, %add3A_1258 : vector<16xi32>
        %gather3A_1260 = tpu.vector_load_idx %arg7[%add3A_1259] : memref<256xf32, #tpu.memory_space<vmem>>[vector<16xi32>], vector<16xf32>,
        %add3A_1261 = arith.constant 1 : i32
        %add3A_1262 = vector.broadcast %add3A_1261 : i32 to vector<16xi32>
        %add3A_1263 = arith.addi %min3A_1008, %add3A_1262 : vector<16xi32>
        %gather3A_1264 = tpu.vector_load_idx %arg7[%add3A_1263] : memref<256xf32, #tpu.memory_space<vmem>>[vector<16xi32>], vector<16xf32>,
        %add3A_1265 = arith.constant 1 : i32
        %add3A_1266 = vector.broadcast %add3A_1265 : i32 to vector<16xi32>
        %add3A_1267 = arith.addi %min3A_1048, %add3A_1266 : vector<16xi32>
        %gather3A_1268 = tpu.vector_load_idx %arg7[%add3A_1267] : memref<256xf32, #tpu.memory_space<vmem>>[vector<16xi32>], vector<16xf32>,
        %add3A_1269 = arith.constant 1 : i32
        %add3A_1270 = vector.broadcast %add3A_1269 : i32 to vector<16xi32>
        %add3A_1271 = arith.addi %min3A_1088, %add3A_1270 : vector<16xi32>
        %gather3A_1272 = tpu.vector_load_idx %arg7[%add3A_1271] : memref<256xf32, #tpu.memory_space<vmem>>[vector<16xi32>], vector<16xf32>,
        %add3A_1273 = arith.constant 1 : i32
        %add3A_1274 = vector.broadcast %add3A_1273 : i32 to vector<16xi32>
        %add3A_1275 = arith.addi %min3A_1128, %add3A_1274 : vector<16xi32>
        %gather3A_1276 = tpu.vector_load_idx %arg7[%add3A_1275] : memref<256xf32, #tpu.memory_space<vmem>>[vector<16xi32>], vector<16xf32>,
        %add3A_1277 = arith.constant 1 : i32
        %add3A_1278 = vector.broadcast %add3A_1277 : i32 to vector<16xi32>
        %add3A_1279 = arith.addi %min3A_1168, %add3A_1278 : vector<16xi32>
        %gather3A_1280 = tpu.vector_load_idx %arg7[%add3A_1279] : memref<256xf32, #tpu.memory_space<vmem>>[vector<16xi32>], vector<16xf32>,
        %add3A_1281 = arith.constant 1 : i32
        %add3A_1282 = vector.broadcast %add3A_1281 : i32 to vector<16xi32>
        %add3A_1283 = arith.addi %min3A_1208, %add3A_1282 : vector<16xi32>
        %gather3A_1284 = tpu.vector_load_idx %arg7[%add3A_1283] : memref<256xf32, #tpu.memory_space<vmem>>[vector<16xi32>], vector<16xf32>,
        %add3A_1285 = arith.constant 1 : i32
        %add3A_1286 = vector.broadcast %add3A_1285 : i32 to vector<16xi32>
        %add3A_1287 = arith.addi %min3A_1248, %add3A_1286 : vector<16xi32>
        %gather3A_1288 = tpu.vector_load_idx %arg7[%add3A_1287] : memref<256xf32, #tpu.memory_space<vmem>>[vector<16xi32>], vector<16xf32>,
        %convert_element_type3A_1289 = arith.sitofp %min3A_968 : vector<16xi32> to vector<16xf32>
        %sub3A_1290 = arith.subf %mul3A_964, %convert_element_type3A_1289 : vector<16xf32>
        %sub3A_1291 = arith.subf %gather3A_1260, %gather3A_1249 : vector<16xf32>
        %mul3A_1292 = arith.mulf %sub3A_1290, %sub3A_1291 : vector<16xf32>
        %add3A_1293 = arith.addf %gather3A_1249, %mul3A_1292 : vector<16xf32>
        %add3A_1294 = arith.constant 0 : i32
        %add3A_1295 = arith.addi %mul3A_131, %add3A_1294 : i32
        %swap3A = arith.index_cast %add3A_1295 : i32 to index
        %swap3A_1296 = tpu.vector_load %arg10[%swap3A] {strides = array<i32>} : memref<16384xf32, #tpu.memory_space<vmem>>, vector<16xf32>,
        tpu.vector_store %arg10[%swap3A], %add3A_1293 {strides = array<i32>} : memref<16384xf32, #tpu.memory_space<vmem>>, vector<16xf32>,
        %convert_element_type3A_1297 = arith.sitofp %min3A_1008 : vector<16xi32> to vector<16xf32>
        %sub3A_1298 = arith.subf %mul3A_1004, %convert_element_type3A_1297 : vector<16xf32>
        %sub3A_1299 = arith.subf %gather3A_1264, %gather3A_1250 : vector<16xf32>
        %mul3A_1300 = arith.mulf %sub3A_1298, %sub3A_1299 : vector<16xf32>
        %add3A_1301 = arith.addf %gather3A_1250, %mul3A_1300 : vector<16xf32>
        %add3A_1302 = arith.constant 16 : i32
        %add3A_1303 = arith.addi %mul3A_131, %add3A_1302 : i32
        %swap3A_1304 = arith.index_cast %add3A_1303 : i32 to index
        %swap3A_1305 = tpu.vector_load %arg10[%swap3A_1304] {strides = array<i32>} : memref<16384xf32, #tpu.memory_space<vmem>>, vector<16xf32>,
        tpu.vector_store %arg10[%swap3A_1304], %add3A_1301 {strides = array<i32>} : memref<16384xf32, #tpu.memory_space<vmem>>, vector<16xf32>,
        %convert_element_type3A_1306 = arith.sitofp %min3A_1048 : vector<16xi32> to vector<16xf32>
        %sub3A_1307 = arith.subf %mul3A_1044, %convert_element_type3A_1306 : vector<16xf32>
        %sub3A_1308 = arith.subf %gather3A_1268, %gather3A_1251 : vector<16xf32>
        %mul3A_1309 = arith.mulf %sub3A_1307, %sub3A_1308 : vector<16xf32>
        %add3A_1310 = arith.addf %gather3A_1251, %mul3A_1309 : vector<16xf32>
        %add3A_1311 = arith.constant 32 : i32
        %add3A_1312 = arith.addi %mul3A_131, %add3A_1311 : i32
        %swap3A_1313 = arith.index_cast %add3A_1312 : i32 to index
        %swap3A_1314 = tpu.vector_load %arg10[%swap3A_1313] {strides = array<i32>} : memref<16384xf32, #tpu.memory_space<vmem>>, vector<16xf32>,
        tpu.vector_store %arg10[%swap3A_1313], %add3A_1310 {strides = array<i32>} : memref<16384xf32, #tpu.memory_space<vmem>>, vector<16xf32>,
        %convert_element_type3A_1315 = arith.sitofp %min3A_1088 : vector<16xi32> to vector<16xf32>
        %sub3A_1316 = arith.subf %mul3A_1084, %convert_element_type3A_1315 : vector<16xf32>
        %sub3A_1317 = arith.subf %gather3A_1272, %gather3A_1252 : vector<16xf32>
        %mul3A_1318 = arith.mulf %sub3A_1316, %sub3A_1317 : vector<16xf32>
        %add3A_1319 = arith.addf %gather3A_1252, %mul3A_1318 : vector<16xf32>
        %add3A_1320 = arith.constant 48 : i32
        %add3A_1321 = arith.addi %mul3A_131, %add3A_1320 : i32
        %swap3A_1322 = arith.index_cast %add3A_1321 : i32 to index
        %swap3A_1323 = tpu.vector_load %arg10[%swap3A_1322] {strides = array<i32>} : memref<16384xf32, #tpu.memory_space<vmem>>, vector<16xf32>,
        tpu.vector_store %arg10[%swap3A_1322], %add3A_1319 {strides = array<i32>} : memref<16384xf32, #tpu.memory_space<vmem>>, vector<16xf32>,
        %convert_element_type3A_1324 = arith.sitofp %min3A_1128 : vector<16xi32> to vector<16xf32>
        %sub3A_1325 = arith.subf %mul3A_1124, %convert_element_type3A_1324 : vector<16xf32>
        %sub3A_1326 = arith.subf %gather3A_1276, %gather3A_1253 : vector<16xf32>
        %mul3A_1327 = arith.mulf %sub3A_1325, %sub3A_1326 : vector<16xf32>
        %add3A_1328 = arith.addf %gather3A_1253, %mul3A_1327 : vector<16xf32>
        %add3A_1329 = arith.constant 64 : i32
        %add3A_1330 = arith.addi %mul3A_131, %add3A_1329 : i32
        %swap3A_1331 = arith.index_cast %add3A_1330 : i32 to index
        %swap3A_1332 = tpu.vector_load %arg10[%swap3A_1331] {strides = array<i32>} : memref<16384xf32, #tpu.memory_space<vmem>>, vector<16xf32>,
        tpu.vector_store %arg10[%swap3A_1331], %add3A_1328 {strides = array<i32>} : memref<16384xf32, #tpu.memory_space<vmem>>, vector<16xf32>,
        %convert_element_type3A_1333 = arith.sitofp %min3A_1168 : vector<16xi32> to vector<16xf32>
        %sub3A_1334 = arith.subf %mul3A_1164, %convert_element_type3A_1333 : vector<16xf32>
        %sub3A_1335 = arith.subf %gather3A_1280, %gather3A_1254 : vector<16xf32>
        %mul3A_1336 = arith.mulf %sub3A_1334, %sub3A_1335 : vector<16xf32>
        %add3A_1337 = arith.addf %gather3A_1254, %mul3A_1336 : vector<16xf32>
        %add3A_1338 = arith.constant 80 : i32
        %add3A_1339 = arith.addi %mul3A_131, %add3A_1338 : i32
        %swap3A_1340 = arith.index_cast %add3A_1339 : i32 to index
        %swap3A_1341 = tpu.vector_load %arg10[%swap3A_1340] {strides = array<i32>} : memref<16384xf32, #tpu.memory_space<vmem>>, vector<16xf32>,
        tpu.vector_store %arg10[%swap3A_1340], %add3A_1337 {strides = array<i32>} : memref<16384xf32, #tpu.memory_space<vmem>>, vector<16xf32>,
        %convert_element_type3A_1342 = arith.sitofp %min3A_1208 : vector<16xi32> to vector<16xf32>
        %sub3A_1343 = arith.subf %mul3A_1204, %convert_element_type3A_1342 : vector<16xf32>
        %sub3A_1344 = arith.subf %gather3A_1284, %gather3A_1255 : vector<16xf32>
        %mul3A_1345 = arith.mulf %sub3A_1343, %sub3A_1344 : vector<16xf32>
        %add3A_1346 = arith.addf %gather3A_1255, %mul3A_1345 : vector<16xf32>
        %add3A_1347 = arith.constant 96 : i32
        %add3A_1348 = arith.addi %mul3A_131, %add3A_1347 : i32
        %swap3A_1349 = arith.index_cast %add3A_1348 : i32 to index
        %swap3A_1350 = tpu.vector_load %arg10[%swap3A_1349] {strides = array<i32>} : memref<16384xf32, #tpu.memory_space<vmem>>, vector<16xf32>,
        tpu.vector_store %arg10[%swap3A_1349], %add3A_1346 {strides = array<i32>} : memref<16384xf32, #tpu.memory_space<vmem>>, vector<16xf32>,
        %convert_element_type3A_1351 = arith.sitofp %min3A_1248 : vector<16xi32> to vector<16xf32>
        %sub3A_1352 = arith.subf %mul3A_1244, %convert_element_type3A_1351 : vector<16xf32>
        %sub3A_1353 = arith.subf %gather3A_1288, %gather3A_1256 : vector<16xf32>
        %mul3A_1354 = arith.mulf %sub3A_1352, %sub3A_1353 : vector<16xf32>
        %add3A_1355 = arith.addf %gather3A_1256, %mul3A_1354 : vector<16xf32>
        %add3A_1356 = arith.constant 112 : i32
        %add3A_1357 = arith.addi %mul3A_131, %add3A_1356 : i32
        %swap3A_1358 = arith.index_cast %add3A_1357 : i32 to index
        %swap3A_1359 = tpu.vector_load %arg10[%swap3A_1358] {strides = array<i32>} : memref<16384xf32, #tpu.memory_space<vmem>>, vector<16xf32>,
        tpu.vector_store %arg10[%swap3A_1358], %add3A_1355 {strides = array<i32>} : memref<16384xf32, #tpu.memory_space<vmem>>, vector<16xf32>,
      }
      %scan3A_95 = arith.constant 128 : i32
      %lt3A = arith.constant 14 : i32
      %lt3A_96 = arith.cmpi slt, %add3A_82, %lt3A : i32
      %convert_element_type3A_97 = arith.extui %lt3A_96 : i1 to i32
      %cond3A_98 = arith.constant 0 : i32
      %cond3A_99 = arith.cmpi ne, %convert_element_type3A_97, %cond3A_98 : i32
      scf.if %cond3A_99 {
        %add3A_129 = arith.constant 32768 : i32
        %add3A_130 = arith.addi %add3A_85, %add3A_129 : i32
        %dma_start3A_131 = tpu.memref_slice %arg2[%add3A_130] : memref<8388608xf32, #tpu.memory_space<hbm>> -> memref<16384xf32, #tpu.memory_space<hbm>>
        %dma_start3A_132 = tpu.memref_slice %arg2[%add3A_130] : memref<8388608xf32, #tpu.memory_space<hbm>> -> memref<16384xf32, #tpu.memory_space<hbm>>
        tpu.enqueue_dma source(%dma_start3A_132 : memref<16384xf32, #tpu.memory_space<hbm>>) target(%arg8 : memref<16384xf32, #tpu.memory_space<vmem>>) target_semaphore(%arg12 : memref<!tpu.dma_semaphore, #tpu.memory_space<semaphore_mem>>)
      } else {
      }
      %dma_start3A_100 = tpu.memref_slice %arg5[%add3A_85] : memref<8388608xf32, #tpu.memory_space<hbm>> -> memref<16384xf32, #tpu.memory_space<hbm>>
      %dma_start3A_101 = tpu.memref_slice %arg5[%add3A_85] : memref<8388608xf32, #tpu.memory_space<hbm>> -> memref<16384xf32, #tpu.memory_space<hbm>>
      tpu.enqueue_dma source(%arg10 : memref<16384xf32, #tpu.memory_space<vmem>>) target(%dma_start3A_101 : memref<16384xf32, #tpu.memory_space<hbm>>) target_semaphore(%arg14 : memref<!tpu.dma_semaphore, #tpu.memory_space<semaphore_mem>>)
      %mul3A_102 = arith.constant 2 : i32
      %mul3A_103 = arith.muli %scan3A_78, %mul3A_102 : i32
      %add3A_104 = arith.constant 1 : i32
      %add3A_105 = arith.addi %mul3A_103, %add3A_104 : i32
      %mul3A_106 = arith.constant 16384 : i32
      %mul3A_107 = arith.muli %add3A_105, %mul3A_106 : i32
      %add3A_108 = arith.addi %mul3A_2, %mul3A_107 : i32
      %dma_wait3A_109 = tpu.memref_slice %arg2[%add3A_108] : memref<8388608xf32, #tpu.memory_space<hbm>> -> memref<16384xf32, #tpu.memory_space<hbm>>
      %dma_wait3A_110 = tpu.memref_slice %arg2[%add3A_108] : memref<8388608xf32, #tpu.memory_space<hbm>> -> memref<16384xf32, #tpu.memory_space<hbm>>
      tpu.wait_dma2 semaphore(%arg13 : memref<!tpu.dma_semaphore, #tpu.memory_space<semaphore_mem>>) src(%dma_wait3A_110 : memref<16384xf32, #tpu.memory_space<hbm>>) dst(%arg9 : memref<16384xf32, #tpu.memory_space<vmem>>)
      %gt3A_111 = arith.constant 0 : i32
      %gt3A_112 = arith.cmpi sgt, %scan3A_78, %gt3A_111 : i32
      %convert_element_type3A_113 = arith.extui %gt3A_112 : i1 to i32
      %cond3A_114 = arith.constant 0 : i32
      %cond3A_115 = arith.cmpi ne, %convert_element_type3A_113, %cond3A_114 : i32
      scf.if %cond3A_115 {
        %sub3A = arith.constant 32768 : i32
        %sub3A_129 = arith.subi %add3A_108, %sub3A : i32
        %dma_wait3A_130 = tpu.memref_slice %arg5[%sub3A_129] : memref<8388608xf32, #tpu.memory_space<hbm>> -> memref<16384xf32, #tpu.memory_space<hbm>>
        %dma_wait3A_131 = tpu.memref_slice %arg5[%sub3A_129] : memref<8388608xf32, #tpu.memory_space<hbm>> -> memref<16384xf32, #tpu.memory_space<hbm>>
        tpu.wait_dma2 semaphore(%arg15 : memref<!tpu.dma_semaphore, #tpu.memory_space<semaphore_mem>>) src(%arg11 : memref<16384xf32, #tpu.memory_space<vmem>>) dst(%dma_wait3A_131 : memref<16384xf32, #tpu.memory_space<hbm>>)
      } else {
      }
      %scan3A_116 = arith.constant 0 : i32
      %scan3A_117 = arith.constant 0 : i32
      %scan3A_118 = arith.constant 128 : i32
      %scan3A_119 = arith.addi %scan3A_117, %scan3A_118 : i32
      %scan3A_120 = arith.constant 1 : i32
      scf.for %scan3A_129 = %scan3A_117 to %scan3A_119 step %scan3A_120  : i32 {
        %mul3A_130 = arith.constant 128 : i32
        %mul3A_131 = arith.muli %scan3A_129, %mul3A_130 : i32
        %add3A_132 = arith.constant 0 : i32
        %add3A_133 = arith.addi %mul3A_131, %add3A_132 : i32
        %get3A = arith.index_cast %add3A_133 : i32 to index
        %get3A_134 = tpu.vector_load %arg9[%get3A] {strides = array<i32>} : memref<16384xf32, #tpu.memory_space<vmem>>, vector<16xf32>,
        %add3A_135 = arith.constant 16 : i32
        %add3A_136 = arith.addi %mul3A_131, %add3A_135 : i32
        %get3A_137 = arith.index_cast %add3A_136 : i32 to index
        %get3A_138 = tpu.vector_load %arg9[%get3A_137] {strides = array<i32>} : memref<16384xf32, #tpu.memory_space<vmem>>, vector<16xf32>,
        %add3A_139 = arith.constant 32 : i32
        %add3A_140 = arith.addi %mul3A_131, %add3A_139 : i32
        %get3A_141 = arith.index_cast %add3A_140 : i32 to index
        %get3A_142 = tpu.vector_load %arg9[%get3A_141] {strides = array<i32>} : memref<16384xf32, #tpu.memory_space<vmem>>, vector<16xf32>,
        %add3A_143 = arith.constant 48 : i32
        %add3A_144 = arith.addi %mul3A_131, %add3A_143 : i32
        %get3A_145 = arith.index_cast %add3A_144 : i32 to index
        %get3A_146 = tpu.vector_load %arg9[%get3A_145] {strides = array<i32>} : memref<16384xf32, #tpu.memory_space<vmem>>, vector<16xf32>,
        %add3A_147 = arith.constant 64 : i32
        %add3A_148 = arith.addi %mul3A_131, %add3A_147 : i32
        %get3A_149 = arith.index_cast %add3A_148 : i32 to index
        %get3A_150 = tpu.vector_load %arg9[%get3A_149] {strides = array<i32>} : memref<16384xf32, #tpu.memory_space<vmem>>, vector<16xf32>,
        %add3A_151 = arith.constant 80 : i32
        %add3A_152 = arith.addi %mul3A_131, %add3A_151 : i32
        %get3A_153 = arith.index_cast %add3A_152 : i32 to index
        %get3A_154 = tpu.vector_load %arg9[%get3A_153] {strides = array<i32>} : memref<16384xf32, #tpu.memory_space<vmem>>, vector<16xf32>,
        %add3A_155 = arith.constant 96 : i32
        %add3A_156 = arith.addi %mul3A_131, %add3A_155 : i32
        %get3A_157 = arith.index_cast %add3A_156 : i32 to index
        %get3A_158 = tpu.vector_load %arg9[%get3A_157] {strides = array<i32>} : memref<16384xf32, #tpu.memory_space<vmem>>, vector<16xf32>,
        %add3A_159 = arith.constant 112 : i32
        %add3A_160 = arith.addi %mul3A_131, %add3A_159 : i32
        %get3A_161 = arith.index_cast %add3A_160 : i32 to index
        %get3A_162 = tpu.vector_load %arg9[%get3A_161] {strides = array<i32>} : memref<16384xf32, #tpu.memory_space<vmem>>, vector<16xf32>,
        %add3A_163 = arith.constant 16256 : i32
        %add3A_164 = vector.broadcast %add3A_163 : i32 to vector<16xi32>
        %add3A_165 = arith.addi %add3A_5, %add3A_164 : vector<16xi32>
        %gather3A_166 = tpu.vector_load_idx %arg6[%add3A_165] : memref<32768xf32, #tpu.memory_space<vmem>>[vector<16xi32>], vector<16xf32>,
        %add3A_167 = arith.constant 16256 : i32
        %add3A_168 = vector.broadcast %add3A_167 : i32 to vector<16xi32>
        %add3A_169 = arith.addi %add3A_8, %add3A_168 : vector<16xi32>
        %gather3A_170 = tpu.vector_load_idx %arg6[%add3A_169] : memref<32768xf32, #tpu.memory_space<vmem>>[vector<16xi32>], vector<16xf32>,
        %add3A_171 = arith.constant 16256 : i32
        %add3A_172 = vector.broadcast %add3A_171 : i32 to vector<16xi32>
        %add3A_173 = arith.addi %add3A_11, %add3A_172 : vector<16xi32>
        %gather3A_174 = tpu.vector_load_idx %arg6[%add3A_173] : memref<32768xf32, #tpu.memory_space<vmem>>[vector<16xi32>], vector<16xf32>,
        %add3A_175 = arith.constant 16256 : i32
        %add3A_176 = vector.broadcast %add3A_175 : i32 to vector<16xi32>
        %add3A_177 = arith.addi %add3A_14, %add3A_176 : vector<16xi32>
        %gather3A_178 = tpu.vector_load_idx %arg6[%add3A_177] : memref<32768xf32, #tpu.memory_space<vmem>>[vector<16xi32>], vector<16xf32>,
        %add3A_179 = arith.constant 16256 : i32
        %add3A_180 = vector.broadcast %add3A_179 : i32 to vector<16xi32>
        %add3A_181 = arith.addi %add3A_17, %add3A_180 : vector<16xi32>
        %gather3A_182 = tpu.vector_load_idx %arg6[%add3A_181] : memref<32768xf32, #tpu.memory_space<vmem>>[vector<16xi32>], vector<16xf32>,
        %add3A_183 = arith.constant 16256 : i32
        %add3A_184 = vector.broadcast %add3A_183 : i32 to vector<16xi32>
        %add3A_185 = arith.addi %add3A_20, %add3A_184 : vector<16xi32>
        %gather3A_186 = tpu.vector_load_idx %arg6[%add3A_185] : memref<32768xf32, #tpu.memory_space<vmem>>[vector<16xi32>], vector<16xf32>,
        %add3A_187 = arith.constant 16256 : i32
        %add3A_188 = vector.broadcast %add3A_187 : i32 to vector<16xi32>
        %add3A_189 = arith.addi %add3A_23, %add3A_188 : vector<16xi32>
        %gather3A_190 = tpu.vector_load_idx %arg6[%add3A_189] : memref<32768xf32, #tpu.memory_space<vmem>>[vector<16xi32>], vector<16xf32>,
        %add3A_191 = arith.constant 16256 : i32
        %add3A_192 = vector.broadcast %add3A_191 : i32 to vector<16xi32>
        %add3A_193 = arith.addi %add3A_26, %add3A_192 : vector<16xi32>
        %gather3A_194 = tpu.vector_load_idx %arg6[%add3A_193] : memref<32768xf32, #tpu.memory_space<vmem>>[vector<16xi32>], vector<16xf32>,
        %le3A = arith.cmpf ole, %gather3A_166, %get3A_134 : vector<16xf32>
        %jit3A = arith.constant 16384 : i32
        %jit3A_195 = arith.constant 0 : i32
        %broadcast_in_dim3A = vector.broadcast %jit3A : i32 to vector<16xi32>
        %broadcast_in_dim3A_196 = vector.broadcast %jit3A_195 : i32 to vector<16xi32>
        %select_n3A = arith.select %le3A, %broadcast_in_dim3A, %broadcast_in_dim3A_196 : vector<16xi1>, vector<16xi32>
        %add3A_197 = arith.addi %add3A_5, %select_n3A : vector<16xi32>
        %le3A_198 = arith.cmpf ole, %gather3A_170, %get3A_138 : vector<16xf32>
        %jit3A_199 = arith.constant 16384 : i32
        %jit3A_200 = arith.constant 0 : i32
        %broadcast_in_dim3A_201 = vector.broadcast %jit3A_199 : i32 to vector<16xi32>
        %broadcast_in_dim3A_202 = vector.broadcast %jit3A_200 : i32 to vector<16xi32>
        %select_n3A_203 = arith.select %le3A_198, %broadcast_in_dim3A_201, %broadcast_in_dim3A_202 : vector<16xi1>, vector<16xi32>
        %add3A_204 = arith.addi %add3A_8, %select_n3A_203 : vector<16xi32>
        %le3A_205 = arith.cmpf ole, %gather3A_174, %get3A_142 : vector<16xf32>
        %jit3A_206 = arith.constant 16384 : i32
        %jit3A_207 = arith.constant 0 : i32
        %broadcast_in_dim3A_208 = vector.broadcast %jit3A_206 : i32 to vector<16xi32>
        %broadcast_in_dim3A_209 = vector.broadcast %jit3A_207 : i32 to vector<16xi32>
        %select_n3A_210 = arith.select %le3A_205, %broadcast_in_dim3A_208, %broadcast_in_dim3A_209 : vector<16xi1>, vector<16xi32>
        %add3A_211 = arith.addi %add3A_11, %select_n3A_210 : vector<16xi32>
        %le3A_212 = arith.cmpf ole, %gather3A_178, %get3A_146 : vector<16xf32>
        %jit3A_213 = arith.constant 16384 : i32
        %jit3A_214 = arith.constant 0 : i32
        %broadcast_in_dim3A_215 = vector.broadcast %jit3A_213 : i32 to vector<16xi32>
        %broadcast_in_dim3A_216 = vector.broadcast %jit3A_214 : i32 to vector<16xi32>
        %select_n3A_217 = arith.select %le3A_212, %broadcast_in_dim3A_215, %broadcast_in_dim3A_216 : vector<16xi1>, vector<16xi32>
        %add3A_218 = arith.addi %add3A_14, %select_n3A_217 : vector<16xi32>
        %le3A_219 = arith.cmpf ole, %gather3A_182, %get3A_150 : vector<16xf32>
        %jit3A_220 = arith.constant 16384 : i32
        %jit3A_221 = arith.constant 0 : i32
        %broadcast_in_dim3A_222 = vector.broadcast %jit3A_220 : i32 to vector<16xi32>
        %broadcast_in_dim3A_223 = vector.broadcast %jit3A_221 : i32 to vector<16xi32>
        %select_n3A_224 = arith.select %le3A_219, %broadcast_in_dim3A_222, %broadcast_in_dim3A_223 : vector<16xi1>, vector<16xi32>
        %add3A_225 = arith.addi %add3A_17, %select_n3A_224 : vector<16xi32>
        %le3A_226 = arith.cmpf ole, %gather3A_186, %get3A_154 : vector<16xf32>
        %jit3A_227 = arith.constant 16384 : i32
        %jit3A_228 = arith.constant 0 : i32
        %broadcast_in_dim3A_229 = vector.broadcast %jit3A_227 : i32 to vector<16xi32>
        %broadcast_in_dim3A_230 = vector.broadcast %jit3A_228 : i32 to vector<16xi32>
        %select_n3A_231 = arith.select %le3A_226, %broadcast_in_dim3A_229, %broadcast_in_dim3A_230 : vector<16xi1>, vector<16xi32>
        %add3A_232 = arith.addi %add3A_20, %select_n3A_231 : vector<16xi32>
        %le3A_233 = arith.cmpf ole, %gather3A_190, %get3A_158 : vector<16xf32>
        %jit3A_234 = arith.constant 16384 : i32
        %jit3A_235 = arith.constant 0 : i32
        %broadcast_in_dim3A_236 = vector.broadcast %jit3A_234 : i32 to vector<16xi32>
        %broadcast_in_dim3A_237 = vector.broadcast %jit3A_235 : i32 to vector<16xi32>
        %select_n3A_238 = arith.select %le3A_233, %broadcast_in_dim3A_236, %broadcast_in_dim3A_237 : vector<16xi1>, vector<16xi32>
        %add3A_239 = arith.addi %add3A_23, %select_n3A_238 : vector<16xi32>
        %le3A_240 = arith.cmpf ole, %gather3A_194, %get3A_162 : vector<16xf32>
        %jit3A_241 = arith.constant 16384 : i32
        %jit3A_242 = arith.constant 0 : i32
        %broadcast_in_dim3A_243 = vector.broadcast %jit3A_241 : i32 to vector<16xi32>
        %broadcast_in_dim3A_244 = vector.broadcast %jit3A_242 : i32 to vector<16xi32>
        %select_n3A_245 = arith.select %le3A_240, %broadcast_in_dim3A_243, %broadcast_in_dim3A_244 : vector<16xi1>, vector<16xi32>
        %add3A_246 = arith.addi %add3A_26, %select_n3A_245 : vector<16xi32>
        %add3A_247 = arith.constant 8064 : i32
        %add3A_248 = vector.broadcast %add3A_247 : i32 to vector<16xi32>
        %add3A_249 = arith.addi %add3A_197, %add3A_248 : vector<16xi32>
        %gather3A_250 = tpu.vector_load_idx %arg6[%add3A_249] : memref<32768xf32, #tpu.memory_space<vmem>>[vector<16xi32>], vector<16xf32>,
        %add3A_251 = arith.constant 8064 : i32
        %add3A_252 = vector.broadcast %add3A_251 : i32 to vector<16xi32>
        %add3A_253 = arith.addi %add3A_204, %add3A_252 : vector<16xi32>
        %gather3A_254 = tpu.vector_load_idx %arg6[%add3A_253] : memref<32768xf32, #tpu.memory_space<vmem>>[vector<16xi32>], vector<16xf32>,
        %add3A_255 = arith.constant 8064 : i32
        %add3A_256 = vector.broadcast %add3A_255 : i32 to vector<16xi32>
        %add3A_257 = arith.addi %add3A_211, %add3A_256 : vector<16xi32>
        %gather3A_258 = tpu.vector_load_idx %arg6[%add3A_257] : memref<32768xf32, #tpu.memory_space<vmem>>[vector<16xi32>], vector<16xf32>,
        %add3A_259 = arith.constant 8064 : i32
        %add3A_260 = vector.broadcast %add3A_259 : i32 to vector<16xi32>
        %add3A_261 = arith.addi %add3A_218, %add3A_260 : vector<16xi32>
        %gather3A_262 = tpu.vector_load_idx %arg6[%add3A_261] : memref<32768xf32, #tpu.memory_space<vmem>>[vector<16xi32>], vector<16xf32>,
        %add3A_263 = arith.constant 8064 : i32
        %add3A_264 = vector.broadcast %add3A_263 : i32 to vector<16xi32>
        %add3A_265 = arith.addi %add3A_225, %add3A_264 : vector<16xi32>
        %gather3A_266 = tpu.vector_load_idx %arg6[%add3A_265] : memref<32768xf32, #tpu.memory_space<vmem>>[vector<16xi32>], vector<16xf32>,
        %add3A_267 = arith.constant 8064 : i32
        %add3A_268 = vector.broadcast %add3A_267 : i32 to vector<16xi32>
        %add3A_269 = arith.addi %add3A_232, %add3A_268 : vector<16xi32>
        %gather3A_270 = tpu.vector_load_idx %arg6[%add3A_269] : memref<32768xf32, #tpu.memory_space<vmem>>[vector<16xi32>], vector<16xf32>,
        %add3A_271 = arith.constant 8064 : i32
        %add3A_272 = vector.broadcast %add3A_271 : i32 to vector<16xi32>
        %add3A_273 = arith.addi %add3A_239, %add3A_272 : vector<16xi32>
        %gather3A_274 = tpu.vector_load_idx %arg6[%add3A_273] : memref<32768xf32, #tpu.memory_space<vmem>>[vector<16xi32>], vector<16xf32>,
        %add3A_275 = arith.constant 8064 : i32
        %add3A_276 = vector.broadcast %add3A_275 : i32 to vector<16xi32>
        %add3A_277 = arith.addi %add3A_246, %add3A_276 : vector<16xi32>
        %gather3A_278 = tpu.vector_load_idx %arg6[%add3A_277] : memref<32768xf32, #tpu.memory_space<vmem>>[vector<16xi32>], vector<16xf32>,
        %le3A_279 = arith.cmpf ole, %gather3A_250, %get3A_134 : vector<16xf32>
        %jit3A_280 = arith.constant 8192 : i32
        %jit3A_281 = arith.constant 0 : i32
        %broadcast_in_dim3A_282 = vector.broadcast %jit3A_280 : i32 to vector<16xi32>
        %broadcast_in_dim3A_283 = vector.broadcast %jit3A_281 : i32 to vector<16xi32>
        %select_n3A_284 = arith.select %le3A_279, %broadcast_in_dim3A_282, %broadcast_in_dim3A_283 : vector<16xi1>, vector<16xi32>
        %add3A_285 = arith.addi %add3A_197, %select_n3A_284 : vector<16xi32>
        %le3A_286 = arith.cmpf ole, %gather3A_254, %get3A_138 : vector<16xf32>
        %jit3A_287 = arith.constant 8192 : i32
        %jit3A_288 = arith.constant 0 : i32
        %broadcast_in_dim3A_289 = vector.broadcast %jit3A_287 : i32 to vector<16xi32>
        %broadcast_in_dim3A_290 = vector.broadcast %jit3A_288 : i32 to vector<16xi32>
        %select_n3A_291 = arith.select %le3A_286, %broadcast_in_dim3A_289, %broadcast_in_dim3A_290 : vector<16xi1>, vector<16xi32>
        %add3A_292 = arith.addi %add3A_204, %select_n3A_291 : vector<16xi32>
        %le3A_293 = arith.cmpf ole, %gather3A_258, %get3A_142 : vector<16xf32>
        %jit3A_294 = arith.constant 8192 : i32
        %jit3A_295 = arith.constant 0 : i32
        %broadcast_in_dim3A_296 = vector.broadcast %jit3A_294 : i32 to vector<16xi32>
        %broadcast_in_dim3A_297 = vector.broadcast %jit3A_295 : i32 to vector<16xi32>
        %select_n3A_298 = arith.select %le3A_293, %broadcast_in_dim3A_296, %broadcast_in_dim3A_297 : vector<16xi1>, vector<16xi32>
        %add3A_299 = arith.addi %add3A_211, %select_n3A_298 : vector<16xi32>
        %le3A_300 = arith.cmpf ole, %gather3A_262, %get3A_146 : vector<16xf32>
        %jit3A_301 = arith.constant 8192 : i32
        %jit3A_302 = arith.constant 0 : i32
        %broadcast_in_dim3A_303 = vector.broadcast %jit3A_301 : i32 to vector<16xi32>
        %broadcast_in_dim3A_304 = vector.broadcast %jit3A_302 : i32 to vector<16xi32>
        %select_n3A_305 = arith.select %le3A_300, %broadcast_in_dim3A_303, %broadcast_in_dim3A_304 : vector<16xi1>, vector<16xi32>
        %add3A_306 = arith.addi %add3A_218, %select_n3A_305 : vector<16xi32>
        %le3A_307 = arith.cmpf ole, %gather3A_266, %get3A_150 : vector<16xf32>
        %jit3A_308 = arith.constant 8192 : i32
        %jit3A_309 = arith.constant 0 : i32
        %broadcast_in_dim3A_310 = vector.broadcast %jit3A_308 : i32 to vector<16xi32>
        %broadcast_in_dim3A_311 = vector.broadcast %jit3A_309 : i32 to vector<16xi32>
        %select_n3A_312 = arith.select %le3A_307, %broadcast_in_dim3A_310, %broadcast_in_dim3A_311 : vector<16xi1>, vector<16xi32>
        %add3A_313 = arith.addi %add3A_225, %select_n3A_312 : vector<16xi32>
        %le3A_314 = arith.cmpf ole, %gather3A_270, %get3A_154 : vector<16xf32>
        %jit3A_315 = arith.constant 8192 : i32
        %jit3A_316 = arith.constant 0 : i32
        %broadcast_in_dim3A_317 = vector.broadcast %jit3A_315 : i32 to vector<16xi32>
        %broadcast_in_dim3A_318 = vector.broadcast %jit3A_316 : i32 to vector<16xi32>
        %select_n3A_319 = arith.select %le3A_314, %broadcast_in_dim3A_317, %broadcast_in_dim3A_318 : vector<16xi1>, vector<16xi32>
        %add3A_320 = arith.addi %add3A_232, %select_n3A_319 : vector<16xi32>
        %le3A_321 = arith.cmpf ole, %gather3A_274, %get3A_158 : vector<16xf32>
        %jit3A_322 = arith.constant 8192 : i32
        %jit3A_323 = arith.constant 0 : i32
        %broadcast_in_dim3A_324 = vector.broadcast %jit3A_322 : i32 to vector<16xi32>
        %broadcast_in_dim3A_325 = vector.broadcast %jit3A_323 : i32 to vector<16xi32>
        %select_n3A_326 = arith.select %le3A_321, %broadcast_in_dim3A_324, %broadcast_in_dim3A_325 : vector<16xi1>, vector<16xi32>
        %add3A_327 = arith.addi %add3A_239, %select_n3A_326 : vector<16xi32>
        %le3A_328 = arith.cmpf ole, %gather3A_278, %get3A_162 : vector<16xf32>
        %jit3A_329 = arith.constant 8192 : i32
        %jit3A_330 = arith.constant 0 : i32
        %broadcast_in_dim3A_331 = vector.broadcast %jit3A_329 : i32 to vector<16xi32>
        %broadcast_in_dim3A_332 = vector.broadcast %jit3A_330 : i32 to vector<16xi32>
        %select_n3A_333 = arith.select %le3A_328, %broadcast_in_dim3A_331, %broadcast_in_dim3A_332 : vector<16xi1>, vector<16xi32>
        %add3A_334 = arith.addi %add3A_246, %select_n3A_333 : vector<16xi32>
        %add3A_335 = arith.constant 3968 : i32
        %add3A_336 = vector.broadcast %add3A_335 : i32 to vector<16xi32>
        %add3A_337 = arith.addi %add3A_285, %add3A_336 : vector<16xi32>
        %gather3A_338 = tpu.vector_load_idx %arg6[%add3A_337] : memref<32768xf32, #tpu.memory_space<vmem>>[vector<16xi32>], vector<16xf32>,
        %add3A_339 = arith.constant 3968 : i32
        %add3A_340 = vector.broadcast %add3A_339 : i32 to vector<16xi32>
        %add3A_341 = arith.addi %add3A_292, %add3A_340 : vector<16xi32>
        %gather3A_342 = tpu.vector_load_idx %arg6[%add3A_341] : memref<32768xf32, #tpu.memory_space<vmem>>[vector<16xi32>], vector<16xf32>,
        %add3A_343 = arith.constant 3968 : i32
        %add3A_344 = vector.broadcast %add3A_343 : i32 to vector<16xi32>
        %add3A_345 = arith.addi %add3A_299, %add3A_344 : vector<16xi32>
        %gather3A_346 = tpu.vector_load_idx %arg6[%add3A_345] : memref<32768xf32, #tpu.memory_space<vmem>>[vector<16xi32>], vector<16xf32>,
        %add3A_347 = arith.constant 3968 : i32
        %add3A_348 = vector.broadcast %add3A_347 : i32 to vector<16xi32>
        %add3A_349 = arith.addi %add3A_306, %add3A_348 : vector<16xi32>
        %gather3A_350 = tpu.vector_load_idx %arg6[%add3A_349] : memref<32768xf32, #tpu.memory_space<vmem>>[vector<16xi32>], vector<16xf32>,
        %add3A_351 = arith.constant 3968 : i32
        %add3A_352 = vector.broadcast %add3A_351 : i32 to vector<16xi32>
        %add3A_353 = arith.addi %add3A_313, %add3A_352 : vector<16xi32>
        %gather3A_354 = tpu.vector_load_idx %arg6[%add3A_353] : memref<32768xf32, #tpu.memory_space<vmem>>[vector<16xi32>], vector<16xf32>,
        %add3A_355 = arith.constant 3968 : i32
        %add3A_356 = vector.broadcast %add3A_355 : i32 to vector<16xi32>
        %add3A_357 = arith.addi %add3A_320, %add3A_356 : vector<16xi32>
        %gather3A_358 = tpu.vector_load_idx %arg6[%add3A_357] : memref<32768xf32, #tpu.memory_space<vmem>>[vector<16xi32>], vector<16xf32>,
        %add3A_359 = arith.constant 3968 : i32
        %add3A_360 = vector.broadcast %add3A_359 : i32 to vector<16xi32>
        %add3A_361 = arith.addi %add3A_327, %add3A_360 : vector<16xi32>
        %gather3A_362 = tpu.vector_load_idx %arg6[%add3A_361] : memref<32768xf32, #tpu.memory_space<vmem>>[vector<16xi32>], vector<16xf32>,
        %add3A_363 = arith.constant 3968 : i32
        %add3A_364 = vector.broadcast %add3A_363 : i32 to vector<16xi32>
        %add3A_365 = arith.addi %add3A_334, %add3A_364 : vector<16xi32>
        %gather3A_366 = tpu.vector_load_idx %arg6[%add3A_365] : memref<32768xf32, #tpu.memory_space<vmem>>[vector<16xi32>], vector<16xf32>,
        %le3A_367 = arith.cmpf ole, %gather3A_338, %get3A_134 : vector<16xf32>
        %jit3A_368 = arith.constant 4096 : i32
        %jit3A_369 = arith.constant 0 : i32
        %broadcast_in_dim3A_370 = vector.broadcast %jit3A_368 : i32 to vector<16xi32>
        %broadcast_in_dim3A_371 = vector.broadcast %jit3A_369 : i32 to vector<16xi32>
        %select_n3A_372 = arith.select %le3A_367, %broadcast_in_dim3A_370, %broadcast_in_dim3A_371 : vector<16xi1>, vector<16xi32>
        %add3A_373 = arith.addi %add3A_285, %select_n3A_372 : vector<16xi32>
        %le3A_374 = arith.cmpf ole, %gather3A_342, %get3A_138 : vector<16xf32>
        %jit3A_375 = arith.constant 4096 : i32
        %jit3A_376 = arith.constant 0 : i32
        %broadcast_in_dim3A_377 = vector.broadcast %jit3A_375 : i32 to vector<16xi32>
        %broadcast_in_dim3A_378 = vector.broadcast %jit3A_376 : i32 to vector<16xi32>
        %select_n3A_379 = arith.select %le3A_374, %broadcast_in_dim3A_377, %broadcast_in_dim3A_378 : vector<16xi1>, vector<16xi32>
        %add3A_380 = arith.addi %add3A_292, %select_n3A_379 : vector<16xi32>
        %le3A_381 = arith.cmpf ole, %gather3A_346, %get3A_142 : vector<16xf32>
        %jit3A_382 = arith.constant 4096 : i32
        %jit3A_383 = arith.constant 0 : i32
        %broadcast_in_dim3A_384 = vector.broadcast %jit3A_382 : i32 to vector<16xi32>
        %broadcast_in_dim3A_385 = vector.broadcast %jit3A_383 : i32 to vector<16xi32>
        %select_n3A_386 = arith.select %le3A_381, %broadcast_in_dim3A_384, %broadcast_in_dim3A_385 : vector<16xi1>, vector<16xi32>
        %add3A_387 = arith.addi %add3A_299, %select_n3A_386 : vector<16xi32>
        %le3A_388 = arith.cmpf ole, %gather3A_350, %get3A_146 : vector<16xf32>
        %jit3A_389 = arith.constant 4096 : i32
        %jit3A_390 = arith.constant 0 : i32
        %broadcast_in_dim3A_391 = vector.broadcast %jit3A_389 : i32 to vector<16xi32>
        %broadcast_in_dim3A_392 = vector.broadcast %jit3A_390 : i32 to vector<16xi32>
        %select_n3A_393 = arith.select %le3A_388, %broadcast_in_dim3A_391, %broadcast_in_dim3A_392 : vector<16xi1>, vector<16xi32>
        %add3A_394 = arith.addi %add3A_306, %select_n3A_393 : vector<16xi32>
        %le3A_395 = arith.cmpf ole, %gather3A_354, %get3A_150 : vector<16xf32>
        %jit3A_396 = arith.constant 4096 : i32
        %jit3A_397 = arith.constant 0 : i32
        %broadcast_in_dim3A_398 = vector.broadcast %jit3A_396 : i32 to vector<16xi32>
        %broadcast_in_dim3A_399 = vector.broadcast %jit3A_397 : i32 to vector<16xi32>
        %select_n3A_400 = arith.select %le3A_395, %broadcast_in_dim3A_398, %broadcast_in_dim3A_399 : vector<16xi1>, vector<16xi32>
        %add3A_401 = arith.addi %add3A_313, %select_n3A_400 : vector<16xi32>
        %le3A_402 = arith.cmpf ole, %gather3A_358, %get3A_154 : vector<16xf32>
        %jit3A_403 = arith.constant 4096 : i32
        %jit3A_404 = arith.constant 0 : i32
        %broadcast_in_dim3A_405 = vector.broadcast %jit3A_403 : i32 to vector<16xi32>
        %broadcast_in_dim3A_406 = vector.broadcast %jit3A_404 : i32 to vector<16xi32>
        %select_n3A_407 = arith.select %le3A_402, %broadcast_in_dim3A_405, %broadcast_in_dim3A_406 : vector<16xi1>, vector<16xi32>
        %add3A_408 = arith.addi %add3A_320, %select_n3A_407 : vector<16xi32>
        %le3A_409 = arith.cmpf ole, %gather3A_362, %get3A_158 : vector<16xf32>
        %jit3A_410 = arith.constant 4096 : i32
        %jit3A_411 = arith.constant 0 : i32
        %broadcast_in_dim3A_412 = vector.broadcast %jit3A_410 : i32 to vector<16xi32>
        %broadcast_in_dim3A_413 = vector.broadcast %jit3A_411 : i32 to vector<16xi32>
        %select_n3A_414 = arith.select %le3A_409, %broadcast_in_dim3A_412, %broadcast_in_dim3A_413 : vector<16xi1>, vector<16xi32>
        %add3A_415 = arith.addi %add3A_327, %select_n3A_414 : vector<16xi32>
        %le3A_416 = arith.cmpf ole, %gather3A_366, %get3A_162 : vector<16xf32>
        %jit3A_417 = arith.constant 4096 : i32
        %jit3A_418 = arith.constant 0 : i32
        %broadcast_in_dim3A_419 = vector.broadcast %jit3A_417 : i32 to vector<16xi32>
        %broadcast_in_dim3A_420 = vector.broadcast %jit3A_418 : i32 to vector<16xi32>
        %select_n3A_421 = arith.select %le3A_416, %broadcast_in_dim3A_419, %broadcast_in_dim3A_420 : vector<16xi1>, vector<16xi32>
        %add3A_422 = arith.addi %add3A_334, %select_n3A_421 : vector<16xi32>
        %add3A_423 = arith.constant 1920 : i32
        %add3A_424 = vector.broadcast %add3A_423 : i32 to vector<16xi32>
        %add3A_425 = arith.addi %add3A_373, %add3A_424 : vector<16xi32>
        %gather3A_426 = tpu.vector_load_idx %arg6[%add3A_425] : memref<32768xf32, #tpu.memory_space<vmem>>[vector<16xi32>], vector<16xf32>,
        %add3A_427 = arith.constant 1920 : i32
        %add3A_428 = vector.broadcast %add3A_427 : i32 to vector<16xi32>
        %add3A_429 = arith.addi %add3A_380, %add3A_428 : vector<16xi32>
        %gather3A_430 = tpu.vector_load_idx %arg6[%add3A_429] : memref<32768xf32, #tpu.memory_space<vmem>>[vector<16xi32>], vector<16xf32>,
        %add3A_431 = arith.constant 1920 : i32
        %add3A_432 = vector.broadcast %add3A_431 : i32 to vector<16xi32>
        %add3A_433 = arith.addi %add3A_387, %add3A_432 : vector<16xi32>
        %gather3A_434 = tpu.vector_load_idx %arg6[%add3A_433] : memref<32768xf32, #tpu.memory_space<vmem>>[vector<16xi32>], vector<16xf32>,
        %add3A_435 = arith.constant 1920 : i32
        %add3A_436 = vector.broadcast %add3A_435 : i32 to vector<16xi32>
        %add3A_437 = arith.addi %add3A_394, %add3A_436 : vector<16xi32>
        %gather3A_438 = tpu.vector_load_idx %arg6[%add3A_437] : memref<32768xf32, #tpu.memory_space<vmem>>[vector<16xi32>], vector<16xf32>,
        %add3A_439 = arith.constant 1920 : i32
        %add3A_440 = vector.broadcast %add3A_439 : i32 to vector<16xi32>
        %add3A_441 = arith.addi %add3A_401, %add3A_440 : vector<16xi32>
        %gather3A_442 = tpu.vector_load_idx %arg6[%add3A_441] : memref<32768xf32, #tpu.memory_space<vmem>>[vector<16xi32>], vector<16xf32>,
        %add3A_443 = arith.constant 1920 : i32
        %add3A_444 = vector.broadcast %add3A_443 : i32 to vector<16xi32>
        %add3A_445 = arith.addi %add3A_408, %add3A_444 : vector<16xi32>
        %gather3A_446 = tpu.vector_load_idx %arg6[%add3A_445] : memref<32768xf32, #tpu.memory_space<vmem>>[vector<16xi32>], vector<16xf32>,
        %add3A_447 = arith.constant 1920 : i32
        %add3A_448 = vector.broadcast %add3A_447 : i32 to vector<16xi32>
        %add3A_449 = arith.addi %add3A_415, %add3A_448 : vector<16xi32>
        %gather3A_450 = tpu.vector_load_idx %arg6[%add3A_449] : memref<32768xf32, #tpu.memory_space<vmem>>[vector<16xi32>], vector<16xf32>,
        %add3A_451 = arith.constant 1920 : i32
        %add3A_452 = vector.broadcast %add3A_451 : i32 to vector<16xi32>
        %add3A_453 = arith.addi %add3A_422, %add3A_452 : vector<16xi32>
        %gather3A_454 = tpu.vector_load_idx %arg6[%add3A_453] : memref<32768xf32, #tpu.memory_space<vmem>>[vector<16xi32>], vector<16xf32>,
        %le3A_455 = arith.cmpf ole, %gather3A_426, %get3A_134 : vector<16xf32>
        %jit3A_456 = arith.constant 2048 : i32
        %jit3A_457 = arith.constant 0 : i32
        %broadcast_in_dim3A_458 = vector.broadcast %jit3A_456 : i32 to vector<16xi32>
        %broadcast_in_dim3A_459 = vector.broadcast %jit3A_457 : i32 to vector<16xi32>
        %select_n3A_460 = arith.select %le3A_455, %broadcast_in_dim3A_458, %broadcast_in_dim3A_459 : vector<16xi1>, vector<16xi32>
        %add3A_461 = arith.addi %add3A_373, %select_n3A_460 : vector<16xi32>
        %le3A_462 = arith.cmpf ole, %gather3A_430, %get3A_138 : vector<16xf32>
        %jit3A_463 = arith.constant 2048 : i32
        %jit3A_464 = arith.constant 0 : i32
        %broadcast_in_dim3A_465 = vector.broadcast %jit3A_463 : i32 to vector<16xi32>
        %broadcast_in_dim3A_466 = vector.broadcast %jit3A_464 : i32 to vector<16xi32>
        %select_n3A_467 = arith.select %le3A_462, %broadcast_in_dim3A_465, %broadcast_in_dim3A_466 : vector<16xi1>, vector<16xi32>
        %add3A_468 = arith.addi %add3A_380, %select_n3A_467 : vector<16xi32>
        %le3A_469 = arith.cmpf ole, %gather3A_434, %get3A_142 : vector<16xf32>
        %jit3A_470 = arith.constant 2048 : i32
        %jit3A_471 = arith.constant 0 : i32
        %broadcast_in_dim3A_472 = vector.broadcast %jit3A_470 : i32 to vector<16xi32>
        %broadcast_in_dim3A_473 = vector.broadcast %jit3A_471 : i32 to vector<16xi32>
        %select_n3A_474 = arith.select %le3A_469, %broadcast_in_dim3A_472, %broadcast_in_dim3A_473 : vector<16xi1>, vector<16xi32>
        %add3A_475 = arith.addi %add3A_387, %select_n3A_474 : vector<16xi32>
        %le3A_476 = arith.cmpf ole, %gather3A_438, %get3A_146 : vector<16xf32>
        %jit3A_477 = arith.constant 2048 : i32
        %jit3A_478 = arith.constant 0 : i32
        %broadcast_in_dim3A_479 = vector.broadcast %jit3A_477 : i32 to vector<16xi32>
        %broadcast_in_dim3A_480 = vector.broadcast %jit3A_478 : i32 to vector<16xi32>
        %select_n3A_481 = arith.select %le3A_476, %broadcast_in_dim3A_479, %broadcast_in_dim3A_480 : vector<16xi1>, vector<16xi32>
        %add3A_482 = arith.addi %add3A_394, %select_n3A_481 : vector<16xi32>
        %le3A_483 = arith.cmpf ole, %gather3A_442, %get3A_150 : vector<16xf32>
        %jit3A_484 = arith.constant 2048 : i32
        %jit3A_485 = arith.constant 0 : i32
        %broadcast_in_dim3A_486 = vector.broadcast %jit3A_484 : i32 to vector<16xi32>
        %broadcast_in_dim3A_487 = vector.broadcast %jit3A_485 : i32 to vector<16xi32>
        %select_n3A_488 = arith.select %le3A_483, %broadcast_in_dim3A_486, %broadcast_in_dim3A_487 : vector<16xi1>, vector<16xi32>
        %add3A_489 = arith.addi %add3A_401, %select_n3A_488 : vector<16xi32>
        %le3A_490 = arith.cmpf ole, %gather3A_446, %get3A_154 : vector<16xf32>
        %jit3A_491 = arith.constant 2048 : i32
        %jit3A_492 = arith.constant 0 : i32
        %broadcast_in_dim3A_493 = vector.broadcast %jit3A_491 : i32 to vector<16xi32>
        %broadcast_in_dim3A_494 = vector.broadcast %jit3A_492 : i32 to vector<16xi32>
        %select_n3A_495 = arith.select %le3A_490, %broadcast_in_dim3A_493, %broadcast_in_dim3A_494 : vector<16xi1>, vector<16xi32>
        %add3A_496 = arith.addi %add3A_408, %select_n3A_495 : vector<16xi32>
        %le3A_497 = arith.cmpf ole, %gather3A_450, %get3A_158 : vector<16xf32>
        %jit3A_498 = arith.constant 2048 : i32
        %jit3A_499 = arith.constant 0 : i32
        %broadcast_in_dim3A_500 = vector.broadcast %jit3A_498 : i32 to vector<16xi32>
        %broadcast_in_dim3A_501 = vector.broadcast %jit3A_499 : i32 to vector<16xi32>
        %select_n3A_502 = arith.select %le3A_497, %broadcast_in_dim3A_500, %broadcast_in_dim3A_501 : vector<16xi1>, vector<16xi32>
        %add3A_503 = arith.addi %add3A_415, %select_n3A_502 : vector<16xi32>
        %le3A_504 = arith.cmpf ole, %gather3A_454, %get3A_162 : vector<16xf32>
        %jit3A_505 = arith.constant 2048 : i32
        %jit3A_506 = arith.constant 0 : i32
        %broadcast_in_dim3A_507 = vector.broadcast %jit3A_505 : i32 to vector<16xi32>
        %broadcast_in_dim3A_508 = vector.broadcast %jit3A_506 : i32 to vector<16xi32>
        %select_n3A_509 = arith.select %le3A_504, %broadcast_in_dim3A_507, %broadcast_in_dim3A_508 : vector<16xi1>, vector<16xi32>
        %add3A_510 = arith.addi %add3A_422, %select_n3A_509 : vector<16xi32>
        %add3A_511 = arith.constant 896 : i32
        %add3A_512 = vector.broadcast %add3A_511 : i32 to vector<16xi32>
        %add3A_513 = arith.addi %add3A_461, %add3A_512 : vector<16xi32>
        %gather3A_514 = tpu.vector_load_idx %arg6[%add3A_513] : memref<32768xf32, #tpu.memory_space<vmem>>[vector<16xi32>], vector<16xf32>,
        %add3A_515 = arith.constant 896 : i32
        %add3A_516 = vector.broadcast %add3A_515 : i32 to vector<16xi32>
        %add3A_517 = arith.addi %add3A_468, %add3A_516 : vector<16xi32>
        %gather3A_518 = tpu.vector_load_idx %arg6[%add3A_517] : memref<32768xf32, #tpu.memory_space<vmem>>[vector<16xi32>], vector<16xf32>,
        %add3A_519 = arith.constant 896 : i32
        %add3A_520 = vector.broadcast %add3A_519 : i32 to vector<16xi32>
        %add3A_521 = arith.addi %add3A_475, %add3A_520 : vector<16xi32>
        %gather3A_522 = tpu.vector_load_idx %arg6[%add3A_521] : memref<32768xf32, #tpu.memory_space<vmem>>[vector<16xi32>], vector<16xf32>,
        %add3A_523 = arith.constant 896 : i32
        %add3A_524 = vector.broadcast %add3A_523 : i32 to vector<16xi32>
        %add3A_525 = arith.addi %add3A_482, %add3A_524 : vector<16xi32>
        %gather3A_526 = tpu.vector_load_idx %arg6[%add3A_525] : memref<32768xf32, #tpu.memory_space<vmem>>[vector<16xi32>], vector<16xf32>,
        %add3A_527 = arith.constant 896 : i32
        %add3A_528 = vector.broadcast %add3A_527 : i32 to vector<16xi32>
        %add3A_529 = arith.addi %add3A_489, %add3A_528 : vector<16xi32>
        %gather3A_530 = tpu.vector_load_idx %arg6[%add3A_529] : memref<32768xf32, #tpu.memory_space<vmem>>[vector<16xi32>], vector<16xf32>,
        %add3A_531 = arith.constant 896 : i32
        %add3A_532 = vector.broadcast %add3A_531 : i32 to vector<16xi32>
        %add3A_533 = arith.addi %add3A_496, %add3A_532 : vector<16xi32>
        %gather3A_534 = tpu.vector_load_idx %arg6[%add3A_533] : memref<32768xf32, #tpu.memory_space<vmem>>[vector<16xi32>], vector<16xf32>,
        %add3A_535 = arith.constant 896 : i32
        %add3A_536 = vector.broadcast %add3A_535 : i32 to vector<16xi32>
        %add3A_537 = arith.addi %add3A_503, %add3A_536 : vector<16xi32>
        %gather3A_538 = tpu.vector_load_idx %arg6[%add3A_537] : memref<32768xf32, #tpu.memory_space<vmem>>[vector<16xi32>], vector<16xf32>,
        %add3A_539 = arith.constant 896 : i32
        %add3A_540 = vector.broadcast %add3A_539 : i32 to vector<16xi32>
        %add3A_541 = arith.addi %add3A_510, %add3A_540 : vector<16xi32>
        %gather3A_542 = tpu.vector_load_idx %arg6[%add3A_541] : memref<32768xf32, #tpu.memory_space<vmem>>[vector<16xi32>], vector<16xf32>,
        %le3A_543 = arith.cmpf ole, %gather3A_514, %get3A_134 : vector<16xf32>
        %jit3A_544 = arith.constant 1024 : i32
        %jit3A_545 = arith.constant 0 : i32
        %broadcast_in_dim3A_546 = vector.broadcast %jit3A_544 : i32 to vector<16xi32>
        %broadcast_in_dim3A_547 = vector.broadcast %jit3A_545 : i32 to vector<16xi32>
        %select_n3A_548 = arith.select %le3A_543, %broadcast_in_dim3A_546, %broadcast_in_dim3A_547 : vector<16xi1>, vector<16xi32>
        %add3A_549 = arith.addi %add3A_461, %select_n3A_548 : vector<16xi32>
        %le3A_550 = arith.cmpf ole, %gather3A_518, %get3A_138 : vector<16xf32>
        %jit3A_551 = arith.constant 1024 : i32
        %jit3A_552 = arith.constant 0 : i32
        %broadcast_in_dim3A_553 = vector.broadcast %jit3A_551 : i32 to vector<16xi32>
        %broadcast_in_dim3A_554 = vector.broadcast %jit3A_552 : i32 to vector<16xi32>
        %select_n3A_555 = arith.select %le3A_550, %broadcast_in_dim3A_553, %broadcast_in_dim3A_554 : vector<16xi1>, vector<16xi32>
        %add3A_556 = arith.addi %add3A_468, %select_n3A_555 : vector<16xi32>
        %le3A_557 = arith.cmpf ole, %gather3A_522, %get3A_142 : vector<16xf32>
        %jit3A_558 = arith.constant 1024 : i32
        %jit3A_559 = arith.constant 0 : i32
        %broadcast_in_dim3A_560 = vector.broadcast %jit3A_558 : i32 to vector<16xi32>
        %broadcast_in_dim3A_561 = vector.broadcast %jit3A_559 : i32 to vector<16xi32>
        %select_n3A_562 = arith.select %le3A_557, %broadcast_in_dim3A_560, %broadcast_in_dim3A_561 : vector<16xi1>, vector<16xi32>
        %add3A_563 = arith.addi %add3A_475, %select_n3A_562 : vector<16xi32>
        %le3A_564 = arith.cmpf ole, %gather3A_526, %get3A_146 : vector<16xf32>
        %jit3A_565 = arith.constant 1024 : i32
        %jit3A_566 = arith.constant 0 : i32
        %broadcast_in_dim3A_567 = vector.broadcast %jit3A_565 : i32 to vector<16xi32>
        %broadcast_in_dim3A_568 = vector.broadcast %jit3A_566 : i32 to vector<16xi32>
        %select_n3A_569 = arith.select %le3A_564, %broadcast_in_dim3A_567, %broadcast_in_dim3A_568 : vector<16xi1>, vector<16xi32>
        %add3A_570 = arith.addi %add3A_482, %select_n3A_569 : vector<16xi32>
        %le3A_571 = arith.cmpf ole, %gather3A_530, %get3A_150 : vector<16xf32>
        %jit3A_572 = arith.constant 1024 : i32
        %jit3A_573 = arith.constant 0 : i32
        %broadcast_in_dim3A_574 = vector.broadcast %jit3A_572 : i32 to vector<16xi32>
        %broadcast_in_dim3A_575 = vector.broadcast %jit3A_573 : i32 to vector<16xi32>
        %select_n3A_576 = arith.select %le3A_571, %broadcast_in_dim3A_574, %broadcast_in_dim3A_575 : vector<16xi1>, vector<16xi32>
        %add3A_577 = arith.addi %add3A_489, %select_n3A_576 : vector<16xi32>
        %le3A_578 = arith.cmpf ole, %gather3A_534, %get3A_154 : vector<16xf32>
        %jit3A_579 = arith.constant 1024 : i32
        %jit3A_580 = arith.constant 0 : i32
        %broadcast_in_dim3A_581 = vector.broadcast %jit3A_579 : i32 to vector<16xi32>
        %broadcast_in_dim3A_582 = vector.broadcast %jit3A_580 : i32 to vector<16xi32>
        %select_n3A_583 = arith.select %le3A_578, %broadcast_in_dim3A_581, %broadcast_in_dim3A_582 : vector<16xi1>, vector<16xi32>
        %add3A_584 = arith.addi %add3A_496, %select_n3A_583 : vector<16xi32>
        %le3A_585 = arith.cmpf ole, %gather3A_538, %get3A_158 : vector<16xf32>
        %jit3A_586 = arith.constant 1024 : i32
        %jit3A_587 = arith.constant 0 : i32
        %broadcast_in_dim3A_588 = vector.broadcast %jit3A_586 : i32 to vector<16xi32>
        %broadcast_in_dim3A_589 = vector.broadcast %jit3A_587 : i32 to vector<16xi32>
        %select_n3A_590 = arith.select %le3A_585, %broadcast_in_dim3A_588, %broadcast_in_dim3A_589 : vector<16xi1>, vector<16xi32>
        %add3A_591 = arith.addi %add3A_503, %select_n3A_590 : vector<16xi32>
        %le3A_592 = arith.cmpf ole, %gather3A_542, %get3A_162 : vector<16xf32>
        %jit3A_593 = arith.constant 1024 : i32
        %jit3A_594 = arith.constant 0 : i32
        %broadcast_in_dim3A_595 = vector.broadcast %jit3A_593 : i32 to vector<16xi32>
        %broadcast_in_dim3A_596 = vector.broadcast %jit3A_594 : i32 to vector<16xi32>
        %select_n3A_597 = arith.select %le3A_592, %broadcast_in_dim3A_595, %broadcast_in_dim3A_596 : vector<16xi1>, vector<16xi32>
        %add3A_598 = arith.addi %add3A_510, %select_n3A_597 : vector<16xi32>
        %add3A_599 = arith.constant 384 : i32
        %add3A_600 = vector.broadcast %add3A_599 : i32 to vector<16xi32>
        %add3A_601 = arith.addi %add3A_549, %add3A_600 : vector<16xi32>
        %gather3A_602 = tpu.vector_load_idx %arg6[%add3A_601] : memref<32768xf32, #tpu.memory_space<vmem>>[vector<16xi32>], vector<16xf32>,
        %add3A_603 = arith.constant 384 : i32
        %add3A_604 = vector.broadcast %add3A_603 : i32 to vector<16xi32>
        %add3A_605 = arith.addi %add3A_556, %add3A_604 : vector<16xi32>
        %gather3A_606 = tpu.vector_load_idx %arg6[%add3A_605] : memref<32768xf32, #tpu.memory_space<vmem>>[vector<16xi32>], vector<16xf32>,
        %add3A_607 = arith.constant 384 : i32
        %add3A_608 = vector.broadcast %add3A_607 : i32 to vector<16xi32>
        %add3A_609 = arith.addi %add3A_563, %add3A_608 : vector<16xi32>
        %gather3A_610 = tpu.vector_load_idx %arg6[%add3A_609] : memref<32768xf32, #tpu.memory_space<vmem>>[vector<16xi32>], vector<16xf32>,
        %add3A_611 = arith.constant 384 : i32
        %add3A_612 = vector.broadcast %add3A_611 : i32 to vector<16xi32>
        %add3A_613 = arith.addi %add3A_570, %add3A_612 : vector<16xi32>
        %gather3A_614 = tpu.vector_load_idx %arg6[%add3A_613] : memref<32768xf32, #tpu.memory_space<vmem>>[vector<16xi32>], vector<16xf32>,
        %add3A_615 = arith.constant 384 : i32
        %add3A_616 = vector.broadcast %add3A_615 : i32 to vector<16xi32>
        %add3A_617 = arith.addi %add3A_577, %add3A_616 : vector<16xi32>
        %gather3A_618 = tpu.vector_load_idx %arg6[%add3A_617] : memref<32768xf32, #tpu.memory_space<vmem>>[vector<16xi32>], vector<16xf32>,
        %add3A_619 = arith.constant 384 : i32
        %add3A_620 = vector.broadcast %add3A_619 : i32 to vector<16xi32>
        %add3A_621 = arith.addi %add3A_584, %add3A_620 : vector<16xi32>
        %gather3A_622 = tpu.vector_load_idx %arg6[%add3A_621] : memref<32768xf32, #tpu.memory_space<vmem>>[vector<16xi32>], vector<16xf32>,
        %add3A_623 = arith.constant 384 : i32
        %add3A_624 = vector.broadcast %add3A_623 : i32 to vector<16xi32>
        %add3A_625 = arith.addi %add3A_591, %add3A_624 : vector<16xi32>
        %gather3A_626 = tpu.vector_load_idx %arg6[%add3A_625] : memref<32768xf32, #tpu.memory_space<vmem>>[vector<16xi32>], vector<16xf32>,
        %add3A_627 = arith.constant 384 : i32
        %add3A_628 = vector.broadcast %add3A_627 : i32 to vector<16xi32>
        %add3A_629 = arith.addi %add3A_598, %add3A_628 : vector<16xi32>
        %gather3A_630 = tpu.vector_load_idx %arg6[%add3A_629] : memref<32768xf32, #tpu.memory_space<vmem>>[vector<16xi32>], vector<16xf32>,
        %le3A_631 = arith.cmpf ole, %gather3A_602, %get3A_134 : vector<16xf32>
        %jit3A_632 = arith.constant 512 : i32
        %jit3A_633 = arith.constant 0 : i32
        %broadcast_in_dim3A_634 = vector.broadcast %jit3A_632 : i32 to vector<16xi32>
        %broadcast_in_dim3A_635 = vector.broadcast %jit3A_633 : i32 to vector<16xi32>
        %select_n3A_636 = arith.select %le3A_631, %broadcast_in_dim3A_634, %broadcast_in_dim3A_635 : vector<16xi1>, vector<16xi32>
        %add3A_637 = arith.addi %add3A_549, %select_n3A_636 : vector<16xi32>
        %le3A_638 = arith.cmpf ole, %gather3A_606, %get3A_138 : vector<16xf32>
        %jit3A_639 = arith.constant 512 : i32
        %jit3A_640 = arith.constant 0 : i32
        %broadcast_in_dim3A_641 = vector.broadcast %jit3A_639 : i32 to vector<16xi32>
        %broadcast_in_dim3A_642 = vector.broadcast %jit3A_640 : i32 to vector<16xi32>
        %select_n3A_643 = arith.select %le3A_638, %broadcast_in_dim3A_641, %broadcast_in_dim3A_642 : vector<16xi1>, vector<16xi32>
        %add3A_644 = arith.addi %add3A_556, %select_n3A_643 : vector<16xi32>
        %le3A_645 = arith.cmpf ole, %gather3A_610, %get3A_142 : vector<16xf32>
        %jit3A_646 = arith.constant 512 : i32
        %jit3A_647 = arith.constant 0 : i32
        %broadcast_in_dim3A_648 = vector.broadcast %jit3A_646 : i32 to vector<16xi32>
        %broadcast_in_dim3A_649 = vector.broadcast %jit3A_647 : i32 to vector<16xi32>
        %select_n3A_650 = arith.select %le3A_645, %broadcast_in_dim3A_648, %broadcast_in_dim3A_649 : vector<16xi1>, vector<16xi32>
        %add3A_651 = arith.addi %add3A_563, %select_n3A_650 : vector<16xi32>
        %le3A_652 = arith.cmpf ole, %gather3A_614, %get3A_146 : vector<16xf32>
        %jit3A_653 = arith.constant 512 : i32
        %jit3A_654 = arith.constant 0 : i32
        %broadcast_in_dim3A_655 = vector.broadcast %jit3A_653 : i32 to vector<16xi32>
        %broadcast_in_dim3A_656 = vector.broadcast %jit3A_654 : i32 to vector<16xi32>
        %select_n3A_657 = arith.select %le3A_652, %broadcast_in_dim3A_655, %broadcast_in_dim3A_656 : vector<16xi1>, vector<16xi32>
        %add3A_658 = arith.addi %add3A_570, %select_n3A_657 : vector<16xi32>
        %le3A_659 = arith.cmpf ole, %gather3A_618, %get3A_150 : vector<16xf32>
        %jit3A_660 = arith.constant 512 : i32
        %jit3A_661 = arith.constant 0 : i32
        %broadcast_in_dim3A_662 = vector.broadcast %jit3A_660 : i32 to vector<16xi32>
        %broadcast_in_dim3A_663 = vector.broadcast %jit3A_661 : i32 to vector<16xi32>
        %select_n3A_664 = arith.select %le3A_659, %broadcast_in_dim3A_662, %broadcast_in_dim3A_663 : vector<16xi1>, vector<16xi32>
        %add3A_665 = arith.addi %add3A_577, %select_n3A_664 : vector<16xi32>
        %le3A_666 = arith.cmpf ole, %gather3A_622, %get3A_154 : vector<16xf32>
        %jit3A_667 = arith.constant 512 : i32
        %jit3A_668 = arith.constant 0 : i32
        %broadcast_in_dim3A_669 = vector.broadcast %jit3A_667 : i32 to vector<16xi32>
        %broadcast_in_dim3A_670 = vector.broadcast %jit3A_668 : i32 to vector<16xi32>
        %select_n3A_671 = arith.select %le3A_666, %broadcast_in_dim3A_669, %broadcast_in_dim3A_670 : vector<16xi1>, vector<16xi32>
        %add3A_672 = arith.addi %add3A_584, %select_n3A_671 : vector<16xi32>
        %le3A_673 = arith.cmpf ole, %gather3A_626, %get3A_158 : vector<16xf32>
        %jit3A_674 = arith.constant 512 : i32
        %jit3A_675 = arith.constant 0 : i32
        %broadcast_in_dim3A_676 = vector.broadcast %jit3A_674 : i32 to vector<16xi32>
        %broadcast_in_dim3A_677 = vector.broadcast %jit3A_675 : i32 to vector<16xi32>
        %select_n3A_678 = arith.select %le3A_673, %broadcast_in_dim3A_676, %broadcast_in_dim3A_677 : vector<16xi1>, vector<16xi32>
        %add3A_679 = arith.addi %add3A_591, %select_n3A_678 : vector<16xi32>
        %le3A_680 = arith.cmpf ole, %gather3A_630, %get3A_162 : vector<16xf32>
        %jit3A_681 = arith.constant 512 : i32
        %jit3A_682 = arith.constant 0 : i32
        %broadcast_in_dim3A_683 = vector.broadcast %jit3A_681 : i32 to vector<16xi32>
        %broadcast_in_dim3A_684 = vector.broadcast %jit3A_682 : i32 to vector<16xi32>
        %select_n3A_685 = arith.select %le3A_680, %broadcast_in_dim3A_683, %broadcast_in_dim3A_684 : vector<16xi1>, vector<16xi32>
        %add3A_686 = arith.addi %add3A_598, %select_n3A_685 : vector<16xi32>
        %add3A_687 = arith.constant 128 : i32
        %add3A_688 = vector.broadcast %add3A_687 : i32 to vector<16xi32>
        %add3A_689 = arith.addi %add3A_637, %add3A_688 : vector<16xi32>
        %gather3A_690 = tpu.vector_load_idx %arg6[%add3A_689] : memref<32768xf32, #tpu.memory_space<vmem>>[vector<16xi32>], vector<16xf32>,
        %add3A_691 = arith.constant 128 : i32
        %add3A_692 = vector.broadcast %add3A_691 : i32 to vector<16xi32>
        %add3A_693 = arith.addi %add3A_644, %add3A_692 : vector<16xi32>
        %gather3A_694 = tpu.vector_load_idx %arg6[%add3A_693] : memref<32768xf32, #tpu.memory_space<vmem>>[vector<16xi32>], vector<16xf32>,
        %add3A_695 = arith.constant 128 : i32
        %add3A_696 = vector.broadcast %add3A_695 : i32 to vector<16xi32>
        %add3A_697 = arith.addi %add3A_651, %add3A_696 : vector<16xi32>
        %gather3A_698 = tpu.vector_load_idx %arg6[%add3A_697] : memref<32768xf32, #tpu.memory_space<vmem>>[vector<16xi32>], vector<16xf32>,
        %add3A_699 = arith.constant 128 : i32
        %add3A_700 = vector.broadcast %add3A_699 : i32 to vector<16xi32>
        %add3A_701 = arith.addi %add3A_658, %add3A_700 : vector<16xi32>
        %gather3A_702 = tpu.vector_load_idx %arg6[%add3A_701] : memref<32768xf32, #tpu.memory_space<vmem>>[vector<16xi32>], vector<16xf32>,
        %add3A_703 = arith.constant 128 : i32
        %add3A_704 = vector.broadcast %add3A_703 : i32 to vector<16xi32>
        %add3A_705 = arith.addi %add3A_665, %add3A_704 : vector<16xi32>
        %gather3A_706 = tpu.vector_load_idx %arg6[%add3A_705] : memref<32768xf32, #tpu.memory_space<vmem>>[vector<16xi32>], vector<16xf32>,
        %add3A_707 = arith.constant 128 : i32
        %add3A_708 = vector.broadcast %add3A_707 : i32 to vector<16xi32>
        %add3A_709 = arith.addi %add3A_672, %add3A_708 : vector<16xi32>
        %gather3A_710 = tpu.vector_load_idx %arg6[%add3A_709] : memref<32768xf32, #tpu.memory_space<vmem>>[vector<16xi32>], vector<16xf32>,
        %add3A_711 = arith.constant 128 : i32
        %add3A_712 = vector.broadcast %add3A_711 : i32 to vector<16xi32>
        %add3A_713 = arith.addi %add3A_679, %add3A_712 : vector<16xi32>
        %gather3A_714 = tpu.vector_load_idx %arg6[%add3A_713] : memref<32768xf32, #tpu.memory_space<vmem>>[vector<16xi32>], vector<16xf32>,
        %add3A_715 = arith.constant 128 : i32
        %add3A_716 = vector.broadcast %add3A_715 : i32 to vector<16xi32>
        %add3A_717 = arith.addi %add3A_686, %add3A_716 : vector<16xi32>
        %gather3A_718 = tpu.vector_load_idx %arg6[%add3A_717] : memref<32768xf32, #tpu.memory_space<vmem>>[vector<16xi32>], vector<16xf32>,
        %le3A_719 = arith.cmpf ole, %gather3A_690, %get3A_134 : vector<16xf32>
        %jit3A_720 = arith.constant 256 : i32
        %jit3A_721 = arith.constant 0 : i32
        %broadcast_in_dim3A_722 = vector.broadcast %jit3A_720 : i32 to vector<16xi32>
        %broadcast_in_dim3A_723 = vector.broadcast %jit3A_721 : i32 to vector<16xi32>
        %select_n3A_724 = arith.select %le3A_719, %broadcast_in_dim3A_722, %broadcast_in_dim3A_723 : vector<16xi1>, vector<16xi32>
        %add3A_725 = arith.addi %add3A_637, %select_n3A_724 : vector<16xi32>
        %le3A_726 = arith.cmpf ole, %gather3A_694, %get3A_138 : vector<16xf32>
        %jit3A_727 = arith.constant 256 : i32
        %jit3A_728 = arith.constant 0 : i32
        %broadcast_in_dim3A_729 = vector.broadcast %jit3A_727 : i32 to vector<16xi32>
        %broadcast_in_dim3A_730 = vector.broadcast %jit3A_728 : i32 to vector<16xi32>
        %select_n3A_731 = arith.select %le3A_726, %broadcast_in_dim3A_729, %broadcast_in_dim3A_730 : vector<16xi1>, vector<16xi32>
        %add3A_732 = arith.addi %add3A_644, %select_n3A_731 : vector<16xi32>
        %le3A_733 = arith.cmpf ole, %gather3A_698, %get3A_142 : vector<16xf32>
        %jit3A_734 = arith.constant 256 : i32
        %jit3A_735 = arith.constant 0 : i32
        %broadcast_in_dim3A_736 = vector.broadcast %jit3A_734 : i32 to vector<16xi32>
        %broadcast_in_dim3A_737 = vector.broadcast %jit3A_735 : i32 to vector<16xi32>
        %select_n3A_738 = arith.select %le3A_733, %broadcast_in_dim3A_736, %broadcast_in_dim3A_737 : vector<16xi1>, vector<16xi32>
        %add3A_739 = arith.addi %add3A_651, %select_n3A_738 : vector<16xi32>
        %le3A_740 = arith.cmpf ole, %gather3A_702, %get3A_146 : vector<16xf32>
        %jit3A_741 = arith.constant 256 : i32
        %jit3A_742 = arith.constant 0 : i32
        %broadcast_in_dim3A_743 = vector.broadcast %jit3A_741 : i32 to vector<16xi32>
        %broadcast_in_dim3A_744 = vector.broadcast %jit3A_742 : i32 to vector<16xi32>
        %select_n3A_745 = arith.select %le3A_740, %broadcast_in_dim3A_743, %broadcast_in_dim3A_744 : vector<16xi1>, vector<16xi32>
        %add3A_746 = arith.addi %add3A_658, %select_n3A_745 : vector<16xi32>
        %le3A_747 = arith.cmpf ole, %gather3A_706, %get3A_150 : vector<16xf32>
        %jit3A_748 = arith.constant 256 : i32
        %jit3A_749 = arith.constant 0 : i32
        %broadcast_in_dim3A_750 = vector.broadcast %jit3A_748 : i32 to vector<16xi32>
        %broadcast_in_dim3A_751 = vector.broadcast %jit3A_749 : i32 to vector<16xi32>
        %select_n3A_752 = arith.select %le3A_747, %broadcast_in_dim3A_750, %broadcast_in_dim3A_751 : vector<16xi1>, vector<16xi32>
        %add3A_753 = arith.addi %add3A_665, %select_n3A_752 : vector<16xi32>
        %le3A_754 = arith.cmpf ole, %gather3A_710, %get3A_154 : vector<16xf32>
        %jit3A_755 = arith.constant 256 : i32
        %jit3A_756 = arith.constant 0 : i32
        %broadcast_in_dim3A_757 = vector.broadcast %jit3A_755 : i32 to vector<16xi32>
        %broadcast_in_dim3A_758 = vector.broadcast %jit3A_756 : i32 to vector<16xi32>
        %select_n3A_759 = arith.select %le3A_754, %broadcast_in_dim3A_757, %broadcast_in_dim3A_758 : vector<16xi1>, vector<16xi32>
        %add3A_760 = arith.addi %add3A_672, %select_n3A_759 : vector<16xi32>
        %le3A_761 = arith.cmpf ole, %gather3A_714, %get3A_158 : vector<16xf32>
        %jit3A_762 = arith.constant 256 : i32
        %jit3A_763 = arith.constant 0 : i32
        %broadcast_in_dim3A_764 = vector.broadcast %jit3A_762 : i32 to vector<16xi32>
        %broadcast_in_dim3A_765 = vector.broadcast %jit3A_763 : i32 to vector<16xi32>
        %select_n3A_766 = arith.select %le3A_761, %broadcast_in_dim3A_764, %broadcast_in_dim3A_765 : vector<16xi1>, vector<16xi32>
        %add3A_767 = arith.addi %add3A_679, %select_n3A_766 : vector<16xi32>
        %le3A_768 = arith.cmpf ole, %gather3A_718, %get3A_162 : vector<16xf32>
        %jit3A_769 = arith.constant 256 : i32
        %jit3A_770 = arith.constant 0 : i32
        %broadcast_in_dim3A_771 = vector.broadcast %jit3A_769 : i32 to vector<16xi32>
        %broadcast_in_dim3A_772 = vector.broadcast %jit3A_770 : i32 to vector<16xi32>
        %select_n3A_773 = arith.select %le3A_768, %broadcast_in_dim3A_771, %broadcast_in_dim3A_772 : vector<16xi1>, vector<16xi32>
        %add3A_774 = arith.addi %add3A_686, %select_n3A_773 : vector<16xi32>
        %add3A_775 = arith.constant 0 : i32
        %add3A_776 = vector.broadcast %add3A_775 : i32 to vector<16xi32>
        %add3A_777 = arith.addi %add3A_725, %add3A_776 : vector<16xi32>
        %gather3A_778 = tpu.vector_load_idx %arg6[%add3A_777] : memref<32768xf32, #tpu.memory_space<vmem>>[vector<16xi32>], vector<16xf32>,
        %add3A_779 = arith.constant 0 : i32
        %add3A_780 = vector.broadcast %add3A_779 : i32 to vector<16xi32>
        %add3A_781 = arith.addi %add3A_732, %add3A_780 : vector<16xi32>
        %gather3A_782 = tpu.vector_load_idx %arg6[%add3A_781] : memref<32768xf32, #tpu.memory_space<vmem>>[vector<16xi32>], vector<16xf32>,
        %add3A_783 = arith.constant 0 : i32
        %add3A_784 = vector.broadcast %add3A_783 : i32 to vector<16xi32>
        %add3A_785 = arith.addi %add3A_739, %add3A_784 : vector<16xi32>
        %gather3A_786 = tpu.vector_load_idx %arg6[%add3A_785] : memref<32768xf32, #tpu.memory_space<vmem>>[vector<16xi32>], vector<16xf32>,
        %add3A_787 = arith.constant 0 : i32
        %add3A_788 = vector.broadcast %add3A_787 : i32 to vector<16xi32>
        %add3A_789 = arith.addi %add3A_746, %add3A_788 : vector<16xi32>
        %gather3A_790 = tpu.vector_load_idx %arg6[%add3A_789] : memref<32768xf32, #tpu.memory_space<vmem>>[vector<16xi32>], vector<16xf32>,
        %add3A_791 = arith.constant 0 : i32
        %add3A_792 = vector.broadcast %add3A_791 : i32 to vector<16xi32>
        %add3A_793 = arith.addi %add3A_753, %add3A_792 : vector<16xi32>
        %gather3A_794 = tpu.vector_load_idx %arg6[%add3A_793] : memref<32768xf32, #tpu.memory_space<vmem>>[vector<16xi32>], vector<16xf32>,
        %add3A_795 = arith.constant 0 : i32
        %add3A_796 = vector.broadcast %add3A_795 : i32 to vector<16xi32>
        %add3A_797 = arith.addi %add3A_760, %add3A_796 : vector<16xi32>
        %gather3A_798 = tpu.vector_load_idx %arg6[%add3A_797] : memref<32768xf32, #tpu.memory_space<vmem>>[vector<16xi32>], vector<16xf32>,
        %add3A_799 = arith.constant 0 : i32
        %add3A_800 = vector.broadcast %add3A_799 : i32 to vector<16xi32>
        %add3A_801 = arith.addi %add3A_767, %add3A_800 : vector<16xi32>
        %gather3A_802 = tpu.vector_load_idx %arg6[%add3A_801] : memref<32768xf32, #tpu.memory_space<vmem>>[vector<16xi32>], vector<16xf32>,
        %add3A_803 = arith.constant 0 : i32
        %add3A_804 = vector.broadcast %add3A_803 : i32 to vector<16xi32>
        %add3A_805 = arith.addi %add3A_774, %add3A_804 : vector<16xi32>
        %gather3A_806 = tpu.vector_load_idx %arg6[%add3A_805] : memref<32768xf32, #tpu.memory_space<vmem>>[vector<16xi32>], vector<16xf32>,
        %le3A_807 = arith.cmpf ole, %gather3A_778, %get3A_134 : vector<16xf32>
        %jit3A_808 = arith.constant 128 : i32
        %jit3A_809 = arith.constant 0 : i32
        %broadcast_in_dim3A_810 = vector.broadcast %jit3A_808 : i32 to vector<16xi32>
        %broadcast_in_dim3A_811 = vector.broadcast %jit3A_809 : i32 to vector<16xi32>
        %select_n3A_812 = arith.select %le3A_807, %broadcast_in_dim3A_810, %broadcast_in_dim3A_811 : vector<16xi1>, vector<16xi32>
        %add3A_813 = arith.addi %add3A_725, %select_n3A_812 : vector<16xi32>
        %le3A_814 = arith.cmpf ole, %gather3A_782, %get3A_138 : vector<16xf32>
        %jit3A_815 = arith.constant 128 : i32
        %jit3A_816 = arith.constant 0 : i32
        %broadcast_in_dim3A_817 = vector.broadcast %jit3A_815 : i32 to vector<16xi32>
        %broadcast_in_dim3A_818 = vector.broadcast %jit3A_816 : i32 to vector<16xi32>
        %select_n3A_819 = arith.select %le3A_814, %broadcast_in_dim3A_817, %broadcast_in_dim3A_818 : vector<16xi1>, vector<16xi32>
        %add3A_820 = arith.addi %add3A_732, %select_n3A_819 : vector<16xi32>
        %le3A_821 = arith.cmpf ole, %gather3A_786, %get3A_142 : vector<16xf32>
        %jit3A_822 = arith.constant 128 : i32
        %jit3A_823 = arith.constant 0 : i32
        %broadcast_in_dim3A_824 = vector.broadcast %jit3A_822 : i32 to vector<16xi32>
        %broadcast_in_dim3A_825 = vector.broadcast %jit3A_823 : i32 to vector<16xi32>
        %select_n3A_826 = arith.select %le3A_821, %broadcast_in_dim3A_824, %broadcast_in_dim3A_825 : vector<16xi1>, vector<16xi32>
        %add3A_827 = arith.addi %add3A_739, %select_n3A_826 : vector<16xi32>
        %le3A_828 = arith.cmpf ole, %gather3A_790, %get3A_146 : vector<16xf32>
        %jit3A_829 = arith.constant 128 : i32
        %jit3A_830 = arith.constant 0 : i32
        %broadcast_in_dim3A_831 = vector.broadcast %jit3A_829 : i32 to vector<16xi32>
        %broadcast_in_dim3A_832 = vector.broadcast %jit3A_830 : i32 to vector<16xi32>
        %select_n3A_833 = arith.select %le3A_828, %broadcast_in_dim3A_831, %broadcast_in_dim3A_832 : vector<16xi1>, vector<16xi32>
        %add3A_834 = arith.addi %add3A_746, %select_n3A_833 : vector<16xi32>
        %le3A_835 = arith.cmpf ole, %gather3A_794, %get3A_150 : vector<16xf32>
        %jit3A_836 = arith.constant 128 : i32
        %jit3A_837 = arith.constant 0 : i32
        %broadcast_in_dim3A_838 = vector.broadcast %jit3A_836 : i32 to vector<16xi32>
        %broadcast_in_dim3A_839 = vector.broadcast %jit3A_837 : i32 to vector<16xi32>
        %select_n3A_840 = arith.select %le3A_835, %broadcast_in_dim3A_838, %broadcast_in_dim3A_839 : vector<16xi1>, vector<16xi32>
        %add3A_841 = arith.addi %add3A_753, %select_n3A_840 : vector<16xi32>
        %le3A_842 = arith.cmpf ole, %gather3A_798, %get3A_154 : vector<16xf32>
        %jit3A_843 = arith.constant 128 : i32
        %jit3A_844 = arith.constant 0 : i32
        %broadcast_in_dim3A_845 = vector.broadcast %jit3A_843 : i32 to vector<16xi32>
        %broadcast_in_dim3A_846 = vector.broadcast %jit3A_844 : i32 to vector<16xi32>
        %select_n3A_847 = arith.select %le3A_842, %broadcast_in_dim3A_845, %broadcast_in_dim3A_846 : vector<16xi1>, vector<16xi32>
        %add3A_848 = arith.addi %add3A_760, %select_n3A_847 : vector<16xi32>
        %le3A_849 = arith.cmpf ole, %gather3A_802, %get3A_158 : vector<16xf32>
        %jit3A_850 = arith.constant 128 : i32
        %jit3A_851 = arith.constant 0 : i32
        %broadcast_in_dim3A_852 = vector.broadcast %jit3A_850 : i32 to vector<16xi32>
        %broadcast_in_dim3A_853 = vector.broadcast %jit3A_851 : i32 to vector<16xi32>
        %select_n3A_854 = arith.select %le3A_849, %broadcast_in_dim3A_852, %broadcast_in_dim3A_853 : vector<16xi1>, vector<16xi32>
        %add3A_855 = arith.addi %add3A_767, %select_n3A_854 : vector<16xi32>
        %le3A_856 = arith.cmpf ole, %gather3A_806, %get3A_162 : vector<16xf32>
        %jit3A_857 = arith.constant 128 : i32
        %jit3A_858 = arith.constant 0 : i32
        %broadcast_in_dim3A_859 = vector.broadcast %jit3A_857 : i32 to vector<16xi32>
        %broadcast_in_dim3A_860 = vector.broadcast %jit3A_858 : i32 to vector<16xi32>
        %select_n3A_861 = arith.select %le3A_856, %broadcast_in_dim3A_859, %broadcast_in_dim3A_860 : vector<16xi1>, vector<16xi32>
        %add3A_862 = arith.addi %add3A_774, %select_n3A_861 : vector<16xi32>
        %add3A_863 = arith.constant 128 : i32
        %add3A_864 = vector.broadcast %add3A_863 : i32 to vector<16xi32>
        %add3A_865 = arith.addi %add3A_5, %add3A_864 : vector<16xi32>
        %max3A = arith.maxsi %add3A_813, %add3A_865 : vector<16xi32>
        %add3A_866 = arith.constant 128 : i32
        %add3A_867 = vector.broadcast %add3A_866 : i32 to vector<16xi32>
        %add3A_868 = arith.addi %add3A_8, %add3A_867 : vector<16xi32>
        %max3A_869 = arith.maxsi %add3A_820, %add3A_868 : vector<16xi32>
        %add3A_870 = arith.constant 128 : i32
        %add3A_871 = vector.broadcast %add3A_870 : i32 to vector<16xi32>
        %add3A_872 = arith.addi %add3A_11, %add3A_871 : vector<16xi32>
        %max3A_873 = arith.maxsi %add3A_827, %add3A_872 : vector<16xi32>
        %add3A_874 = arith.constant 128 : i32
        %add3A_875 = vector.broadcast %add3A_874 : i32 to vector<16xi32>
        %add3A_876 = arith.addi %add3A_14, %add3A_875 : vector<16xi32>
        %max3A_877 = arith.maxsi %add3A_834, %add3A_876 : vector<16xi32>
        %add3A_878 = arith.constant 128 : i32
        %add3A_879 = vector.broadcast %add3A_878 : i32 to vector<16xi32>
        %add3A_880 = arith.addi %add3A_17, %add3A_879 : vector<16xi32>
        %max3A_881 = arith.maxsi %add3A_841, %add3A_880 : vector<16xi32>
        %add3A_882 = arith.constant 128 : i32
        %add3A_883 = vector.broadcast %add3A_882 : i32 to vector<16xi32>
        %add3A_884 = arith.addi %add3A_20, %add3A_883 : vector<16xi32>
        %max3A_885 = arith.maxsi %add3A_848, %add3A_884 : vector<16xi32>
        %add3A_886 = arith.constant 128 : i32
        %add3A_887 = vector.broadcast %add3A_886 : i32 to vector<16xi32>
        %add3A_888 = arith.addi %add3A_23, %add3A_887 : vector<16xi32>
        %max3A_889 = arith.maxsi %add3A_855, %add3A_888 : vector<16xi32>
        %add3A_890 = arith.constant 128 : i32
        %add3A_891 = vector.broadcast %add3A_890 : i32 to vector<16xi32>
        %add3A_892 = arith.addi %add3A_26, %add3A_891 : vector<16xi32>
        %max3A_893 = arith.maxsi %add3A_862, %add3A_892 : vector<16xi32>
        %sub3A = arith.constant 128 : i32
        %sub3A_894 = vector.broadcast %sub3A : i32 to vector<16xi32>
        %sub3A_895 = arith.subi %max3A, %sub3A_894 : vector<16xi32>
        %gather3A_896 = tpu.vector_load_idx %arg6[%sub3A_895] : memref<32768xf32, #tpu.memory_space<vmem>>[vector<16xi32>], vector<16xf32>,
        %sub3A_897 = arith.constant 128 : i32
        %sub3A_898 = vector.broadcast %sub3A_897 : i32 to vector<16xi32>
        %sub3A_899 = arith.subi %max3A_869, %sub3A_898 : vector<16xi32>
        %gather3A_900 = tpu.vector_load_idx %arg6[%sub3A_899] : memref<32768xf32, #tpu.memory_space<vmem>>[vector<16xi32>], vector<16xf32>,
        %sub3A_901 = arith.constant 128 : i32
        %sub3A_902 = vector.broadcast %sub3A_901 : i32 to vector<16xi32>
        %sub3A_903 = arith.subi %max3A_873, %sub3A_902 : vector<16xi32>
        %gather3A_904 = tpu.vector_load_idx %arg6[%sub3A_903] : memref<32768xf32, #tpu.memory_space<vmem>>[vector<16xi32>], vector<16xf32>,
        %sub3A_905 = arith.constant 128 : i32
        %sub3A_906 = vector.broadcast %sub3A_905 : i32 to vector<16xi32>
        %sub3A_907 = arith.subi %max3A_877, %sub3A_906 : vector<16xi32>
        %gather3A_908 = tpu.vector_load_idx %arg6[%sub3A_907] : memref<32768xf32, #tpu.memory_space<vmem>>[vector<16xi32>], vector<16xf32>,
        %sub3A_909 = arith.constant 128 : i32
        %sub3A_910 = vector.broadcast %sub3A_909 : i32 to vector<16xi32>
        %sub3A_911 = arith.subi %max3A_881, %sub3A_910 : vector<16xi32>
        %gather3A_912 = tpu.vector_load_idx %arg6[%sub3A_911] : memref<32768xf32, #tpu.memory_space<vmem>>[vector<16xi32>], vector<16xf32>,
        %sub3A_913 = arith.constant 128 : i32
        %sub3A_914 = vector.broadcast %sub3A_913 : i32 to vector<16xi32>
        %sub3A_915 = arith.subi %max3A_885, %sub3A_914 : vector<16xi32>
        %gather3A_916 = tpu.vector_load_idx %arg6[%sub3A_915] : memref<32768xf32, #tpu.memory_space<vmem>>[vector<16xi32>], vector<16xf32>,
        %sub3A_917 = arith.constant 128 : i32
        %sub3A_918 = vector.broadcast %sub3A_917 : i32 to vector<16xi32>
        %sub3A_919 = arith.subi %max3A_889, %sub3A_918 : vector<16xi32>
        %gather3A_920 = tpu.vector_load_idx %arg6[%sub3A_919] : memref<32768xf32, #tpu.memory_space<vmem>>[vector<16xi32>], vector<16xf32>,
        %sub3A_921 = arith.constant 128 : i32
        %sub3A_922 = vector.broadcast %sub3A_921 : i32 to vector<16xi32>
        %sub3A_923 = arith.subi %max3A_893, %sub3A_922 : vector<16xi32>
        %gather3A_924 = tpu.vector_load_idx %arg6[%sub3A_923] : memref<32768xf32, #tpu.memory_space<vmem>>[vector<16xi32>], vector<16xf32>,
        %gather3A_925 = tpu.vector_load_idx %arg6[%max3A] : memref<32768xf32, #tpu.memory_space<vmem>>[vector<16xi32>], vector<16xf32>,
        %gather3A_926 = tpu.vector_load_idx %arg6[%max3A_869] : memref<32768xf32, #tpu.memory_space<vmem>>[vector<16xi32>], vector<16xf32>,
        %gather3A_927 = tpu.vector_load_idx %arg6[%max3A_873] : memref<32768xf32, #tpu.memory_space<vmem>>[vector<16xi32>], vector<16xf32>,
        %gather3A_928 = tpu.vector_load_idx %arg6[%max3A_877] : memref<32768xf32, #tpu.memory_space<vmem>>[vector<16xi32>], vector<16xf32>,
        %gather3A_929 = tpu.vector_load_idx %arg6[%max3A_881] : memref<32768xf32, #tpu.memory_space<vmem>>[vector<16xi32>], vector<16xf32>,
        %gather3A_930 = tpu.vector_load_idx %arg6[%max3A_885] : memref<32768xf32, #tpu.memory_space<vmem>>[vector<16xi32>], vector<16xf32>,
        %gather3A_931 = tpu.vector_load_idx %arg6[%max3A_889] : memref<32768xf32, #tpu.memory_space<vmem>>[vector<16xi32>], vector<16xf32>,
        %gather3A_932 = tpu.vector_load_idx %arg6[%max3A_893] : memref<32768xf32, #tpu.memory_space<vmem>>[vector<16xi32>], vector<16xf32>,
        %sub3A_933 = arith.subi %max3A, %add3A_5 : vector<16xi32>
        %shift_right_logical3A = arith.constant 7 : i32
        %shift_right_logical3A_934 = vector.broadcast %shift_right_logical3A : i32 to vector<16xi32>
        %shift_right_logical3A_935 = arith.shrui %sub3A_933, %shift_right_logical3A_934 : vector<16xi32>
        %sub3A_936 = arith.constant 1 : i32
        %sub3A_937 = vector.broadcast %sub3A_936 : i32 to vector<16xi32>
        %sub3A_938 = arith.subi %shift_right_logical3A_935, %sub3A_937 : vector<16xi32>
        %convert_element_type3A_939 = arith.sitofp %sub3A_938 : vector<16xi32> to vector<16xf32>
        %mul3A_940 = vector.broadcast %scan3A_65 : f32 to vector<16xf32>
        %mul3A_941 = arith.mulf %convert_element_type3A_939, %mul3A_940 : vector<16xf32>
        %sub3A_942 = arith.subf %gather3A_925, %gather3A_896 : vector<16xf32>
        %sub3A_943 = arith.subf %get3A_134, %gather3A_896 : vector<16xf32>
        %eq3A = arith.constant 0.000000e+00 : f32
        %eq3A_944 = vector.broadcast %eq3A : f32 to vector<16xf32>
        %eq3A_945 = arith.cmpf oeq, %sub3A_942, %eq3A_944 : vector<16xf32>
        %jit3A_946 = arith.constant 1.000000e+00 : f32
        %broadcast_in_dim3A_947 = vector.broadcast %jit3A_946 : f32 to vector<16xf32>
        %select_n3A_948 = arith.select %eq3A_945, %broadcast_in_dim3A_947, %sub3A_942 : vector<16xi1>, vector<16xf32>
        %div3A = arith.divf %sub3A_943, %select_n3A_948 : vector<16xf32>
        %mul3A_949 = vector.broadcast %scan3A_65 : f32 to vector<16xf32>
        %mul3A_950 = arith.mulf %div3A, %mul3A_949 : vector<16xf32>
        %add3A_951 = arith.addf %mul3A_941, %mul3A_950 : vector<16xf32>
        %select_n3A_952 = arith.select %eq3A_945, %mul3A_941, %add3A_951 : vector<16xi1>, vector<16xf32>
        %gt3A_953 = arith.cmpf ogt, %get3A_134, %gather3A : vector<16xf32>
        %jit3A_954 = arith.constant 1.000000e+00 : f32
        %broadcast_in_dim3A_955 = vector.broadcast %jit3A_954 : f32 to vector<16xf32>
        %select_n3A_956 = arith.select %gt3A_953, %broadcast_in_dim3A_955, %select_n3A_952 : vector<16xi1>, vector<16xf32>
        %jit3A_957 = arith.constant 0.000000e+00 : f32
        %jit3A_958 = arith.constant 1.000000e+00 : f32
        %max3A_959 = vector.broadcast %jit3A_957 : f32 to vector<16xf32>
        %max3A_960 = arith.maximumf %max3A_959, %select_n3A_956 : vector<16xf32>
        %min3A = vector.broadcast %jit3A_958 : f32 to vector<16xf32>
        %min3A_961 = arith.minimumf %min3A, %max3A_960 : vector<16xf32>
        %mul3A_962 = arith.constant 2.550000e+02 : f32
        %mul3A_963 = vector.broadcast %mul3A_962 : f32 to vector<16xf32>
        %mul3A_964 = arith.mulf %min3A_961, %mul3A_963 : vector<16xf32>
        %convert_element_type3A_965 = arith.fptosi %mul3A_964 : vector<16xf32> to vector<16xi32>
        %min3A_966 = arith.constant 254 : i32
        %min3A_967 = vector.broadcast %min3A_966 : i32 to vector<16xi32>
        %min3A_968 = arith.minsi %convert_element_type3A_965, %min3A_967 : vector<16xi32>
        %sub3A_969 = arith.subi %max3A_869, %add3A_8 : vector<16xi32>
        %shift_right_logical3A_970 = arith.constant 7 : i32
        %shift_right_logical3A_971 = vector.broadcast %shift_right_logical3A_970 : i32 to vector<16xi32>
        %shift_right_logical3A_972 = arith.shrui %sub3A_969, %shift_right_logical3A_971 : vector<16xi32>
        %sub3A_973 = arith.constant 1 : i32
        %sub3A_974 = vector.broadcast %sub3A_973 : i32 to vector<16xi32>
        %sub3A_975 = arith.subi %shift_right_logical3A_972, %sub3A_974 : vector<16xi32>
        %convert_element_type3A_976 = arith.sitofp %sub3A_975 : vector<16xi32> to vector<16xf32>
        %mul3A_977 = vector.broadcast %scan3A_65 : f32 to vector<16xf32>
        %mul3A_978 = arith.mulf %convert_element_type3A_976, %mul3A_977 : vector<16xf32>
        %sub3A_979 = arith.subf %gather3A_926, %gather3A_900 : vector<16xf32>
        %sub3A_980 = arith.subf %get3A_138, %gather3A_900 : vector<16xf32>
        %eq3A_981 = arith.constant 0.000000e+00 : f32
        %eq3A_982 = vector.broadcast %eq3A_981 : f32 to vector<16xf32>
        %eq3A_983 = arith.cmpf oeq, %sub3A_979, %eq3A_982 : vector<16xf32>
        %jit3A_984 = arith.constant 1.000000e+00 : f32
        %broadcast_in_dim3A_985 = vector.broadcast %jit3A_984 : f32 to vector<16xf32>
        %select_n3A_986 = arith.select %eq3A_983, %broadcast_in_dim3A_985, %sub3A_979 : vector<16xi1>, vector<16xf32>
        %div3A_987 = arith.divf %sub3A_980, %select_n3A_986 : vector<16xf32>
        %mul3A_988 = vector.broadcast %scan3A_65 : f32 to vector<16xf32>
        %mul3A_989 = arith.mulf %div3A_987, %mul3A_988 : vector<16xf32>
        %add3A_990 = arith.addf %mul3A_978, %mul3A_989 : vector<16xf32>
        %select_n3A_991 = arith.select %eq3A_983, %mul3A_978, %add3A_990 : vector<16xi1>, vector<16xf32>
        %gt3A_992 = arith.cmpf ogt, %get3A_138, %gather3A_33 : vector<16xf32>
        %jit3A_993 = arith.constant 1.000000e+00 : f32
        %broadcast_in_dim3A_994 = vector.broadcast %jit3A_993 : f32 to vector<16xf32>
        %select_n3A_995 = arith.select %gt3A_992, %broadcast_in_dim3A_994, %select_n3A_991 : vector<16xi1>, vector<16xf32>
        %jit3A_996 = arith.constant 0.000000e+00 : f32
        %jit3A_997 = arith.constant 1.000000e+00 : f32
        %max3A_998 = vector.broadcast %jit3A_996 : f32 to vector<16xf32>
        %max3A_999 = arith.maximumf %max3A_998, %select_n3A_995 : vector<16xf32>
        %min3A_1000 = vector.broadcast %jit3A_997 : f32 to vector<16xf32>
        %min3A_1001 = arith.minimumf %min3A_1000, %max3A_999 : vector<16xf32>
        %mul3A_1002 = arith.constant 2.550000e+02 : f32
        %mul3A_1003 = vector.broadcast %mul3A_1002 : f32 to vector<16xf32>
        %mul3A_1004 = arith.mulf %min3A_1001, %mul3A_1003 : vector<16xf32>
        %convert_element_type3A_1005 = arith.fptosi %mul3A_1004 : vector<16xf32> to vector<16xi32>
        %min3A_1006 = arith.constant 254 : i32
        %min3A_1007 = vector.broadcast %min3A_1006 : i32 to vector<16xi32>
        %min3A_1008 = arith.minsi %convert_element_type3A_1005, %min3A_1007 : vector<16xi32>
        %sub3A_1009 = arith.subi %max3A_873, %add3A_11 : vector<16xi32>
        %shift_right_logical3A_1010 = arith.constant 7 : i32
        %shift_right_logical3A_1011 = vector.broadcast %shift_right_logical3A_1010 : i32 to vector<16xi32>
        %shift_right_logical3A_1012 = arith.shrui %sub3A_1009, %shift_right_logical3A_1011 : vector<16xi32>
        %sub3A_1013 = arith.constant 1 : i32
        %sub3A_1014 = vector.broadcast %sub3A_1013 : i32 to vector<16xi32>
        %sub3A_1015 = arith.subi %shift_right_logical3A_1012, %sub3A_1014 : vector<16xi32>
        %convert_element_type3A_1016 = arith.sitofp %sub3A_1015 : vector<16xi32> to vector<16xf32>
        %mul3A_1017 = vector.broadcast %scan3A_65 : f32 to vector<16xf32>
        %mul3A_1018 = arith.mulf %convert_element_type3A_1016, %mul3A_1017 : vector<16xf32>
        %sub3A_1019 = arith.subf %gather3A_927, %gather3A_904 : vector<16xf32>
        %sub3A_1020 = arith.subf %get3A_142, %gather3A_904 : vector<16xf32>
        %eq3A_1021 = arith.constant 0.000000e+00 : f32
        %eq3A_1022 = vector.broadcast %eq3A_1021 : f32 to vector<16xf32>
        %eq3A_1023 = arith.cmpf oeq, %sub3A_1019, %eq3A_1022 : vector<16xf32>
        %jit3A_1024 = arith.constant 1.000000e+00 : f32
        %broadcast_in_dim3A_1025 = vector.broadcast %jit3A_1024 : f32 to vector<16xf32>
        %select_n3A_1026 = arith.select %eq3A_1023, %broadcast_in_dim3A_1025, %sub3A_1019 : vector<16xi1>, vector<16xf32>
        %div3A_1027 = arith.divf %sub3A_1020, %select_n3A_1026 : vector<16xf32>
        %mul3A_1028 = vector.broadcast %scan3A_65 : f32 to vector<16xf32>
        %mul3A_1029 = arith.mulf %div3A_1027, %mul3A_1028 : vector<16xf32>
        %add3A_1030 = arith.addf %mul3A_1018, %mul3A_1029 : vector<16xf32>
        %select_n3A_1031 = arith.select %eq3A_1023, %mul3A_1018, %add3A_1030 : vector<16xi1>, vector<16xf32>
        %gt3A_1032 = arith.cmpf ogt, %get3A_142, %gather3A_37 : vector<16xf32>
        %jit3A_1033 = arith.constant 1.000000e+00 : f32
        %broadcast_in_dim3A_1034 = vector.broadcast %jit3A_1033 : f32 to vector<16xf32>
        %select_n3A_1035 = arith.select %gt3A_1032, %broadcast_in_dim3A_1034, %select_n3A_1031 : vector<16xi1>, vector<16xf32>
        %jit3A_1036 = arith.constant 0.000000e+00 : f32
        %jit3A_1037 = arith.constant 1.000000e+00 : f32
        %max3A_1038 = vector.broadcast %jit3A_1036 : f32 to vector<16xf32>
        %max3A_1039 = arith.maximumf %max3A_1038, %select_n3A_1035 : vector<16xf32>
        %min3A_1040 = vector.broadcast %jit3A_1037 : f32 to vector<16xf32>
        %min3A_1041 = arith.minimumf %min3A_1040, %max3A_1039 : vector<16xf32>
        %mul3A_1042 = arith.constant 2.550000e+02 : f32
        %mul3A_1043 = vector.broadcast %mul3A_1042 : f32 to vector<16xf32>
        %mul3A_1044 = arith.mulf %min3A_1041, %mul3A_1043 : vector<16xf32>
        %convert_element_type3A_1045 = arith.fptosi %mul3A_1044 : vector<16xf32> to vector<16xi32>
        %min3A_1046 = arith.constant 254 : i32
        %min3A_1047 = vector.broadcast %min3A_1046 : i32 to vector<16xi32>
        %min3A_1048 = arith.minsi %convert_element_type3A_1045, %min3A_1047 : vector<16xi32>
        %sub3A_1049 = arith.subi %max3A_877, %add3A_14 : vector<16xi32>
        %shift_right_logical3A_1050 = arith.constant 7 : i32
        %shift_right_logical3A_1051 = vector.broadcast %shift_right_logical3A_1050 : i32 to vector<16xi32>
        %shift_right_logical3A_1052 = arith.shrui %sub3A_1049, %shift_right_logical3A_1051 : vector<16xi32>
        %sub3A_1053 = arith.constant 1 : i32
        %sub3A_1054 = vector.broadcast %sub3A_1053 : i32 to vector<16xi32>
        %sub3A_1055 = arith.subi %shift_right_logical3A_1052, %sub3A_1054 : vector<16xi32>
        %convert_element_type3A_1056 = arith.sitofp %sub3A_1055 : vector<16xi32> to vector<16xf32>
        %mul3A_1057 = vector.broadcast %scan3A_65 : f32 to vector<16xf32>
        %mul3A_1058 = arith.mulf %convert_element_type3A_1056, %mul3A_1057 : vector<16xf32>
        %sub3A_1059 = arith.subf %gather3A_928, %gather3A_908 : vector<16xf32>
        %sub3A_1060 = arith.subf %get3A_146, %gather3A_908 : vector<16xf32>
        %eq3A_1061 = arith.constant 0.000000e+00 : f32
        %eq3A_1062 = vector.broadcast %eq3A_1061 : f32 to vector<16xf32>
        %eq3A_1063 = arith.cmpf oeq, %sub3A_1059, %eq3A_1062 : vector<16xf32>
        %jit3A_1064 = arith.constant 1.000000e+00 : f32
        %broadcast_in_dim3A_1065 = vector.broadcast %jit3A_1064 : f32 to vector<16xf32>
        %select_n3A_1066 = arith.select %eq3A_1063, %broadcast_in_dim3A_1065, %sub3A_1059 : vector<16xi1>, vector<16xf32>
        %div3A_1067 = arith.divf %sub3A_1060, %select_n3A_1066 : vector<16xf32>
        %mul3A_1068 = vector.broadcast %scan3A_65 : f32 to vector<16xf32>
        %mul3A_1069 = arith.mulf %div3A_1067, %mul3A_1068 : vector<16xf32>
        %add3A_1070 = arith.addf %mul3A_1058, %mul3A_1069 : vector<16xf32>
        %select_n3A_1071 = arith.select %eq3A_1063, %mul3A_1058, %add3A_1070 : vector<16xi1>, vector<16xf32>
        %gt3A_1072 = arith.cmpf ogt, %get3A_146, %gather3A_41 : vector<16xf32>
        %jit3A_1073 = arith.constant 1.000000e+00 : f32
        %broadcast_in_dim3A_1074 = vector.broadcast %jit3A_1073 : f32 to vector<16xf32>
        %select_n3A_1075 = arith.select %gt3A_1072, %broadcast_in_dim3A_1074, %select_n3A_1071 : vector<16xi1>, vector<16xf32>
        %jit3A_1076 = arith.constant 0.000000e+00 : f32
        %jit3A_1077 = arith.constant 1.000000e+00 : f32
        %max3A_1078 = vector.broadcast %jit3A_1076 : f32 to vector<16xf32>
        %max3A_1079 = arith.maximumf %max3A_1078, %select_n3A_1075 : vector<16xf32>
        %min3A_1080 = vector.broadcast %jit3A_1077 : f32 to vector<16xf32>
        %min3A_1081 = arith.minimumf %min3A_1080, %max3A_1079 : vector<16xf32>
        %mul3A_1082 = arith.constant 2.550000e+02 : f32
        %mul3A_1083 = vector.broadcast %mul3A_1082 : f32 to vector<16xf32>
        %mul3A_1084 = arith.mulf %min3A_1081, %mul3A_1083 : vector<16xf32>
        %convert_element_type3A_1085 = arith.fptosi %mul3A_1084 : vector<16xf32> to vector<16xi32>
        %min3A_1086 = arith.constant 254 : i32
        %min3A_1087 = vector.broadcast %min3A_1086 : i32 to vector<16xi32>
        %min3A_1088 = arith.minsi %convert_element_type3A_1085, %min3A_1087 : vector<16xi32>
        %sub3A_1089 = arith.subi %max3A_881, %add3A_17 : vector<16xi32>
        %shift_right_logical3A_1090 = arith.constant 7 : i32
        %shift_right_logical3A_1091 = vector.broadcast %shift_right_logical3A_1090 : i32 to vector<16xi32>
        %shift_right_logical3A_1092 = arith.shrui %sub3A_1089, %shift_right_logical3A_1091 : vector<16xi32>
        %sub3A_1093 = arith.constant 1 : i32
        %sub3A_1094 = vector.broadcast %sub3A_1093 : i32 to vector<16xi32>
        %sub3A_1095 = arith.subi %shift_right_logical3A_1092, %sub3A_1094 : vector<16xi32>
        %convert_element_type3A_1096 = arith.sitofp %sub3A_1095 : vector<16xi32> to vector<16xf32>
        %mul3A_1097 = vector.broadcast %scan3A_65 : f32 to vector<16xf32>
        %mul3A_1098 = arith.mulf %convert_element_type3A_1096, %mul3A_1097 : vector<16xf32>
        %sub3A_1099 = arith.subf %gather3A_929, %gather3A_912 : vector<16xf32>
        %sub3A_1100 = arith.subf %get3A_150, %gather3A_912 : vector<16xf32>
        %eq3A_1101 = arith.constant 0.000000e+00 : f32
        %eq3A_1102 = vector.broadcast %eq3A_1101 : f32 to vector<16xf32>
        %eq3A_1103 = arith.cmpf oeq, %sub3A_1099, %eq3A_1102 : vector<16xf32>
        %jit3A_1104 = arith.constant 1.000000e+00 : f32
        %broadcast_in_dim3A_1105 = vector.broadcast %jit3A_1104 : f32 to vector<16xf32>
        %select_n3A_1106 = arith.select %eq3A_1103, %broadcast_in_dim3A_1105, %sub3A_1099 : vector<16xi1>, vector<16xf32>
        %div3A_1107 = arith.divf %sub3A_1100, %select_n3A_1106 : vector<16xf32>
        %mul3A_1108 = vector.broadcast %scan3A_65 : f32 to vector<16xf32>
        %mul3A_1109 = arith.mulf %div3A_1107, %mul3A_1108 : vector<16xf32>
        %add3A_1110 = arith.addf %mul3A_1098, %mul3A_1109 : vector<16xf32>
        %select_n3A_1111 = arith.select %eq3A_1103, %mul3A_1098, %add3A_1110 : vector<16xi1>, vector<16xf32>
        %gt3A_1112 = arith.cmpf ogt, %get3A_150, %gather3A_45 : vector<16xf32>
        %jit3A_1113 = arith.constant 1.000000e+00 : f32
        %broadcast_in_dim3A_1114 = vector.broadcast %jit3A_1113 : f32 to vector<16xf32>
        %select_n3A_1115 = arith.select %gt3A_1112, %broadcast_in_dim3A_1114, %select_n3A_1111 : vector<16xi1>, vector<16xf32>
        %jit3A_1116 = arith.constant 0.000000e+00 : f32
        %jit3A_1117 = arith.constant 1.000000e+00 : f32
        %max3A_1118 = vector.broadcast %jit3A_1116 : f32 to vector<16xf32>
        %max3A_1119 = arith.maximumf %max3A_1118, %select_n3A_1115 : vector<16xf32>
        %min3A_1120 = vector.broadcast %jit3A_1117 : f32 to vector<16xf32>
        %min3A_1121 = arith.minimumf %min3A_1120, %max3A_1119 : vector<16xf32>
        %mul3A_1122 = arith.constant 2.550000e+02 : f32
        %mul3A_1123 = vector.broadcast %mul3A_1122 : f32 to vector<16xf32>
        %mul3A_1124 = arith.mulf %min3A_1121, %mul3A_1123 : vector<16xf32>
        %convert_element_type3A_1125 = arith.fptosi %mul3A_1124 : vector<16xf32> to vector<16xi32>
        %min3A_1126 = arith.constant 254 : i32
        %min3A_1127 = vector.broadcast %min3A_1126 : i32 to vector<16xi32>
        %min3A_1128 = arith.minsi %convert_element_type3A_1125, %min3A_1127 : vector<16xi32>
        %sub3A_1129 = arith.subi %max3A_885, %add3A_20 : vector<16xi32>
        %shift_right_logical3A_1130 = arith.constant 7 : i32
        %shift_right_logical3A_1131 = vector.broadcast %shift_right_logical3A_1130 : i32 to vector<16xi32>
        %shift_right_logical3A_1132 = arith.shrui %sub3A_1129, %shift_right_logical3A_1131 : vector<16xi32>
        %sub3A_1133 = arith.constant 1 : i32
        %sub3A_1134 = vector.broadcast %sub3A_1133 : i32 to vector<16xi32>
        %sub3A_1135 = arith.subi %shift_right_logical3A_1132, %sub3A_1134 : vector<16xi32>
        %convert_element_type3A_1136 = arith.sitofp %sub3A_1135 : vector<16xi32> to vector<16xf32>
        %mul3A_1137 = vector.broadcast %scan3A_65 : f32 to vector<16xf32>
        %mul3A_1138 = arith.mulf %convert_element_type3A_1136, %mul3A_1137 : vector<16xf32>
        %sub3A_1139 = arith.subf %gather3A_930, %gather3A_916 : vector<16xf32>
        %sub3A_1140 = arith.subf %get3A_154, %gather3A_916 : vector<16xf32>
        %eq3A_1141 = arith.constant 0.000000e+00 : f32
        %eq3A_1142 = vector.broadcast %eq3A_1141 : f32 to vector<16xf32>
        %eq3A_1143 = arith.cmpf oeq, %sub3A_1139, %eq3A_1142 : vector<16xf32>
        %jit3A_1144 = arith.constant 1.000000e+00 : f32
        %broadcast_in_dim3A_1145 = vector.broadcast %jit3A_1144 : f32 to vector<16xf32>
        %select_n3A_1146 = arith.select %eq3A_1143, %broadcast_in_dim3A_1145, %sub3A_1139 : vector<16xi1>, vector<16xf32>
        %div3A_1147 = arith.divf %sub3A_1140, %select_n3A_1146 : vector<16xf32>
        %mul3A_1148 = vector.broadcast %scan3A_65 : f32 to vector<16xf32>
        %mul3A_1149 = arith.mulf %div3A_1147, %mul3A_1148 : vector<16xf32>
        %add3A_1150 = arith.addf %mul3A_1138, %mul3A_1149 : vector<16xf32>
        %select_n3A_1151 = arith.select %eq3A_1143, %mul3A_1138, %add3A_1150 : vector<16xi1>, vector<16xf32>
        %gt3A_1152 = arith.cmpf ogt, %get3A_154, %gather3A_49 : vector<16xf32>
        %jit3A_1153 = arith.constant 1.000000e+00 : f32
        %broadcast_in_dim3A_1154 = vector.broadcast %jit3A_1153 : f32 to vector<16xf32>
        %select_n3A_1155 = arith.select %gt3A_1152, %broadcast_in_dim3A_1154, %select_n3A_1151 : vector<16xi1>, vector<16xf32>
        %jit3A_1156 = arith.constant 0.000000e+00 : f32
        %jit3A_1157 = arith.constant 1.000000e+00 : f32
        %max3A_1158 = vector.broadcast %jit3A_1156 : f32 to vector<16xf32>
        %max3A_1159 = arith.maximumf %max3A_1158, %select_n3A_1155 : vector<16xf32>
        %min3A_1160 = vector.broadcast %jit3A_1157 : f32 to vector<16xf32>
        %min3A_1161 = arith.minimumf %min3A_1160, %max3A_1159 : vector<16xf32>
        %mul3A_1162 = arith.constant 2.550000e+02 : f32
        %mul3A_1163 = vector.broadcast %mul3A_1162 : f32 to vector<16xf32>
        %mul3A_1164 = arith.mulf %min3A_1161, %mul3A_1163 : vector<16xf32>
        %convert_element_type3A_1165 = arith.fptosi %mul3A_1164 : vector<16xf32> to vector<16xi32>
        %min3A_1166 = arith.constant 254 : i32
        %min3A_1167 = vector.broadcast %min3A_1166 : i32 to vector<16xi32>
        %min3A_1168 = arith.minsi %convert_element_type3A_1165, %min3A_1167 : vector<16xi32>
        %sub3A_1169 = arith.subi %max3A_889, %add3A_23 : vector<16xi32>
        %shift_right_logical3A_1170 = arith.constant 7 : i32
        %shift_right_logical3A_1171 = vector.broadcast %shift_right_logical3A_1170 : i32 to vector<16xi32>
        %shift_right_logical3A_1172 = arith.shrui %sub3A_1169, %shift_right_logical3A_1171 : vector<16xi32>
        %sub3A_1173 = arith.constant 1 : i32
        %sub3A_1174 = vector.broadcast %sub3A_1173 : i32 to vector<16xi32>
        %sub3A_1175 = arith.subi %shift_right_logical3A_1172, %sub3A_1174 : vector<16xi32>
        %convert_element_type3A_1176 = arith.sitofp %sub3A_1175 : vector<16xi32> to vector<16xf32>
        %mul3A_1177 = vector.broadcast %scan3A_65 : f32 to vector<16xf32>
        %mul3A_1178 = arith.mulf %convert_element_type3A_1176, %mul3A_1177 : vector<16xf32>
        %sub3A_1179 = arith.subf %gather3A_931, %gather3A_920 : vector<16xf32>
        %sub3A_1180 = arith.subf %get3A_158, %gather3A_920 : vector<16xf32>
        %eq3A_1181 = arith.constant 0.000000e+00 : f32
        %eq3A_1182 = vector.broadcast %eq3A_1181 : f32 to vector<16xf32>
        %eq3A_1183 = arith.cmpf oeq, %sub3A_1179, %eq3A_1182 : vector<16xf32>
        %jit3A_1184 = arith.constant 1.000000e+00 : f32
        %broadcast_in_dim3A_1185 = vector.broadcast %jit3A_1184 : f32 to vector<16xf32>
        %select_n3A_1186 = arith.select %eq3A_1183, %broadcast_in_dim3A_1185, %sub3A_1179 : vector<16xi1>, vector<16xf32>
        %div3A_1187 = arith.divf %sub3A_1180, %select_n3A_1186 : vector<16xf32>
        %mul3A_1188 = vector.broadcast %scan3A_65 : f32 to vector<16xf32>
        %mul3A_1189 = arith.mulf %div3A_1187, %mul3A_1188 : vector<16xf32>
        %add3A_1190 = arith.addf %mul3A_1178, %mul3A_1189 : vector<16xf32>
        %select_n3A_1191 = arith.select %eq3A_1183, %mul3A_1178, %add3A_1190 : vector<16xi1>, vector<16xf32>
        %gt3A_1192 = arith.cmpf ogt, %get3A_158, %gather3A_53 : vector<16xf32>
        %jit3A_1193 = arith.constant 1.000000e+00 : f32
        %broadcast_in_dim3A_1194 = vector.broadcast %jit3A_1193 : f32 to vector<16xf32>
        %select_n3A_1195 = arith.select %gt3A_1192, %broadcast_in_dim3A_1194, %select_n3A_1191 : vector<16xi1>, vector<16xf32>
        %jit3A_1196 = arith.constant 0.000000e+00 : f32
        %jit3A_1197 = arith.constant 1.000000e+00 : f32
        %max3A_1198 = vector.broadcast %jit3A_1196 : f32 to vector<16xf32>
        %max3A_1199 = arith.maximumf %max3A_1198, %select_n3A_1195 : vector<16xf32>
        %min3A_1200 = vector.broadcast %jit3A_1197 : f32 to vector<16xf32>
        %min3A_1201 = arith.minimumf %min3A_1200, %max3A_1199 : vector<16xf32>
        %mul3A_1202 = arith.constant 2.550000e+02 : f32
        %mul3A_1203 = vector.broadcast %mul3A_1202 : f32 to vector<16xf32>
        %mul3A_1204 = arith.mulf %min3A_1201, %mul3A_1203 : vector<16xf32>
        %convert_element_type3A_1205 = arith.fptosi %mul3A_1204 : vector<16xf32> to vector<16xi32>
        %min3A_1206 = arith.constant 254 : i32
        %min3A_1207 = vector.broadcast %min3A_1206 : i32 to vector<16xi32>
        %min3A_1208 = arith.minsi %convert_element_type3A_1205, %min3A_1207 : vector<16xi32>
        %sub3A_1209 = arith.subi %max3A_893, %add3A_26 : vector<16xi32>
        %shift_right_logical3A_1210 = arith.constant 7 : i32
        %shift_right_logical3A_1211 = vector.broadcast %shift_right_logical3A_1210 : i32 to vector<16xi32>
        %shift_right_logical3A_1212 = arith.shrui %sub3A_1209, %shift_right_logical3A_1211 : vector<16xi32>
        %sub3A_1213 = arith.constant 1 : i32
        %sub3A_1214 = vector.broadcast %sub3A_1213 : i32 to vector<16xi32>
        %sub3A_1215 = arith.subi %shift_right_logical3A_1212, %sub3A_1214 : vector<16xi32>
        %convert_element_type3A_1216 = arith.sitofp %sub3A_1215 : vector<16xi32> to vector<16xf32>
        %mul3A_1217 = vector.broadcast %scan3A_65 : f32 to vector<16xf32>
        %mul3A_1218 = arith.mulf %convert_element_type3A_1216, %mul3A_1217 : vector<16xf32>
        %sub3A_1219 = arith.subf %gather3A_932, %gather3A_924 : vector<16xf32>
        %sub3A_1220 = arith.subf %get3A_162, %gather3A_924 : vector<16xf32>
        %eq3A_1221 = arith.constant 0.000000e+00 : f32
        %eq3A_1222 = vector.broadcast %eq3A_1221 : f32 to vector<16xf32>
        %eq3A_1223 = arith.cmpf oeq, %sub3A_1219, %eq3A_1222 : vector<16xf32>
        %jit3A_1224 = arith.constant 1.000000e+00 : f32
        %broadcast_in_dim3A_1225 = vector.broadcast %jit3A_1224 : f32 to vector<16xf32>
        %select_n3A_1226 = arith.select %eq3A_1223, %broadcast_in_dim3A_1225, %sub3A_1219 : vector<16xi1>, vector<16xf32>
        %div3A_1227 = arith.divf %sub3A_1220, %select_n3A_1226 : vector<16xf32>
        %mul3A_1228 = vector.broadcast %scan3A_65 : f32 to vector<16xf32>
        %mul3A_1229 = arith.mulf %div3A_1227, %mul3A_1228 : vector<16xf32>
        %add3A_1230 = arith.addf %mul3A_1218, %mul3A_1229 : vector<16xf32>
        %select_n3A_1231 = arith.select %eq3A_1223, %mul3A_1218, %add3A_1230 : vector<16xi1>, vector<16xf32>
        %gt3A_1232 = arith.cmpf ogt, %get3A_162, %gather3A_57 : vector<16xf32>
        %jit3A_1233 = arith.constant 1.000000e+00 : f32
        %broadcast_in_dim3A_1234 = vector.broadcast %jit3A_1233 : f32 to vector<16xf32>
        %select_n3A_1235 = arith.select %gt3A_1232, %broadcast_in_dim3A_1234, %select_n3A_1231 : vector<16xi1>, vector<16xf32>
        %jit3A_1236 = arith.constant 0.000000e+00 : f32
        %jit3A_1237 = arith.constant 1.000000e+00 : f32
        %max3A_1238 = vector.broadcast %jit3A_1236 : f32 to vector<16xf32>
        %max3A_1239 = arith.maximumf %max3A_1238, %select_n3A_1235 : vector<16xf32>
        %min3A_1240 = vector.broadcast %jit3A_1237 : f32 to vector<16xf32>
        %min3A_1241 = arith.minimumf %min3A_1240, %max3A_1239 : vector<16xf32>
        %mul3A_1242 = arith.constant 2.550000e+02 : f32
        %mul3A_1243 = vector.broadcast %mul3A_1242 : f32 to vector<16xf32>
        %mul3A_1244 = arith.mulf %min3A_1241, %mul3A_1243 : vector<16xf32>
        %convert_element_type3A_1245 = arith.fptosi %mul3A_1244 : vector<16xf32> to vector<16xi32>
        %min3A_1246 = arith.constant 254 : i32
        %min3A_1247 = vector.broadcast %min3A_1246 : i32 to vector<16xi32>
        %min3A_1248 = arith.minsi %convert_element_type3A_1245, %min3A_1247 : vector<16xi32>
        %gather3A_1249 = tpu.vector_load_idx %arg7[%min3A_968] : memref<256xf32, #tpu.memory_space<vmem>>[vector<16xi32>], vector<16xf32>,
        %gather3A_1250 = tpu.vector_load_idx %arg7[%min3A_1008] : memref<256xf32, #tpu.memory_space<vmem>>[vector<16xi32>], vector<16xf32>,
        %gather3A_1251 = tpu.vector_load_idx %arg7[%min3A_1048] : memref<256xf32, #tpu.memory_space<vmem>>[vector<16xi32>], vector<16xf32>,
        %gather3A_1252 = tpu.vector_load_idx %arg7[%min3A_1088] : memref<256xf32, #tpu.memory_space<vmem>>[vector<16xi32>], vector<16xf32>,
        %gather3A_1253 = tpu.vector_load_idx %arg7[%min3A_1128] : memref<256xf32, #tpu.memory_space<vmem>>[vector<16xi32>], vector<16xf32>,
        %gather3A_1254 = tpu.vector_load_idx %arg7[%min3A_1168] : memref<256xf32, #tpu.memory_space<vmem>>[vector<16xi32>], vector<16xf32>,
        %gather3A_1255 = tpu.vector_load_idx %arg7[%min3A_1208] : memref<256xf32, #tpu.memory_space<vmem>>[vector<16xi32>], vector<16xf32>,
        %gather3A_1256 = tpu.vector_load_idx %arg7[%min3A_1248] : memref<256xf32, #tpu.memory_space<vmem>>[vector<16xi32>], vector<16xf32>,
        %add3A_1257 = arith.constant 1 : i32
        %add3A_1258 = vector.broadcast %add3A_1257 : i32 to vector<16xi32>
        %add3A_1259 = arith.addi %min3A_968, %add3A_1258 : vector<16xi32>
        %gather3A_1260 = tpu.vector_load_idx %arg7[%add3A_1259] : memref<256xf32, #tpu.memory_space<vmem>>[vector<16xi32>], vector<16xf32>,
        %add3A_1261 = arith.constant 1 : i32
        %add3A_1262 = vector.broadcast %add3A_1261 : i32 to vector<16xi32>
        %add3A_1263 = arith.addi %min3A_1008, %add3A_1262 : vector<16xi32>
        %gather3A_1264 = tpu.vector_load_idx %arg7[%add3A_1263] : memref<256xf32, #tpu.memory_space<vmem>>[vector<16xi32>], vector<16xf32>,
        %add3A_1265 = arith.constant 1 : i32
        %add3A_1266 = vector.broadcast %add3A_1265 : i32 to vector<16xi32>
        %add3A_1267 = arith.addi %min3A_1048, %add3A_1266 : vector<16xi32>
        %gather3A_1268 = tpu.vector_load_idx %arg7[%add3A_1267] : memref<256xf32, #tpu.memory_space<vmem>>[vector<16xi32>], vector<16xf32>,
        %add3A_1269 = arith.constant 1 : i32
        %add3A_1270 = vector.broadcast %add3A_1269 : i32 to vector<16xi32>
        %add3A_1271 = arith.addi %min3A_1088, %add3A_1270 : vector<16xi32>
        %gather3A_1272 = tpu.vector_load_idx %arg7[%add3A_1271] : memref<256xf32, #tpu.memory_space<vmem>>[vector<16xi32>], vector<16xf32>,
        %add3A_1273 = arith.constant 1 : i32
        %add3A_1274 = vector.broadcast %add3A_1273 : i32 to vector<16xi32>
        %add3A_1275 = arith.addi %min3A_1128, %add3A_1274 : vector<16xi32>
        %gather3A_1276 = tpu.vector_load_idx %arg7[%add3A_1275] : memref<256xf32, #tpu.memory_space<vmem>>[vector<16xi32>], vector<16xf32>,
        %add3A_1277 = arith.constant 1 : i32
        %add3A_1278 = vector.broadcast %add3A_1277 : i32 to vector<16xi32>
        %add3A_1279 = arith.addi %min3A_1168, %add3A_1278 : vector<16xi32>
        %gather3A_1280 = tpu.vector_load_idx %arg7[%add3A_1279] : memref<256xf32, #tpu.memory_space<vmem>>[vector<16xi32>], vector<16xf32>,
        %add3A_1281 = arith.constant 1 : i32
        %add3A_1282 = vector.broadcast %add3A_1281 : i32 to vector<16xi32>
        %add3A_1283 = arith.addi %min3A_1208, %add3A_1282 : vector<16xi32>
        %gather3A_1284 = tpu.vector_load_idx %arg7[%add3A_1283] : memref<256xf32, #tpu.memory_space<vmem>>[vector<16xi32>], vector<16xf32>,
        %add3A_1285 = arith.constant 1 : i32
        %add3A_1286 = vector.broadcast %add3A_1285 : i32 to vector<16xi32>
        %add3A_1287 = arith.addi %min3A_1248, %add3A_1286 : vector<16xi32>
        %gather3A_1288 = tpu.vector_load_idx %arg7[%add3A_1287] : memref<256xf32, #tpu.memory_space<vmem>>[vector<16xi32>], vector<16xf32>,
        %convert_element_type3A_1289 = arith.sitofp %min3A_968 : vector<16xi32> to vector<16xf32>
        %sub3A_1290 = arith.subf %mul3A_964, %convert_element_type3A_1289 : vector<16xf32>
        %sub3A_1291 = arith.subf %gather3A_1260, %gather3A_1249 : vector<16xf32>
        %mul3A_1292 = arith.mulf %sub3A_1290, %sub3A_1291 : vector<16xf32>
        %add3A_1293 = arith.addf %gather3A_1249, %mul3A_1292 : vector<16xf32>
        %add3A_1294 = arith.constant 0 : i32
        %add3A_1295 = arith.addi %mul3A_131, %add3A_1294 : i32
        %swap3A = arith.index_cast %add3A_1295 : i32 to index
        %swap3A_1296 = tpu.vector_load %arg11[%swap3A] {strides = array<i32>} : memref<16384xf32, #tpu.memory_space<vmem>>, vector<16xf32>,
        tpu.vector_store %arg11[%swap3A], %add3A_1293 {strides = array<i32>} : memref<16384xf32, #tpu.memory_space<vmem>>, vector<16xf32>,
        %convert_element_type3A_1297 = arith.sitofp %min3A_1008 : vector<16xi32> to vector<16xf32>
        %sub3A_1298 = arith.subf %mul3A_1004, %convert_element_type3A_1297 : vector<16xf32>
        %sub3A_1299 = arith.subf %gather3A_1264, %gather3A_1250 : vector<16xf32>
        %mul3A_1300 = arith.mulf %sub3A_1298, %sub3A_1299 : vector<16xf32>
        %add3A_1301 = arith.addf %gather3A_1250, %mul3A_1300 : vector<16xf32>
        %add3A_1302 = arith.constant 16 : i32
        %add3A_1303 = arith.addi %mul3A_131, %add3A_1302 : i32
        %swap3A_1304 = arith.index_cast %add3A_1303 : i32 to index
        %swap3A_1305 = tpu.vector_load %arg11[%swap3A_1304] {strides = array<i32>} : memref<16384xf32, #tpu.memory_space<vmem>>, vector<16xf32>,
        tpu.vector_store %arg11[%swap3A_1304], %add3A_1301 {strides = array<i32>} : memref<16384xf32, #tpu.memory_space<vmem>>, vector<16xf32>,
        %convert_element_type3A_1306 = arith.sitofp %min3A_1048 : vector<16xi32> to vector<16xf32>
        %sub3A_1307 = arith.subf %mul3A_1044, %convert_element_type3A_1306 : vector<16xf32>
        %sub3A_1308 = arith.subf %gather3A_1268, %gather3A_1251 : vector<16xf32>
        %mul3A_1309 = arith.mulf %sub3A_1307, %sub3A_1308 : vector<16xf32>
        %add3A_1310 = arith.addf %gather3A_1251, %mul3A_1309 : vector<16xf32>
        %add3A_1311 = arith.constant 32 : i32
        %add3A_1312 = arith.addi %mul3A_131, %add3A_1311 : i32
        %swap3A_1313 = arith.index_cast %add3A_1312 : i32 to index
        %swap3A_1314 = tpu.vector_load %arg11[%swap3A_1313] {strides = array<i32>} : memref<16384xf32, #tpu.memory_space<vmem>>, vector<16xf32>,
        tpu.vector_store %arg11[%swap3A_1313], %add3A_1310 {strides = array<i32>} : memref<16384xf32, #tpu.memory_space<vmem>>, vector<16xf32>,
        %convert_element_type3A_1315 = arith.sitofp %min3A_1088 : vector<16xi32> to vector<16xf32>
        %sub3A_1316 = arith.subf %mul3A_1084, %convert_element_type3A_1315 : vector<16xf32>
        %sub3A_1317 = arith.subf %gather3A_1272, %gather3A_1252 : vector<16xf32>
        %mul3A_1318 = arith.mulf %sub3A_1316, %sub3A_1317 : vector<16xf32>
        %add3A_1319 = arith.addf %gather3A_1252, %mul3A_1318 : vector<16xf32>
        %add3A_1320 = arith.constant 48 : i32
        %add3A_1321 = arith.addi %mul3A_131, %add3A_1320 : i32
        %swap3A_1322 = arith.index_cast %add3A_1321 : i32 to index
        %swap3A_1323 = tpu.vector_load %arg11[%swap3A_1322] {strides = array<i32>} : memref<16384xf32, #tpu.memory_space<vmem>>, vector<16xf32>,
        tpu.vector_store %arg11[%swap3A_1322], %add3A_1319 {strides = array<i32>} : memref<16384xf32, #tpu.memory_space<vmem>>, vector<16xf32>,
        %convert_element_type3A_1324 = arith.sitofp %min3A_1128 : vector<16xi32> to vector<16xf32>
        %sub3A_1325 = arith.subf %mul3A_1124, %convert_element_type3A_1324 : vector<16xf32>
        %sub3A_1326 = arith.subf %gather3A_1276, %gather3A_1253 : vector<16xf32>
        %mul3A_1327 = arith.mulf %sub3A_1325, %sub3A_1326 : vector<16xf32>
        %add3A_1328 = arith.addf %gather3A_1253, %mul3A_1327 : vector<16xf32>
        %add3A_1329 = arith.constant 64 : i32
        %add3A_1330 = arith.addi %mul3A_131, %add3A_1329 : i32
        %swap3A_1331 = arith.index_cast %add3A_1330 : i32 to index
        %swap3A_1332 = tpu.vector_load %arg11[%swap3A_1331] {strides = array<i32>} : memref<16384xf32, #tpu.memory_space<vmem>>, vector<16xf32>,
        tpu.vector_store %arg11[%swap3A_1331], %add3A_1328 {strides = array<i32>} : memref<16384xf32, #tpu.memory_space<vmem>>, vector<16xf32>,
        %convert_element_type3A_1333 = arith.sitofp %min3A_1168 : vector<16xi32> to vector<16xf32>
        %sub3A_1334 = arith.subf %mul3A_1164, %convert_element_type3A_1333 : vector<16xf32>
        %sub3A_1335 = arith.subf %gather3A_1280, %gather3A_1254 : vector<16xf32>
        %mul3A_1336 = arith.mulf %sub3A_1334, %sub3A_1335 : vector<16xf32>
        %add3A_1337 = arith.addf %gather3A_1254, %mul3A_1336 : vector<16xf32>
        %add3A_1338 = arith.constant 80 : i32
        %add3A_1339 = arith.addi %mul3A_131, %add3A_1338 : i32
        %swap3A_1340 = arith.index_cast %add3A_1339 : i32 to index
        %swap3A_1341 = tpu.vector_load %arg11[%swap3A_1340] {strides = array<i32>} : memref<16384xf32, #tpu.memory_space<vmem>>, vector<16xf32>,
        tpu.vector_store %arg11[%swap3A_1340], %add3A_1337 {strides = array<i32>} : memref<16384xf32, #tpu.memory_space<vmem>>, vector<16xf32>,
        %convert_element_type3A_1342 = arith.sitofp %min3A_1208 : vector<16xi32> to vector<16xf32>
        %sub3A_1343 = arith.subf %mul3A_1204, %convert_element_type3A_1342 : vector<16xf32>
        %sub3A_1344 = arith.subf %gather3A_1284, %gather3A_1255 : vector<16xf32>
        %mul3A_1345 = arith.mulf %sub3A_1343, %sub3A_1344 : vector<16xf32>
        %add3A_1346 = arith.addf %gather3A_1255, %mul3A_1345 : vector<16xf32>
        %add3A_1347 = arith.constant 96 : i32
        %add3A_1348 = arith.addi %mul3A_131, %add3A_1347 : i32
        %swap3A_1349 = arith.index_cast %add3A_1348 : i32 to index
        %swap3A_1350 = tpu.vector_load %arg11[%swap3A_1349] {strides = array<i32>} : memref<16384xf32, #tpu.memory_space<vmem>>, vector<16xf32>,
        tpu.vector_store %arg11[%swap3A_1349], %add3A_1346 {strides = array<i32>} : memref<16384xf32, #tpu.memory_space<vmem>>, vector<16xf32>,
        %convert_element_type3A_1351 = arith.sitofp %min3A_1248 : vector<16xi32> to vector<16xf32>
        %sub3A_1352 = arith.subf %mul3A_1244, %convert_element_type3A_1351 : vector<16xf32>
        %sub3A_1353 = arith.subf %gather3A_1288, %gather3A_1256 : vector<16xf32>
        %mul3A_1354 = arith.mulf %sub3A_1352, %sub3A_1353 : vector<16xf32>
        %add3A_1355 = arith.addf %gather3A_1256, %mul3A_1354 : vector<16xf32>
        %add3A_1356 = arith.constant 112 : i32
        %add3A_1357 = arith.addi %mul3A_131, %add3A_1356 : i32
        %swap3A_1358 = arith.index_cast %add3A_1357 : i32 to index
        %swap3A_1359 = tpu.vector_load %arg11[%swap3A_1358] {strides = array<i32>} : memref<16384xf32, #tpu.memory_space<vmem>>, vector<16xf32>,
        tpu.vector_store %arg11[%swap3A_1358], %add3A_1355 {strides = array<i32>} : memref<16384xf32, #tpu.memory_space<vmem>>, vector<16xf32>,
      }
      %scan3A_121 = arith.constant 128 : i32
      %lt3A_122 = arith.constant 14 : i32
      %lt3A_123 = arith.cmpi slt, %add3A_105, %lt3A_122 : i32
      %convert_element_type3A_124 = arith.extui %lt3A_123 : i1 to i32
      %cond3A_125 = arith.constant 0 : i32
      %cond3A_126 = arith.cmpi ne, %convert_element_type3A_124, %cond3A_125 : i32
      scf.if %cond3A_126 {
        %add3A_129 = arith.constant 32768 : i32
        %add3A_130 = arith.addi %add3A_108, %add3A_129 : i32
        %dma_start3A_131 = tpu.memref_slice %arg2[%add3A_130] : memref<8388608xf32, #tpu.memory_space<hbm>> -> memref<16384xf32, #tpu.memory_space<hbm>>
        %dma_start3A_132 = tpu.memref_slice %arg2[%add3A_130] : memref<8388608xf32, #tpu.memory_space<hbm>> -> memref<16384xf32, #tpu.memory_space<hbm>>
        tpu.enqueue_dma source(%dma_start3A_132 : memref<16384xf32, #tpu.memory_space<hbm>>) target(%arg9 : memref<16384xf32, #tpu.memory_space<vmem>>) target_semaphore(%arg13 : memref<!tpu.dma_semaphore, #tpu.memory_space<semaphore_mem>>)
      } else {
      }
      %dma_start3A_127 = tpu.memref_slice %arg5[%add3A_108] : memref<8388608xf32, #tpu.memory_space<hbm>> -> memref<16384xf32, #tpu.memory_space<hbm>>
      %dma_start3A_128 = tpu.memref_slice %arg5[%add3A_108] : memref<8388608xf32, #tpu.memory_space<hbm>> -> memref<16384xf32, #tpu.memory_space<hbm>>
      tpu.enqueue_dma source(%arg11 : memref<16384xf32, #tpu.memory_space<vmem>>) target(%dma_start3A_128 : memref<16384xf32, #tpu.memory_space<hbm>>) target_semaphore(%arg15 : memref<!tpu.dma_semaphore, #tpu.memory_space<semaphore_mem>>)
    }
    %scan3A_70 = arith.constant 8 : i32
    %add3A_71 = arith.constant 229376 : i32
    %add3A_72 = arith.addi %mul3A_2, %add3A_71 : i32
    %dma_wait3A = tpu.memref_slice %arg5[%add3A_72] : memref<8388608xf32, #tpu.memory_space<hbm>> -> memref<16384xf32, #tpu.memory_space<hbm>>
    %dma_wait3A_73 = tpu.memref_slice %arg5[%add3A_72] : memref<8388608xf32, #tpu.memory_space<hbm>> -> memref<16384xf32, #tpu.memory_space<hbm>>
    tpu.wait_dma2 semaphore(%arg14 : memref<!tpu.dma_semaphore, #tpu.memory_space<semaphore_mem>>) src(%arg10 : memref<16384xf32, #tpu.memory_space<vmem>>) dst(%dma_wait3A_73 : memref<16384xf32, #tpu.memory_space<hbm>>)
    %add3A_74 = arith.constant 245760 : i32
    %add3A_75 = arith.addi %mul3A_2, %add3A_74 : i32
    %dma_wait3A_76 = tpu.memref_slice %arg5[%add3A_75] : memref<8388608xf32, #tpu.memory_space<hbm>> -> memref<16384xf32, #tpu.memory_space<hbm>>
    %dma_wait3A_77 = tpu.memref_slice %arg5[%add3A_75] : memref<8388608xf32, #tpu.memory_space<hbm>> -> memref<16384xf32, #tpu.memory_space<hbm>>
    tpu.wait_dma2 semaphore(%arg15 : memref<!tpu.dma_semaphore, #tpu.memory_space<semaphore_mem>>) src(%arg11 : memref<16384xf32, #tpu.memory_space<vmem>>) dst(%dma_wait3A_77 : memref<16384xf32, #tpu.memory_space<hbm>>)
    return
  }
}

</mosaic_0001>

<sc_bundles>
// kernel: kernel.3.cloned.1.call-start
scs
__scs_entry_jumppad:
0x0: {  	(pc) =	sbr.rel $0x88, $3  }
0x1: {  	(tag) =	ssettag $0x0;
	lr =	simm.s32 $0x1  }
0x2: {  	[smem:$0x3F9E] =	sst lr;
	_ =	strace $0xD0000000  }
0x3: {  	_ = 	snop  }
0x4: {  	_ = 	snop  }
0x5: {  	_ = 	snop  }
0x6: {  	_ = 	snop  }
0x7: {  	_ = 	snop  }
__scs_overlays_trampoline_lowered:
0x8: {  	[smem:$0x3FAD] =	sst s0  }
0x9: {  	[smem:$0x3FAE] =	sst s1  }
0xa: {  	[smem:$0x3FAF] =	sst s2  }
0xb: {  	[smem:$0x3FB0] =	sst s3  }
0xc: {  	[smem:$0x3FB1] =	sst s4  }
0xd: {  	[smem:$0x3FB2] =	sst s5  }
0xe: {  	[smem:$0x3FB3] =	sst s6  }
0xf: {  	[smem:$0x3FB4] =	sst s7  }
0x10: {  	[smem:$0x3FB5] =	sst s8  }
0x11: {  	[smem:$0x3FB6] =	sst s9;
	s0 =	simm.s32 @!p0 $0x0  }
0x12: {  	s1 =	sld [smem:$0x3F9C];
	s0 =	simm.s32 @p0 $0x1  }
0x13: {  	[smem:$0x3FB7] =	sst s0;
	s0 =	simm.s32 @!p1 $0x0  }
0x14: {  	s2 =	sld [smem:$0x3F9B];
	s0 =	simm.s32 @p1 $0x1  }
0x15: {  	[smem:$0x3FB8] =	sst s0;
	s0 =	simm.s32 @!p2 $0x0  }
0x16: {  	s3 =	sld [smem:$0x3FDB];
	s0 =	simm.s32 @p2 $0x1  }
0x17: {  	s4 =	simm.s32 $0x1BF5;
	[smem:$0x3FBA] =	sst s0  }
0x18: {  	s0 =	sld [smem:$0x3F9D];
	_ =	swait.ge [sflag:s4], $0x0  }
0x19: {  	s7 =	sld [smem:$0x3F9E]  }
0x1a: {  	s8 =	sadd.s32 $0xFFFFE003, lr  }
0x1b: {  	s9 =	sadd.s32 $0xFFFFFEF7, lr;
	s5 =	simm.s32 $0xFFFFFFFF;
	p2 =	slt.u32 s8, $0xFFFFF086  }
0x1c: {  	p1 =	slt.u32 s9, $0xF7A;
	s5 =	simm.s32 @!p2 $0x0  }
0x1d: {  	s5 =	simm.s32 @p1 $0x1;
	p0 =	seq.s32 s7, s2  }
0x1e: {  	s7 =	smul.u32 @!p0 $0xF7A, s2;
	p2 =	seq.s32 @!p0 s5, $0x0  }
0x1f: {  	s9 =	smul.u32 $0xF7A, s1;
	s8 =	simm.s32 @!p0 $0x1BF5;
	p2 =	por !p2, p0  }
0x20: {  	[sflag:s8] =	ssyncset.s32 @!p0 $0xFFFFF086;
	s6 =	sadd.s32 @!p0 s3, s7;
	s7 =	simm.s32 @!p0 $0x108  }
0x21: {  	s3 =	sadd.s32 s3, s9;
	s6 =	sadd.s32 @!p0 $0x88, s6;
	s7 =	simm.s32 @p2 $0x1082  }
0x22: {  	[simem:s7], [sflag:s8] =	dma.local @!p0 [hbm:s6], $0xF7A  }
0x23: {  	s9 =	sor.u32 $0xD0000000, s2;
	s6 =	simm.s32 $0x108;
	_ =	swait.ge @!p0 [sflag:s8], $0x0  }
0x24: {  	s3 =	sadd.s32 $0x88, s3;
	s6 =	simm.s32 @!p1 $0x1082;
	[sflag:s4] =	ssyncset.s32 $0xFFFFF086  }
0x25: {  	[simem:s6], [sflag:s4] =	dma.local [hbm:s3], $0xF7A  }
0x26: {  	[smem:$0x3F9E] =	sst s1;
	(tag) =	ssettag s2;
	_ =	strace s9  }
0x27: {  	s1 =	sld [smem:$0x3FAE]  }
0x28: {  	s2 =	sld [smem:$0x3FAF]  }
0x29: {  	s4 =	sld [smem:$0x3FB1]  }
0x2a: {  	p0 =	seq.s32 s5, $0x0;
	s5 =	sld [smem:$0x3FB2]  }
0x2b: {  	s6 =	sld [smem:$0x3FB3]  }
0x2c: {  	s7 =	sld [smem:$0x3FB4]  }
0x2d: {  	s3 =	simm.s32 $0x108;
	s8 =	sld [smem:$0x3FB5]  }
0x2e: {  	s3 =	simm.s32 @!p0 $0x1082;
	s9 =	sld [smem:$0x3FB6]  }
0x2f: {  	lr =	sadd.s32 s0, s3;
	s0 =	sld [smem:$0x3FAD]  }
0x30: {  	s3 =	sld [smem:$0x3FB0]  }
0x31: {  	[smem:$0x3FB9] =	sst s10  }
0x32: {  	s10 =	sld [smem:$0x3FB7];
	_ =	sdelay $0x3  }
0x33: {  	p0 =	seq.s32 s10, $0x1;
	s10 =	sld [smem:$0x3FB9];
	_ =	sdelay $0x3  }
0x34: {  	[smem:$0x3FB9] =	sst s10  }
0x35: {  	s10 =	sld [smem:$0x3FB8];
	_ =	sdelay $0x3  }
0x36: {  	p1 =	seq.s32 s10, $0x1;
	s10 =	sld [smem:$0x3FB9];
	_ =	sdelay $0x3  }
0x37: {  	[smem:$0x3FB9] =	sst s10  }
0x38: {  	s10 =	sld [smem:$0x3FBA]  }
0x39: {  	_ = 	snop;
	(pc) =	sbr.ind lr, $3  }
0x3a: {  	_ = 	snop  }
0x3b: {  	_ = 	snop  }
0x3c: {  	p2 =	seq.s32 s10, $0x1;
	s10 =	sld [smem:$0x3FB9]  }
0x3d: {  	_ =	shalt  }
0x3e: {  	_ =	shalt  }
0x3f: {  	_ =	shalt  }
0x40: {  	_ =	shalt  }
0x41: {  	_ =	shalt  }
0x42: {  	_ =	shalt  }
0x43: {  	_ =	shalt  }
0x44: {  	_ =	shalt  }
0x45: {  	_ =	shalt  }
0x46: {  	_ =	shalt  }
0x47: {  	_ =	shalt  }
0x48: {  	_ =	shalt  }
0x49: {  	_ =	shalt  }
0x4a: {  	_ =	shalt  }
0x4b: {  	_ =	shalt  }
0x4c: {  	_ =	shalt  }
0x4d: {  	_ =	shalt  }
0x4e: {  	_ =	shalt  }
0x4f: {  	_ =	shalt  }
0x50: {  	_ =	shalt  }
0x51: {  	_ =	shalt  }
0x52: {  	_ =	shalt  }
0x53: {  	_ =	shalt  }
0x54: {  	_ =	shalt  }
0x55: {  	_ =	shalt  }
0x56: {  	_ =	shalt  }
0x57: {  	_ =	shalt  }
0x58: {  	_ =	shalt  }
0x59: {  	_ =	shalt  }
0x5a: {  	_ =	shalt  }
0x5b: {  	_ =	shalt  }
0x5c: {  	_ =	shalt  }
0x5d: {  	_ =	shalt  }
0x5e: {  	_ =	shalt  }
0x5f: {  	_ =	shalt  }
0x60: {  	_ =	shalt  }
0x61: {  	_ =	shalt  }
0x62: {  	_ =	shalt  }
0x63: {  	_ =	shalt  }
0x64: {  	_ =	shalt  }
0x65: {  	_ =	shalt  }
0x66: {  	_ =	shalt  }
0x67: {  	_ =	shalt  }
0x68: {  	_ =	shalt  }
0x69: {  	_ =	shalt  }
0x6a: {  	_ =	shalt  }
0x6b: {  	_ =	shalt  }
0x6c: {  	_ =	shalt  }
0x6d: {  	_ =	shalt  }
0x6e: {  	_ =	shalt  }
0x6f: {  	_ =	shalt  }
0x70: {  	_ =	shalt  }
0x71: {  	_ =	shalt  }
0x72: {  	_ =	shalt  }
0x73: {  	_ =	shalt  }
0x74: {  	_ =	shalt  }
0x75: {  	_ =	shalt  }
0x76: {  	_ =	shalt  }
0x77: {  	_ =	shalt  }
0x78: {  	_ =	shalt  }
0x79: {  	_ =	shalt  }
0x7a: {  	_ =	shalt  }
0x7b: {  	_ =	shalt  }
0x7c: {  	_ =	shalt  }
0x7d: {  	_ =	shalt  }
0x7e: {  	_ =	shalt  }
0x7f: {  	_ =	shalt  }
0x80: {  	_ =	shalt  }
0x81: {  	_ =	shalt  }
0x82: {  	_ =	shalt  }
0x83: {  	_ =	shalt  }
0x84: {  	_ =	shalt  }
0x85: {  	_ =	shalt  }
0x86: {  	_ =	shalt  }
0x87: {  	_ =	shalt  }
.Lfunc_end0:
.L_simem_size_0:
called_computation_lowered:
.L_overlay_start_0:
0x88: {  	s2 =	sld [smem:$0x3FD9]  }
0x89: {  	s3 =	sld [smem:$0x3FFE];
	_ =	sdelay $0x1  }
0x8a: {  	s1 =	srdreg.scid  }
0x8b: {  	s0 =	sand.u32 $0x1, s1  }
0x8c: {  	s18 =	sshll.u32 s0, $0xA;
	s2 =	sadd.s32 s3, s2  }
0x8d: {  	s2 =	sadd.s32 s2, s18  }
0x8e: {  	[smem:$0x3FC5] =	sst s2  }
0x8f: {  	_ = 	snop  }
0x90: {  	s2 =	sld [smem:$0x3FC9]  }
0x91: {  	s19 =	sld [smem:$0x3FC8]  }
0x92: {  	s4 =	sld [smem:$0x3FC7]  }
0x93: {  	s5 =	sld [smem:$0x3FD0];
	(tm) =	ssettm $0x1  }
0x94: {  	s6 =	sld [smem:$0x3FFB];
	_ =	sdelay $0x3  }
0x95: {  	_ =	strace s6  }
0x96: {  	s6 =	sld [smem:$0x3FFC];
	_ =	sdelay $0x3  }
0x97: {  	_ =	strace s6  }
0x98: {  	s6 =	sld [smem:$0x3FFD];
	_ =	sdelay $0x3  }
0x99: {  	_ =	strace s6  }
0x9a: {  	_ =	strace $0x8FFFFFFF  }
0x9b: {  	s20 =	sld [smem:$0x3FDB];
	_ =	sdelay $0x1  }
0x9c: {  	s7 =	simm.s32 $_scs_section_size  }
0x9d: {  	s8 =	simm.s32 $_size__tile_overlayer_lowered;
	s9 =	simm.s32 $_tile_overlayer_lowered  }
0x9e: {  	s23 =	simm.s32 $0x1BFF;
	s22 =	sshll.u32 s9, $0x1;
	s6 =	sadd.s32 s7, s20  }
0x9f: {  	s10 =	simm.s32 $0x0;
	s21 =	sshll.u32 s8, $0x1;
	s8 =	sadd.s32 s22, s6  }
0xa0: {  	[timem:s10], [sflag:s23] =	dma.local [hbm:s8], s21  }
0xa1: {  	_ =	swait.ge [sflag:s23], s21  }
0xa2: {  	s7 =	ssub.s32 $0x0, s21;
	[sflag:s23] =	ssyncset.done $0x0  }
0xa3: {  	[sflag:s23] =	ssyncadd.s32 s7;
	_ =	sdelay $0x1  }
0xa4: {  	s24 =	simm.s32 $0x1B8B  }
0xa5: {  	_ =	swait.ge [sflag:s24], $0x1  }
0xa6: {  	[sflag:s24] =	ssyncset.done $0x0  }
0xa7: {  	s25 =	simm.s32 $0x1B8E;
	[sflag:s24] =	ssyncadd.s32 $0xFFFFFFFF  }
0xa8: {  	s26 =	simm.s32 $execute0_lowered;
	[smem:$0x3FD2] =	sst s25  }
0xa9: {  	s7 =	sshll.u32 s26, $0x1;
	_ =	strace $0x80000046;
	[dreg:$0x1] =	wrdreg $0xFFFFFFFF  }
0xaa: {  	s28 =	simm.s32 $_size_execute0_lowered;
	s6 =	sadd.s32 s6, s7;
	[dreg:$0x0] =	wrdreg $0x0  }
0xab: {  	s7 =	sshll.u32 s28, $0x1;
	[dreg:$0x2] =	wrdreg s6  }
0xac: {  	[dreg:$0x3] =	wrdreg s7  }
0xad: {  	[dreg:$0x4] =	wrdreg $0xC0  }
0xae: {  	_ =	task [dreg:s10], $0x5FFFF  }
0xaf: {  	[dreg:$0x1] =	wrdreg $0xFFFFFFFF  }
0xb0: {  	[dreg:$0x0] =	wrdreg $0x60  }
0xb1: {  	[dreg:$0x2] =	wrdreg s2  }
0xb2: {  	[dreg:$0x3] =	wrdreg s19  }
0xb3: {  	[dreg:$0x4] =	wrdreg s4  }
0xb4: {  	[dreg:$0x5] =	wrdreg s5  }
0xb5: {  	[dreg:$0x6] =	wrdreg $0x9  }
0xb6: {  	_ =	task.clear_ibuf [dreg:s10], $0x7FFFF;
	_ =	strace $0x90000046  }
0xb7: {  	s29 =	simm.s32 $0x9;
	_ =	strace $0x80000048  }
0xb8: {  	_ =	swait.ge [sflag:s29], $0x1  }
0xb9: {  	[sflag:s29] =	ssyncadd.s32 $0xFFFFFFFF  }
0xba: {  	_ =	strace $0x90000048  }
0xbb: {  	_ =	sfence  }
0xbc: {  	s30 =	sld [smem:$0x0];
	_ =	sdelay $0x2  }
0xbd: {  	s31 =	sshll.u32 s1, $0xD;
	s1 =	sshrl.u32 s1, $0x2  }
0xbe: {  	s3 =	sand.u32 $0x4000, s31;
	s1 =	sadd.s32 s1, s30  }
0xbf: {  	s0 =	sor.u32 s3, s0;
	s1 =	sshll.u32 s1, $0x11  }
0xc0: {  	s0 =	sor.u32 s1, s0  }
0xc1: {  	s0 =	sadd.s32 $0x8F2B, s0  }
0xc2: {  	[sflag:s0] =	ssyncadd.remote.s32 $0x1  }
0xc3: {  	_ =	sfence.sel $0xFFFF  }
0xc4: {  	[dreg:$0x0] =	wrdreg $0xFFFFFFFF;
	(pc) =	sbr.abs _section_cstart, $3  }
0xc5: {  	[dreg:$0x1] =	wrdreg $0xFFFFFFFF  }
0xc6: {  	_ =	task.clear_ibuf [dreg:s10], $0x2FFFF;
	_ =	strace $0x9FFFFFFF  }
0xc7: {  	(tm) =	ssettm $0x7FFFFFFF  }
tec
execute0_lowered:
.L_overlay_start_1:
0x0: {  	(tag) =	ssettag $0x1  }
0x1: {  	v0 =	vlaneseq.u32  }
0x2: {  	v1 =	vor.u32 $0x7F80, v0  }
0x3: {  	[tilespmem:$0x1FD20] =	vst v1;
	v1 =	vor.u32 $0x7F90, v0  }
0x4: {  	[tilespmem:$0x1FD30] =	vst v1;
	v1 =	vor.u32 $0x7FA0, v0  }
0x5: {  	[tilespmem:$0x1FD40] =	vst v1;
	v1 =	vor.u32 $0x7FB0, v0  }
0x6: {  	[tilespmem:$0x1FD50] =	vst v1;
	v1 =	vor.u32 $0x7FC0, v0  }
0x7: {  	[tilespmem:$0x1FD60] =	vst v1;
	v1 =	vor.u32 $0x7FD0, v0  }
0x8: {  	[tilespmem:$0x1FD70] =	vst v1;
	v1 =	vor.u32 $0x7FE0, v0  }
0x9: {  	[tilespmem:$0x1FD80] =	vst v1;
	v1 =	vor.u32 $0x7FF0, v0  }
0xa: {  	[tilespmem:$0x1FD90] =	vst v1;
	v1 =	vor.u32 $0x4060, v0  }
0xb: {  	[tilespmem:$0x1FDA0] =	vst v1;
	v1 =	vor.u32 $0x70, v0  }
0xc: {  	[tilespmem:$0x1FDB0] =	vst v1;
	v1 =	vor.u32 $0x4070, v0  }
0xd: {  	[tilespmem:$0x1FDC0] =	vst v1;
	v1 =	vor.u32 $0x1F80, v0  }
0xe: {  	[tilespmem:$0x1FDD0] =	vst v1;
	v1 =	vor.u32 $0x1F90, v0  }
0xf: {  	[tilespmem:$0x1FDE0] =	vst v1;
	v1 =	vor.u32 $0x1FA0, v0  }
0x10: {  	[tilespmem:$0x1FDF0] =	vst v1;
	v1 =	vor.u32 $0x1FB0, v0  }
0x11: {  	[tilespmem:$0x1FE00] =	vst v1;
	v1 =	vor.u32 $0x1FC0, v0  }
0x12: {  	[tilespmem:$0x1FE10] =	vst v1;
	v1 =	vor.u32 $0x1FD0, v0  }
0x13: {  	[tilespmem:$0x1FE20] =	vst v1;
	v1 =	vor.u32 $0x1FE0, v0  }
0x14: {  	[tilespmem:$0x1FE30] =	vst v1;
	v1 =	vor.u32 $0x1FF0, v0  }
0x15: {  	[tilespmem:$0x1FE40] =	vst v1;
	v1 =	vor.u32 $0xF80, v0  }
0x16: {  	[tilespmem:$0x1FE50] =	vst v1;
	v1 =	vor.u32 $0xF90, v0  }
0x17: {  	[tilespmem:$0x1FE60] =	vst v1;
	v1 =	vor.u32 $0xFA0, v0  }
0x18: {  	[tilespmem:$0x1FE70] =	vst v1;
	v1 =	vor.u32 $0xFB0, v0  }
0x19: {  	s0 =	rddreg [dreg:$0x0];
	s4 =	srdreg.scid;
	[tilespmem:$0x1FE80] =	vst v1;
	v1 =	vor.u32 $0xFC0, v0  }
0x1a: {  	s1 =	rddreg [dreg:$0x1];
	s2 =	stileid.u32;
	s8 =	sand.u32 $0x1, s4;
	[tilespmem:$0x1FE90] =	vst v1;
	v1 =	vor.u32 $0xFD0, v0  }
0x1b: {  	s3 =	rddreg [dreg:$0x2];
	s6 =	sshll.u32 s2, $0x13;
	s7 =	sshll.u32 s8, $0x12;
	[tilespmem:$0x1FEA0] =	vst v1;
	v1 =	vor.u32 $0xFE0, v0  }
0x1c: {  	s5 =	rddreg [dreg:$0x3];
	s6 =	sor.u32 s7, s6;
	s7 =	simm.s32 $0x0;
	[tilespmem:$0x1FEB0] =	vst v1;
	v1 =	vor.u32 $0xFF0, v0  }
0x1d: {  	[smem:$0x7FF] =	sst s7;
	[tilespmem:$0x1FEC0] =	vst v1;
	v1 =	vor.u32 $0x780, v0  }
0x1e: {  	v44 =	vor.u32 $0x4000, v0;
	s4 =	rddreg [dreg:$0x4];
	_ =	strace $0x80000047;
	[tilespmem:$0x1FED0] =	vst v1  }
0x1f: {  	v51 =	vor.u32 $0x4010, v0;
	[tilespmem:$0x1FFC0] =	vst v44  }
0x20: {  	v52 =	vor.u32 $0x4020, v0;
	[tilespmem:$0x1FFD0] =	vst v51  }
0x21: {  	v54 =	vor.u32 $0x4030, v0;
	[tilespmem:$0x1FFE0] =	vst v52  }
0x22: {  	v1 =	vor.u32 $0x790, v0;
	[tilespmem:$0x1FFF0] =	vst v54  }
0x23: {  	[tilespmem:$0x1FEE0] =	vst v1;
	v1 =	vor.u32 $0x7A0, v0  }
0x24: {  	[tilespmem:$0x1FEF0] =	vst v1;
	v1 =	vor.u32 $0x7B0, v0  }
0x25: {  	[tilespmem:$0x1FF00] =	vst v1;
	v1 =	vor.u32 $0x7C0, v0  }
0x26: {  	[tilespmem:$0x1FF10] =	vst v1;
	v1 =	vor.u32 $0x7D0, v0  }
0x27: {  	[tilespmem:$0x1FF20] =	vst v1;
	v1 =	vor.u32 $0x7E0, v0  }
0x28: {  	[tilespmem:$0x1FF30] =	vst v1;
	v1 =	vor.u32 $0x7F0, v0  }
0x29: {  	v40 =	vimm.s32 $0x0;
	v2 =	vor.u32 $0x3F80, v0;
	[tilespmem:$0x1FF40] =	vst v1;
	v1 =	vor.u32 $0x380, v0  }
0x2a: {  	v3 =	vor.u32 $0x3F90, v0;
	v4 =	vor.u32 $0x3FA0, v0;
	[tilespmem:$0x1FF50] =	vst v1;
	v1 =	vor.u32 $0x390, v0  }
0x2b: {  	s11 =	simm.s32 $0x5;
	s12 =	simm.s32 $0x8000;
	s13 =	simm.s32 $0x8100;
	v5 =	vor.u32 $0x3FB0, v0;
	v6 =	vor.u32 $0x3FC0, v0;
	[tilespmem:$0x1FF60] =	vst v1;
	v1 =	vor.u32 $0x3A0, v0  }
0x2c: {  	s14 =	simm.s32 $0xC100;
	s15 =	simm.s32 $0x1;
	s16 =	simm.s32 $0x10100;
	v50 =	vor.u32 $0x3FD0, v0;
	v53 =	vor.u32 $0x3FE0, v0;
	[tilespmem:$0x1FF70] =	vst v1;
	v1 =	vor.u32 $0x3B0, v0  }
0x2d: {  	s17 =	simm.s32 $0x2;
	s18 =	simm.s32 $0x14100;
	v55 =	vor.u32 $0x3FF0, v0;
	v60 =	vor.u32 $0x10, v0;
	s9 =	ssub.s32 $0x2, s8;
	[tilespmem:$0x1FF80] =	vst v1;
	v1 =	vor.u32 $0x3C0, v0  }
0x2e: {  	s19 =	simm.s32 $0x3;
	v61 =	vor.u32 $0x20, v0;
	v62 =	vor.u32 $0x30, v0;
	s10 =	sshrl.u32 s9, $0x1;
	s31 =	sshrl.u32 s6, $0x3;
	[tilespmem:$0x1FF90] =	vst v1;
	v1 =	vor.u32 $0x3D0, v0  }
0x2f: {  	s20 =	simm.s32 $0x4;
	v63 =	vor.u32 $0x40, v0;
	v56 =	vor.u32 $0x4040, v0;
	s10 =	ssub.s32 s9, s10;
	s8 =	sadd.s32 s0, s31;
	[tilespmem:$0x1FFA0] =	vst v1;
	v1 =	vor.u32 $0x3E0, v0  }
0x30: {  	s21 =	simm.s32 $0x0;
	v58 =	vor.u32 $0x50, v0;
	v57 =	vor.u32 $0x4050, v0;
	v59 =	vor.u32 $0x60, v0;
	s10 =	smax.u32 s10, $0x1;
	s9 =	sadd.s32 $0x800, s8;
	[tilespmem:$0x1FFB0] =	vst v1  }
.LBB2_1:
0x31: {  	[tilespmem:s7], [sflag:$0x5] =	stream.linear.gather [hbm4b:s1+s7], $0x8000, $0x38;
	[tilespmem:$0x18100] =	vst v63  }
0x32: {  	_ =	swait.ge [sflag:s11], $0x8000  }
0x33: {  	[sflag:s11] =	ssyncset.done $0x0  }
0x34: {  	[sflag:s11] =	ssyncadd.s32 $0xFFFF8000  }
0x35: {  	[tilespmem:s12], [sflag:$0x5] =	stream.linear.gather [hbm4b:s3+s7], $0x100, $0x38;
	[tilespmem:$0x18100] =	vst v63  }
0x36: {  	_ =	swait.ge [sflag:s11], $0x100  }
0x37: {  	v1 =	vld [tilespmem:$0x1FD20];
	_ =	sdelay $0x5  }
0x38: {  	[sflag:s11] =	ssyncset.done $0x0  }
0x39: {  	[sflag:s11] =	ssyncadd.s32 $0xFFFFFF00  }
0x3a: {  	v1 =	vld.idx.msk [tilespmem:v1+s7+$0x0], $0xffff;
	_ =	sdelay $0x4  }
0x3b: {  	[tilespmem:$0x1FCA0] =	vst v1;
	v1 =	vld [tilespmem:$0x1FD30];
	_ =	sdelay $0x7  }
0x3c: {  	v1 =	vld.idx.msk [tilespmem:v1+s7+$0x0], $0xffff;
	_ =	sdelay $0x4  }
0x3d: {  	[tilespmem:$0x1FCB0] =	vst v1;
	v1 =	vld [tilespmem:$0x1FD40];
	_ =	sdelay $0x7  }
0x3e: {  	v1 =	vld.idx.msk [tilespmem:v1+s7+$0x0], $0xffff;
	_ =	sdelay $0x4  }
0x3f: {  	[tilespmem:$0x1FCC0] =	vst v1;
	v1 =	vld [tilespmem:$0x1FD50];
	_ =	sdelay $0x7  }
0x40: {  	v1 =	vld.idx.msk [tilespmem:v1+s7+$0x0], $0xffff;
	_ =	sdelay $0x4  }
0x41: {  	[tilespmem:$0x1FCD0] =	vst v1;
	v1 =	vld [tilespmem:$0x1FD60];
	_ =	sdelay $0x7  }
0x42: {  	v1 =	vld.idx.msk [tilespmem:v1+s7+$0x0], $0xffff;
	_ =	sdelay $0x4  }
0x43: {  	[tilespmem:$0x1FCE0] =	vst v1;
	v1 =	vld [tilespmem:$0x1FD70];
	_ =	sdelay $0x7  }
0x44: {  	v1 =	vld.idx.msk [tilespmem:v1+s7+$0x0], $0xffff;
	_ =	sdelay $0x4  }
0x45: {  	[tilespmem:$0x1FCF0] =	vst v1;
	v1 =	vld [tilespmem:$0x1FD80];
	_ =	sdelay $0x7  }
0x46: {  	v1 =	vld.idx.msk [tilespmem:v1+s7+$0x0], $0xffff;
	_ =	sdelay $0x4  }
0x47: {  	[tilespmem:$0x1FD00] =	vst v1;
	v1 =	vld [tilespmem:$0x1FD90];
	_ =	sdelay $0x7  }
0x48: {  	v1 =	vld.idx.msk [tilespmem:v1+s7+$0x0], $0xffff;
	_ =	sdelay $0x1  }
0x49: {  	[tilespmem:s13], [sflag:$0x1] =	stream.linear.gather [hbm4b:s8+s7], $0x4000, $0x38;
	[tilespmem:$0x18100] =	vst v63  }
0x4a: {  	_ = 	snop  }
0x4b: {  	[tilespmem:s14], [sflag:$0x2] =	stream.linear.gather [hbm4b:s9+s7], $0x4000, $0x38;
	[tilespmem:$0x18100] =	vst v63  }
0x4c: {  	s22 =	simm.s32 $0x0;
	[tilespmem:$0x1FD10] =	vst v1  }
.LBB2_2:
0x4d: {  	_ =	swait.ge [sflag:s15], $0x4000  }
0x4e: {  	p0 =	seq.s32 s22, $0x0;
	[sflag:s15] =	ssyncset.done $0x0  }
0x4f: {  	s24 =	simm.s32 @!p0 $0x3;
	[sflag:s15] =	ssyncadd.s32 $0xFFFFC000  }
0x50: {  	_ =	swait.ge @!p0 [sflag:s24], $0x4000  }
0x51: {  	s23 =	sshll.u32 s22, $0xF;
	[sflag:s24] =	ssyncset.done @!p0 $0x0  }
0x52: {  	s23 =	sor.u32 s6, s23;
	[sflag:s24] =	ssyncadd.s32 @!p0 $0xFFFFC000;
	s24 =	simm.s32 $0x0  }
.LBB2_3:
0x53: {  	_ =	sdelay $0x3  }
0x54: {  	s25 =	sshra.s32 s24, $0x2;
	v9 =	vld.idx.msk [tilespmem:v2+s7+$0x0], $0xffff  }
0x55: {  	v41 =	vld [tilespmem:s25+$0x8100]  }
0x56: {  	v11 =	vld.idx.msk [tilespmem:v4+s7+$0x0], $0xffff  }
0x57: {  	v37 =	vld [tilespmem:s25+$0x8120]  }
0x58: {  	v1 =	vld [tilespmem:$0x1FDD0]  }
0x59: {  	v10 =	vld.idx.msk [tilespmem:v3+s7+$0x0], $0xffff  }
0x5a: {  	v36 =	vld [tilespmem:s25+$0x8110];
	vm0 =	vle.f32 v9, v41  }
0x5b: {  	v12 =	vld.idx.msk [tilespmem:v5+s7+$0x0], $0xffff;
	v9 =	vsel vm0, v44, v0  }
0x5c: {  	v38 =	vld [tilespmem:s25+$0x8130];
	vm4 =	vle.f32 v11, v37;
	v11 =	vand.u32 $0x4000, v9  }
0x5d: {  	v11 =	vor.u32 v1, v11;
	v1 =	vld [tilespmem:$0x1FDE0];
	_ =	sdelay $0x1  }
0x5e: {  	vm15 =	vle.f32 v10, v36  }
0x5f: {  	v13 =	vsel vm15, v51, v60  }
0x60: {  	v15 =	vand.u32 $0x4000, v13  }
0x61: {  	vm5 =	vle.f32 v12, v38;
	v12 =	vor.u32 v1, v15;
	v1 =	vld [tilespmem:$0x1FDF0];
	_ =	sdelay $0x2  }
0x62: {  	v39 =	vld [tilespmem:s25+$0x8140];
	v14 =	vsel vm4, v52, v61  }
0x63: {  	v10 =	vld.idx.msk [tilespmem:v6+s7+$0x0], $0xffff;
	v15 =	vand.u32 $0x4000, v14  }
0x64: {  	v15 =	vor.u32 v1, v15;
	v1 =	vld [tilespmem:$0x1FE00];
	_ =	sdelay $0x2  }
0x65: {  	v16 =	vld.idx.msk [tilespmem:v50+s7+$0x0], $0xffff;
	v19 =	vsel vm5, v54, v62  }
0x66: {  	v43 =	vld [tilespmem:s25+$0x8150];
	v23 =	vand.u32 $0x4000, v19  }
0x67: {  	vm6 =	vle.f32 v10, v39;
	v10 =	vor.u32 v1, v23;
	v1 =	vld [tilespmem:$0x1FE10];
	_ =	sdelay $0x2  }
0x68: {  	v17 =	vld.idx.msk [tilespmem:v53+s7+$0x0], $0xffff;
	v23 =	vsel vm6, v56, v63  }
0x69: {  	v42 =	vld [tilespmem:s25+$0x8160];
	vm7 =	vle.f32 v16, v43;
	v16 =	vand.u32 $0x4000, v23  }
0x6a: {  	v16 =	vor.u32 v1, v16;
	v1 =	vld [tilespmem:$0x1FDA0];
	_ =	sdelay $0x1  }
0x6b: {  	v21 =	vld.idx.msk [tilespmem:v55+s7+$0x0], $0xffff  }
0x6c: {  	v7 =	vld [tilespmem:$0x1FDC0]  }
0x6d: {  	vm8 =	vle.f32 v17, v42;
	v44 =	vld [tilespmem:s25+$0x8170]  }
0x6e: {  	v17 =	vsel vm8, v1, v59;
	v1 =	vld [tilespmem:$0x1FDB0];
	_ =	sdelay $0x3  }
0x6f: {  	vm9 =	vle.f32 v21, v44  }
0x70: {  	v27 =	vsel vm9, v7, v1;
	v7 =	vld [tilespmem:$0x1FE20];
	_ =	sdelay $0x2  }
0x71: {  	v25 =	vsel vm7, v57, v58  }
0x72: {  	v21 =	vand.u32 $0x4000, v25  }
0x73: {  	v21 =	vor.u32 v7, v21;
	v7 =	vld [tilespmem:$0x1FE30];
	_ =	sdelay $0x3  }
0x74: {  	v11 =	vld.idx.msk [tilespmem:v11+s7+$0x0], $0xffff;
	v29 =	vand.u32 $0x4000, v17  }
0x75: {  	v29 =	vor.u32 v7, v29;
	v7 =	vld [tilespmem:$0x1FE40];
	_ =	sdelay $0x1  }
0x76: {  	v12 =	vld.idx.msk [tilespmem:v12+s7+$0x0], $0xffff;
	_ =	sdelay $0x1  }
0x77: {  	v10 =	vld.idx.msk [tilespmem:v10+s7+$0x0], $0xffff;
	v31 =	vand.u32 $0x4000, v27  }
0x78: {  	vm10 =	vle.f32 v11, v41;
	v11 =	vor.u32 v7, v31;
	v7 =	vld [tilespmem:$0x1FE50];
	_ =	sdelay $0x1  }
0x79: {  	vm11 =	vle.f32 v12, v36;
	v31 =	vsel vm10, $0x2000, v40  }
0x7a: {  	v12 =	vld.idx.msk [tilespmem:v16+s7+$0x0], $0xffff;
	v16 =	vsel vm11, $0x2000, v40;
	v9 =	vor.u32 v9, v31  }
0x7b: {  	v13 =	vor.u32 v13, v16;
	v16 =	vand.u32 $0x6000, v9  }
0x7c: {  	vm13 =	vle.f32 v10, v38;
	v10 =	vor.u32 v7, v16;
	v7 =	vld [tilespmem:$0x1FE60]  }
0x7d: {  	v15 =	vld.idx.msk [tilespmem:v15+s7+$0x0], $0xffff;
	_ =	sdelay $0x2  }
0x7e: {  	v16 =	vand.u32 $0x6000, v13  }
0x7f: {  	v16 =	vor.u32 v7, v16;
	v7 =	vld [tilespmem:$0x1FE70]  }
0x80: {  	vm12 =	vle.f32 v15, v37  }
0x81: {  	v15 =	vsel vm12, $0x2000, v40  }
0x82: {  	v14 =	vor.u32 v14, v15;
	v15 =	vsel vm13, $0x2000, v40  }
0x83: {  	v15 =	vor.u32 v19, v15;
	v19 =	vand.u32 $0x6000, v14  }
0x84: {  	vm14 =	vle.f32 v12, v39;
	v12 =	vor.u32 v7, v19;
	v7 =	vld [tilespmem:$0x1FE80];
	_ =	sdelay $0x3  }
0x85: {  	v21 =	vld.idx.msk [tilespmem:v21+s7+$0x0], $0xffff;
	v19 =	vand.u32 $0x6000, v15  }
0x86: {  	v19 =	vor.u32 v7, v19;
	v7 =	vld [tilespmem:$0x1FE90];
	_ =	sdelay $0x1  }
0x87: {  	v29 =	vld.idx.msk [tilespmem:v29+s7+$0x0], $0xffff;
	v31 =	vsel vm14, $0x2000, v40  }
0x88: {  	v23 =	vor.u32 v23, v31;
	v11 =	vld.idx.msk [tilespmem:v11+s7+$0x0], $0xffff  }
0x89: {  	vm15 =	vle.f32 v21, v43;
	v21 =	vand.u32 $0x6000, v23  }
0x8a: {  	v21 =	vor.u32 v7, v21;
	v7 =	vld [tilespmem:$0x1FEA0];
	_ =	sdelay $0x1  }
0x8b: {  	v31 =	vsel vm15, $0x2000, v40;
	vm4 =	vle.f32 v29, v42  }
0x8c: {  	v25 =	vor.u32 v25, v31;
	v29 =	vsel vm4, $0x2000, v40;
	vm5 =	vle.f32 v11, v44  }
0x8d: {  	v11 =	vld.idx.msk [tilespmem:v12+s7+$0x0], $0xffff;
	v12 =	vor.u32 v17, v29;
	v17 =	vsel vm5, $0x2000, v40;
	v29 =	vand.u32 $0x6000, v25  }
0x8e: {  	v17 =	vor.u32 v27, v17;
	v27 =	vor.u32 v7, v29;
	v7 =	vld [tilespmem:$0x1FEB0];
	_ =	sdelay $0x3  }
0x8f: {  	v16 =	vld.idx.msk [tilespmem:v16+s7+$0x0], $0xffff;
	v29 =	vand.u32 $0x6000, v12  }
0x90: {  	v29 =	vor.u32 v7, v29;
	v7 =	vld [tilespmem:$0x1FEC0]  }
0x91: {  	v10 =	vld.idx.msk [tilespmem:v10+s7+$0x0], $0xffff;
	_ =	sdelay $0x2  }
0x92: {  	vm1 =	vle.f32 v16, v36;
	v16 =	vand.u32 $0x6000, v17  }
0x93: {  	v16 =	vor.u32 v7, v16;
	v7 =	vld [tilespmem:$0x1FED0]  }
0x94: {  	vm6 =	vle.f32 v10, v41  }
0x95: {  	v10 =	vld.idx.msk [tilespmem:v21+s7+$0x0], $0xffff;
	v21 =	vsel vm6, $0x1000, v40  }
0x96: {  	v9 =	vor.u32 v9, v21  }
0x97: {  	vm7 =	vle.f32 v11, v37;
	v11 =	vand.u32 $0x7000, v9  }
0x98: {  	v11 =	vor.u32 v7, v11;
	v7 =	vld [tilespmem:$0x1FEE0];
	_ =	sdelay $0x1  }
0x99: {  	v31 =	vsel vm1, $0x1000, v40  }
0x9a: {  	v13 =	vor.u32 v13, v31;
	v21 =	vsel vm7, $0x1000, v40  }
0x9b: {  	v14 =	vor.u32 v14, v21;
	v21 =	vand.u32 $0x7000, v13  }
0x9c: {  	vm9 =	vle.f32 v10, v39;
	v10 =	vor.u32 v7, v21;
	v7 =	vld [tilespmem:$0x1FEF0]  }
0x9d: {  	v19 =	vld.idx.msk [tilespmem:v19+s7+$0x0], $0xffff;
	_ =	sdelay $0x2  }
0x9e: {  	v21 =	vand.u32 $0x7000, v14  }
0x9f: {  	v21 =	vor.u32 v7, v21;
	v7 =	vld [tilespmem:$0x1FF00]  }
0xa0: {  	vm8 =	vle.f32 v19, v38  }
0xa1: {  	v19 =	vld.idx.msk [tilespmem:v27+s7+$0x0], $0xffff;
	v27 =	vsel vm8, $0x1000, v40  }
0xa2: {  	v15 =	vor.u32 v15, v27  }
0xa3: {  	v31 =	vand.u32 $0x7000, v15;
	v27 =	vld.idx.msk [tilespmem:v29+s7+$0x0], $0xffff;
	v29 =	vsel vm9, $0x1000, v40  }
0xa4: {  	v23 =	vor.u32 v23, v29;
	v29 =	vor.u32 v7, v31;
	v7 =	vld [tilespmem:$0x1FF10];
	_ =	sdelay $0x3  }
0xa5: {  	vm10 =	vle.f32 v19, v43;
	v19 =	vand.u32 $0x7000, v23;
	v16 =	vld.idx.msk [tilespmem:v16+s7+$0x0], $0xffff  }
0xa6: {  	v19 =	vor.u32 v7, v19;
	v7 =	vld [tilespmem:$0x1FF20];
	_ =	sdelay $0x1  }
0xa7: {  	v31 =	vsel vm10, $0x1000, v40  }
0xa8: {  	v11 =	vld.idx.msk [tilespmem:v11+s7+$0x0], $0xffff;
	v25 =	vor.u32 v25, v31  }
0xa9: {  	vm12 =	vle.f32 v16, v44;
	v16 =	vld.idx.msk [tilespmem:v21+s7+$0x0], $0xffff;
	v21 =	vand.u32 $0x7000, v25  }
0xaa: {  	v21 =	vor.u32 v7, v21;
	v7 =	vld [tilespmem:$0x1FF30]  }
0xab: {  	vm11 =	vle.f32 v27, v42  }
0xac: {  	v27 =	vsel vm11, $0x1000, v40  }
0xad: {  	v12 =	vor.u32 v12, v27;
	v27 =	vsel vm12, $0x1000, v40  }
0xae: {  	v17 =	vor.u32 v17, v27;
	v27 =	vand.u32 $0x7000, v12;
	vm13 =	vle.f32 v11, v41;
	v11 =	vld.idx.msk [tilespmem:v19+s7+$0x0], $0xffff  }
0xaf: {  	v19 =	vor.u32 v7, v27;
	v7 =	vld [tilespmem:$0x1FF40];
	_ =	sdelay $0x3  }
0xb0: {  	v27 =	vand.u32 $0x7000, v17  }
0xb1: {  	v27 =	vor.u32 v7, v27;
	v7 =	vld [tilespmem:$0x1FF50]  }
0xb2: {  	v10 =	vld.idx.msk [tilespmem:v10+s7+$0x0], $0xffff  }
0xb3: {  	v31 =	vsel vm13, $0x800, v40;
	v29 =	vld.idx.msk [tilespmem:v29+s7+$0x0], $0xffff  }
0xb4: {  	v9 =	vor.u32 v9, v31  }
0xb5: {  	vm15 =	vle.f32 v16, v37;
	v16 =	vand.u32 $0x7800, v9  }
0xb6: {  	v16 =	vor.u32 v7, v16;
	v7 =	vld [tilespmem:$0x1FF60]  }
0xb7: {  	vm14 =	vle.f32 v10, v36  }
0xb8: {  	v10 =	vsel vm14, $0x800, v40;
	vm4 =	vle.f32 v29, v38  }
0xb9: {  	v13 =	vor.u32 v13, v10;
	v10 =	vsel vm4, $0x800, v40  }
0xba: {  	v15 =	vor.u32 v15, v10;
	v10 =	vand.u32 $0x7800, v13  }
0xbb: {  	v10 =	vor.u32 v7, v10;
	v7 =	vld [tilespmem:$0x1FF70];
	_ =	sdelay $0x1  }
0xbc: {  	v31 =	vsel vm15, $0x800, v40  }
0xbd: {  	v14 =	vor.u32 v14, v31;
	v21 =	vld.idx.msk [tilespmem:v21+s7+$0x0], $0xffff;
	vm5 =	vle.f32 v11, v39  }
0xbe: {  	v29 =	vand.u32 $0x7800, v14;
	v11 =	vld.idx.msk [tilespmem:v19+s7+$0x0], $0xffff;
	v19 =	vsel vm5, $0x800, v40  }
0xbf: {  	v19 =	vor.u32 v23, v19;
	v23 =	vor.u32 v7, v29;
	v7 =	vld [tilespmem:$0x1FF80];
	_ =	sdelay $0x3  }
0xc0: {  	v29 =	vand.u32 $0x7800, v15  }
0xc1: {  	vm6 =	vle.f32 v21, v43;
	v21 =	vor.u32 v7, v29;
	v7 =	vld [tilespmem:$0x1FF90];
	_ =	sdelay $0x1  }
0xc2: {  	v16 =	vld.idx.msk [tilespmem:v16+s7+$0x0], $0xffff;
	_ =	sdelay $0x1  }
0xc3: {  	v29 =	vand.u32 $0x7800, v19  }
0xc4: {  	v29 =	vor.u32 v7, v29;
	v7 =	vld [tilespmem:$0x1FFA0]  }
0xc5: {  	v27 =	vld.idx.msk [tilespmem:v27+s7+$0x0], $0xffff  }
0xc6: {  	v31 =	vsel vm6, $0x800, v40;
	v10 =	vld.idx.msk [tilespmem:v10+s7+$0x0], $0xffff;
	vm9 =	vle.f32 v16, v41  }
0xc7: {  	v25 =	vor.u32 v25, v31;
	v16 =	vsel vm9, $0x400, v40  }
0xc8: {  	v31 =	vand.u32 $0x7800, v25;
	vm7 =	vle.f32 v11, v42;
	v16 =	vor.u32 v9, v16;
	v11 =	vld.idx.msk [tilespmem:v23+s7+$0x0], $0xffff  }
0xc9: {  	v32 =	vand.u32 $0x7C00, v16;
	v21 =	vld.idx.msk [tilespmem:v21+s7+$0x0], $0xffff;
	v23 =	vor.u32 v7, v31;
	v7 =	vor.u32 $0x180, v0  }
0xca: {  	vm8 =	vle.f32 v27, v44;
	v27 =	vsel vm7, $0x800, v40;
	[tilespmem:$0x1FC10] =	vst v7;
	v32 =	vor.u32 v7, v32;
	v7 =	vld [tilespmem:$0x1FFB0]  }
0xcb: {  	v27 =	vor.u32 v12, v27;
	vm10 =	vle.f32 v10, v36;
	v12 =	vld.idx.msk [tilespmem:v29+s7+$0x0], $0xffff  }
0xcc: {  	v8 =	vor.u32 $0x3F0, v0;
	v33 =	vsel vm10, $0x400, v40  }
0xcd: {  	v33 =	vor.u32 v13, v33;
	vm11 =	vle.f32 v11, v37;
	v31 =	vsel vm8, $0x800, v40  }
0xce: {  	v11 =	vsel vm11, $0x400, v40;
	v29 =	vand.u32 $0x7800, v27;
	v17 =	vor.u32 v17, v31  }
0xcf: {  	vm12 =	vle.f32 v21, v38;
	v31 =	vand.u32 $0x7800, v17;
	v23 =	vld.idx.msk [tilespmem:v23+s7+$0x0], $0xffff;
	v29 =	vor.u32 v7, v29  }
0xd0: {  	v31 =	vor.u32 v8, v31;
	vm2 =	vle.f32 v12, v39;
	v12 =	vsel vm12, $0x400, v40  }
0xd1: {  	v21 =	vor.u32 v14, v11;
	v13 =	vsel vm2, $0x400, v40;
	v34 =	vor.u32 v15, v12  }
0xd2: {  	v15 =	vld.idx.msk [tilespmem:v32+s7+$0x0], $0xffff;
	v12 =	vand.u32 $0x7C00, v33;
	v7 =	vor.u32 $0x190, v0;
	v35 =	vor.u32 v19, v13  }
0xd3: {  	[tilespmem:$0x1FC30] =	vst v7;
	v19 =	vor.u32 v7, v12;
	v13 =	vand.u32 $0x7C00, v21;
	v7 =	vor.u32 $0x1A0, v0  }
0xd4: {  	vm13 =	vle.f32 v23, v43;
	v23 =	vld.idx.msk [tilespmem:v29+s7+$0x0], $0xffff;
	v29 =	vor.u32 v7, v13  }
0xd5: {  	v14 =	vand.u32 $0x7C00, v34;
	[tilespmem:$0x1FC40] =	vst v7;
	v31 =	vld.idx.msk [tilespmem:v31+s7+$0x0], $0xffff;
	v45 =	vand.u32 $0x7C00, v35;
	v7 =	vor.u32 $0x1B0, v0  }
0xd6: {  	v46 =	vsel vm13, $0x400, v40;
	[tilespmem:$0x1FC50] =	vst v7;
	v52 =	vor.u32 v7, v14;
	v7 =	vor.u32 $0x1C0, v0  }
0xd7: {  	vm14 =	vle.f32 v15, v41;
	v46 =	vor.u32 v25, v46;
	v45 =	vor.u32 v7, v45  }
0xd8: {  	v19 =	vld.idx.msk [tilespmem:v19+s7+$0x0], $0xffff;
	v47 =	vsel vm14, $0x200, v40;
	[tilespmem:$0x1FC60] =	vst v7;
	v25 =	vand.u32 $0x7C00, v46;
	v7 =	vor.u32 $0x1D0, v0  }
0xd9: {  	v25 =	vor.u32 v7, v25;
	vm15 =	vle.f32 v23, v42;
	v23 =	vld.idx.msk [tilespmem:v29+s7+$0x0], $0xffff;
	v29 =	vor.u32 v16, v47  }
0xda: {  	vm4 =	vle.f32 v31, v44;
	v16 =	vor.u32 $0x80, v0;
	v54 =	vand.u32 $0xFFFFFF00, v29  }
0xdb: {  	v48 =	vsel vm4, $0x400, v40;
	v31 =	vld.idx.msk [tilespmem:v52+s7+$0x0], $0xffff;
	v32 =	vor.u32 v16, v54  }
0xdc: {  	[tilespmem:$0x1FC20] =	vst v8;
	v8 =	vor.u32 $0x1F0, v0;
	v48 =	vor.u32 v17, v48;
	v52 =	vsel vm15, $0x400, v40;
	v45 =	vld.idx.msk [tilespmem:v45+s7+$0x0], $0xffff  }
0xdd: {  	[tilespmem:$0x1FC70] =	vst v7;
	v7 =	vor.u32 $0x1E0, v0;
	v49 =	vand.u32 $0x7C00, v48;
	v47 =	vor.u32 v27, v52  }
0xde: {  	vm5 =	vle.f32 v19, v36;
	v49 =	vor.u32 v8, v49;
	v27 =	vand.u32 $0x7C00, v47;
	v25 =	vld.idx.msk [tilespmem:v25+s7+$0x0], $0xffff  }
0xdf: {  	v54 =	vsel vm5, $0x200, v40;
	v27 =	vor.u32 v7, v27;
	vm6 =	vle.f32 v23, v37  }
0xe0: {  	v33 =	vor.u32 v33, v54;
	vm7 =	vle.f32 v31, v38;
	v23 =	vsel vm6, $0x200, v40;
	v31 =	vld.idx.msk [tilespmem:v32+s7+$0x0], $0xffff  }
0xe1: {  	v24 =	vmovc v50;
	vm8 =	vle.f32 v45, v39;
	v52 =	vsel vm7, $0x200, v40;
	v50 =	vor.u32 v21, v23  }
0xe2: {  	v23 =	vand.u32 $0xFFFFFF00, v33;
	v21 =	vor.u32 $0x90, v0;
	v45 =	vsel vm8, $0x200, v40  }
0xe3: {  	v34 =	vor.u32 v34, v52;
	vm9 =	vle.f32 v25, v43;
	v25 =	vor.u32 $0xB0, v0  }
0xe4: {  	v35 =	vor.u32 v35, v45;
	v32 =	vld.idx.msk [tilespmem:v27+s7+$0x0], $0xffff;
	v45 =	vor.u32 v21, v23;
	v27 =	vand.u32 $0xFFFFFF00, v50  }
0xe5: {  	v23 =	vor.u32 $0xA0, v0;
	v54 =	vand.u32 $0xFFFFFF00, v34;
	vm10 =	vle.f32 v31, v41  }
0xe6: {  	v26 =	vmovc v53;
	v51 =	vor.u32 v25, v54;
	v53 =	vand.u32 $0xFFFFFF00, v35;
	v31 =	vld.idx.msk [tilespmem:v49+s7+$0x0], $0xffff;
	v52 =	vsel vm10, $0x100, v40  }
0xe7: {  	v49 =	vor.u32 v23, v27;
	v27 =	vor.u32 $0xC0, v0;
	v52 =	vor.u32 v29, v52  }
0xe8: {  	v53 =	vor.u32 v27, v53;
	v29 =	vsel vm9, $0x200, v40;
	v54 =	vand.u32 $0xFFFFFF80, v52  }
0xe9: {  	vm11 =	vle.f32 v32, v42;
	v45 =	vld.idx.msk [tilespmem:v45+s7+$0x0], $0xffff;
	v46 =	vor.u32 v46, v29;
	v54 =	vor.u32 v0, v54  }
0xea: {  	v28 =	vmovc v55;
	v32 =	vsel vm11, $0x200, v40;
	v29 =	vor.u32 $0xD0, v0;
	v55 =	vand.u32 $0xFFFFFF00, v46  }
0xeb: {  	v51 =	vld.idx.msk [tilespmem:v51+s7+$0x0], $0xffff;
	v47 =	vor.u32 v47, v32;
	vm12 =	vle.f32 v31, v44;
	v55 =	vor.u32 v29, v55  }
0xec: {  	v15 =	vmovc v56;
	v49 =	vld.idx.msk [tilespmem:v49+s7+$0x0], $0xffff;
	v56 =	vand.u32 $0xFFFFFF00, v47;
	v31 =	vor.u32 $0xE0, v0;
	v32 =	vsel vm12, $0x200, v40  }
0xed: {  	v53 =	vld.idx.msk [tilespmem:v53+s7+$0x0], $0xffff;
	v56 =	vor.u32 v31, v56;
	v48 =	vor.u32 v48, v32  }
0xee: {  	v19 =	vmovc v57;
	v32 =	vor.u32 $0xF0, v0;
	vm13 =	vle.f32 v45, v36;
	v57 =	vand.u32 $0xFFFFFF00, v48;
	v45 =	vld.idx.msk [tilespmem:v54+s7+$0x0], $0xffff  }
0xef: {  	v54 =	vor.u32 v32, v57;
	v57 =	vsel vm13, $0x100, v40  }
0xf0: {  	vm15 =	vle.f32 v51, v38;
	v55 =	vld.idx.msk [tilespmem:v55+s7+$0x0], $0xffff;
	v33 =	vor.u32 v33, v57  }
0xf1: {  	vm14 =	vle.f32 v49, v37;
	v57 =	vsel vm15, $0x100, v40;
	v51 =	vand.u32 $0xFFFFFF80, v33  }
0xf2: {  	v49 =	vsel vm14, $0x100, v40;
	v56 =	vld.idx.msk [tilespmem:v56+s7+$0x0], $0xffff;
	v34 =	vor.u32 v34, v57;
	v51 =	vor.u32 v60, v51  }
0xf3: {  	vm4 =	vle.f32 v53, v39;
	v49 =	vor.u32 v50, v49;
	vm5 =	vle.f32 v45, v41  }
0xf4: {  	v50 =	vsel vm4, $0x100, v40;
	v53 =	vand.u32 $0xFFFFFF80, v49;
	v45 =	vld.idx.msk [tilespmem:v54+s7+$0x0], $0xffff;
	v57 =	vsel vm5, $0x80, v40  }
0xf5: {  	v35 =	vor.u32 v35, v50;
	vm6 =	vle.f32 v55, v43;
	v52 =	vadd.s32 v52, v57  }
0xf6: {  	v53 =	vor.u32 v61, v53;
	v57 =	vsel vm6, $0x100, v40;
	v52 =	vmax.u32 v52, v16  }
0xf7: {  	vm7 =	vle.f32 v56, v42;
	v51 =	vld.idx.msk [tilespmem:v51+s7+$0x0], $0xffff;
	v54 =	vand.u32 $0x7FFFFF80, v52;
	v55 =	vor.u32 $0xFFFFFF80, v52  }
0xf8: {  	v46 =	vor.u32 v46, v57;
	v57 =	vsel vm7, $0x100, v40;
	v54 =	vadd.s32 v55, v54  }
0xf9: {  	v56 =	vand.u32 $0xFFFFFF80, v34;
	v47 =	vor.u32 v47, v57;
	vm8 =	vle.f32 v45, v44  }
0xfa: {  	v11 =	vld [tilespmem:$0x1FCA0];
	v57 =	vand.u32 $0xFFFFFF80, v35;
	v45 =	vor.u32 v62, v56;
	v50 =	vsel vm8, $0x100, v40  }
0xfb: {  	v53 =	vld.idx.msk [tilespmem:v53+s7+$0x0], $0xffff;
	v48 =	vor.u32 v48, v50;
	v50 =	vor.u32 v63, v57  }
0xfc: {  	v13 =	vld [tilespmem:$0x1FCB0];
	v57 =	vand.u32 $0xFFFFFF80, v46;
	vm9 =	vle.f32 v51, v36  }
0xfd: {  	v56 =	vand.u32 $0xFFFFFF80, v47;
	v55 =	vor.u32 v58, v57;
	v57 =	vsel vm9, $0x80, v40;
	v54 =	vld.idx.msk [tilespmem:v54+s7+$0x0], $0xffff  }
0xfe: {  	v51 =	vor.u32 v59, v56;
	v56 =	vand.u32 $0xFFFFFF80, v48;
	v33 =	vadd.s32 v33, v57;
	v57 =	vld.idx.msk [tilespmem:v52+s7+$0x0], $0xffff  }
0xff: {  	v56 =	vor.u32 v1, v56;
	v45 =	vld.idx.msk [tilespmem:v45+s7+$0x0], $0xffff  }
0x100: {  	vm10 =	vle.f32 v53, v37;
	v53 =	vmax.u32 v33, v21;
	v33 =	vld.idx.msk [tilespmem:v50+s7+$0x0], $0xffff  }
0x101: {  	vm8 =	vgt.f32 v41, v11;
	vm9 =	vgt.f32 v36, v13;
	v1 =	vld [tilespmem:$0x1FCC0];
	v50 =	vsel vm10, $0x80, v40  }
0x102: {  	v9 =	vmovc v59;
	v17 =	vmovc v58;
	v58 =	vand.u32 $0x7FFFFF80, v53;
	v59 =	vor.u32 $0xFFFFFF80, v53;
	v55 =	vld.idx.msk [tilespmem:v55+s7+$0x0], $0xffff;
	v49 =	vadd.s32 v49, v50  }
0x103: {  	v50 =	vadd.s32 v59, v58;
	v51 =	vld.idx.msk [tilespmem:v51+s7+$0x0], $0xffff;
	v58 =	vmax.u32 v49, v23;
	v57 =	vsub.f32 v57, v54  }
0x104: {  	v49 =	vld.idx.msk [tilespmem:v56+s7+$0x0], $0xffff;
	v56 =	vand.u32 $0x7FFFFF80, v58;
	v59 =	vor.u32 $0xFFFFFF80, v58;
	vm11 =	vle.f32 v45, v38  }
0x105: {  	v56 =	vadd.s32 v59, v56;
	vm12 =	vle.f32 v33, v39;
	vm13 =	veq.f32 v57, $0.0e+00  }
0x106: {  	v33 =	vsel vm11, $0x80, v40;
	vm11 =	vgt.f32 v37, v1;
	v45 =	vsel vm12, $0x80, v40  }
0x107: {  	v57 =	vsel vm13, $0x3F800000, v57;
	v33 =	vadd.s32 v34, v33;
	vm14 =	vle.f32 v55, v43  }
0x108: {  	v50 =	vld.idx.msk [tilespmem:v50+s7+$0x0], $0xffff;
	vm15 =	vle.f32 v51, v42;
	v34 =	vadd.s32 v35, v45;
	(erf) = vrcp.f32 v57  }
0x109: {  	v35 =	vld.idx.msk [tilespmem:v53+s7+$0x0], $0xffff;
	vm3 =	vle.f32 v49, v44;
	v45 =	vsel vm14, $0x80, v40;
	v59 =	vsel vm15, $0x80, v40  }
0x10a: {  	v57 =	vsel vm3, $0x80, v40;
	v45 =	vadd.s32 v46, v45;
	v46 =	vadd.s32 v47, v59  }
0x10b: {  	v55 =	vld.idx.msk [tilespmem:v56+s7+$0x0], $0xffff;
	v48 =	vadd.s32 v48, v57;
	v56 =	vmax.u32 v33, v25;
	v57 =	vmax.u32 v34, v27  }
0x10c: {  	v51 =	vld.idx.msk [tilespmem:v58+s7+$0x0], $0xffff;
	v49 =	vmax.u32 v45, v29;
	v47 =	vmax.u32 v46, v31;
	v33 =	vmul.u32 $0xFFFFFFFF, v0  }
0x10d: {  	v46 =	vmax.u32 v48, v32;
	v59 =	vand.u32 $0x7FFFFF80, v56;
	v48 =	vor.u32 $0xFFFFFF80, v56  }
0x10e: {  	v10 =	vmovc v61;
	v61 =	vor.u32 $0xFFFFFF80, v47;
	v34 =	vsub.f32 v35, v50;
	v35 =	vadd.s32 v48, v59  }
0x10f: {  	v59 =	vadd.s32 v33, v52;
	v48 =	vsub.f32 v41, v54;
	v52 =	vand.u32 $0x7FFFFF80, v57  }
0x110: {  	v54 =	vor.u32 $0xFFFFFF80, v57;
	v50 =	vsub.f32 v36, v50;
	v36 =	vadd.s32 $0xFFFFFFD0, v33  }
0x111: {  	v45 =	vshrl.u32 v59, $0x7;
	vm5 =	veq.f32 v34, $0.0e+00;
	v51 =	vsub.f32 v51, v55  }
0x112: {  	v30 =	vmovc v60;
	v60 =	vld.idx.msk [tilespmem:v56+s7+$0x0], $0xffff;
	v55 =	vsub.f32 v37, v55;
	v56 =	vadd.s32 v36, v56;
	v34 =	vsel vm5, $0x3F800000, v34  }
0x113: {  	v56 =	vshrl.u32 v56, $0x7;
	v59 =	vpop (erf);
	(erf) = vrcp.f32 v34;
	v34 =	vadd.s32 $0xFFFFFFFF, v45  }
0x114: {  	vm6 =	veq.f32 v51, $0.0e+00;
	v56 =	vadd.s32 $0xFFFFFFFF, v56;
	v59 =	vmul.f32 v59, v48  }
0x115: {  	v34 =	vcvt.s32.f32 v34;
	v51 =	vsel vm6, $0x3F800000, v51;
	v48 =	vadd.s32 v54, v52  }
0x116: {  	v52 =	vor.u32 $0xFFFFFF80, v49;
	v37 =	vcvt.s32.f32 v56;
	(erf) = vrcp.f32 v51;
	v51 =	vld.idx.msk [tilespmem:v35+s7+$0x0], $0xffff  }
0x117: {  	v35 =	vand.u32 $0x7FFFFF80, v49;
	v45 =	vmul.f32 $3.921568860e-03, v59;
	v54 =	vmul.f32 $3.921568860e-03, v34  }
0x118: {  	v59 =	vand.u32 $0x7FFFFF80, v47;
	v34 =	vadd.s32 $0xFFFFFFF0, v33;
	v52 =	vadd.s32 v52, v35  }
0x119: {  	v37 =	vmul.f32 $3.921568860e-03, v37;
	v53 =	vadd.s32 v34, v53;
	v45 =	vsel vm13, $0x80000000, v45  }
0x11a: {  	v45 =	vadd.f32 v45, v54;
	v54 =	vadd.s32 v61, v59;
	v59 =	vshrl.u32 v53, $0x7  }
0x11b: {  	v53 =	vand.u32 $0x7FFFFF80, v46;
	v35 =	vadd.s32 $0xFFFFFFFF, v59;
	v60 =	vsub.f32 v60, v51  }
0x11c: {  	v45 =	vmax.f32 v45, $0.0e+00;
	v59 =	vcvt.s32.f32 v35;
	v35 =	vadd.s32 $0xFFFFFFE0, v33;
	v61 =	vpop (erf)  }
0x11d: {  	v45 =	vmin.f32 v45, $1.000000000e+00;
	v58 =	vadd.s32 v35, v58;
	v50 =	vmul.f32 v61, v50  }
0x11e: {  	vm7 =	veq.f32 v60, $0.0e+00;
	v59 =	vmul.f32 $3.921568860e-03, v59;
	v58 =	vshrl.u32 v58, $0x7  }
0x11f: {  	v60 =	vsel vm7, $0x3F800000, v60;
	v45 =	vmul.f32 $2.550000000e+02, v45;
	v61 =	vpop (erf);
	v50 =	vmul.f32 $3.921568860e-03, v50  }
0x120: {  	v1 =	vld [tilespmem:$0x1FCD0];
	v58 =	vadd.s32 $0xFFFFFFFF, v58;
	(erf) = vrcp.f32 v60;
	v55 =	vmul.f32 v61, v55  }
0x121: {  	v61 =	vld.idx.msk [tilespmem:v48+s7+$0x0], $0xffff;
	v45 =	vsel vm8, $0x437F0000, v45;
	v48 =	vsel vm5, $0x80000000, v50;
	v50 =	vcvt.s32.f32 v58  }
0x122: {  	v51 =	vsub.f32 v38, v51;
	v60 =	vtrunc.f32 v45;
	v58 =	vld.idx.msk [tilespmem:v57+s7+$0x0], $0xffff;
	v55 =	vmul.f32 $3.921568860e-03, v55  }
0x123: {  	v48 =	vadd.f32 v48, v59;
	v59 =	vor.u32 $0xFFFFFF80, v46;
	v41 =	vmul.f32 $3.921568860e-03, v50  }
0x124: {  	v50 =	vsel vm6, $0x80000000, v55;
	v53 =	vadd.s32 v59, v53;
	v55 =	vcvt.f32.s32 v60  }
0x125: {  	vm6 =	vgt.f32 v38, v1;
	v48 =	vmax.f32 v48, $0.0e+00;
	v41 =	vadd.f32 v50, v41  }
0x126: {  	v38 =	vadd.s32 $0xFFFFFFB0, v33;
	v48 =	vmin.f32 v48, $1.000000000e+00;
	vm12 =	vlt.s32 v55, $0xFE  }
0x127: {  	v52 =	vld.idx.msk [tilespmem:v52+s7+$0x0], $0xffff;
	v48 =	vmul.f32 $2.550000000e+02, v48;
	v59 =	vmax.f32 v41, $0.0e+00;
	v41 =	vsub.f32 v58, v61  }
0x128: {  	v55 =	vnsel vm12, $0xFE, v55;
	v58 =	vld.idx.msk [tilespmem:v49+s7+$0x0], $0xffff;
	v61 =	vsub.f32 v39, v61;
	v60 =	vmin.f32 v59, $1.000000000e+00  }
0x129: {  	v49 =	vadd.s32 v38, v49;
	v48 =	vsel vm9, $0x437F0000, v48;
	vm10 =	veq.f32 v41, $0.0e+00  }
0x12a: {  	v49 =	vshrl.u32 v49, $0x7;
	v50 =	vmul.f32 $2.550000000e+02, v60;
	v41 =	vsel vm10, $0x3F800000, v41  }
0x12b: {  	v54 =	vld.idx.msk [tilespmem:v54+s7+$0x0], $0xffff;
	v59 =	vtrunc.f32 v48;
	v49 =	vadd.s32 $0xFFFFFFFF, v49;
	v60 =	vpop (erf);
	(erf) = vrcp.f32 v41  }
0x12c: {  	v41 =	vcvt.f32.s32 v59;
	v50 =	vsel vm11, $0x437F0000, v50;
	v59 =	vld.idx.msk [tilespmem:v47+s7+$0x0], $0xffff;
	v51 =	vmul.f32 v60, v51  }
0x12d: {  	v1 =	vld [tilespmem:$0x1FCE0];
	v49 =	vcvt.s32.f32 v49;
	v60 =	vtrunc.f32 v50;
	v58 =	vsub.f32 v58, v52  }
0x12e: {  	v53 =	vld.idx.msk [tilespmem:v53+s7+$0x0], $0xffff;
	v52 =	vsub.f32 v43, v52;
	v56 =	vcvt.f32.s32 v60;
	v51 =	vmul.f32 $3.921568860e-03, v51  }
0x12f: {  	v49 =	vmul.f32 $3.921568860e-03, v49;
	v60 =	vld.idx.msk [tilespmem:v46+s7+$0x0], $0xffff;
	vm13 =	vlt.s32 v41, $0xFE;
	vm14 =	veq.f32 v58, $0.0e+00  }
0x130: {  	vm4 =	vlt.s32 v56, $0xFE;
	v58 =	vsel vm14, $0x3F800000, v58;
	v51 =	vsel vm7, $0x80000000, v51  }
0x131: {  	(erf) = vrcp.f32 v58;
	v59 =	vsub.f32 v59, v54;
	v37 =	vadd.f32 v51, v37  }
0x132: {  	v56 =	vnsel vm4, $0xFE, v56;
	vm7 =	vgt.f32 v39, v1;
	v51 =	vnsel vm13, $0xFE, v41  }
0x133: {  	v1 =	vld [tilespmem:$0x1FCF0];
	vm15 =	veq.f32 v59, $0.0e+00;
	v41 =	vmax.f32 v37, $0.0e+00;
	v37 =	vadd.s32 $0xFFFFFFC0, v33  }
0x134: {  	v60 =	vsub.f32 v60, v53;
	v59 =	vsel vm15, $0x3F800000, v59;
	v57 =	vadd.s32 v37, v57  }
0x135: {  	v41 =	vmin.f32 v41, $1.000000000e+00;
	v58 =	vpop (erf);
	(erf) = vrcp.f32 v59;
	v57 =	vshrl.u32 v57, $0x7  }
0x136: {  	vm5 =	veq.f32 v60, $0.0e+00;
	v58 =	vmul.f32 v58, v61;
	v57 =	vadd.s32 $0xFFFFFFFF, v57  }
0x137: {  	v41 =	vmul.f32 $2.550000000e+02, v41;
	v61 =	vsel vm5, $0x3F800000, v60;
	v57 =	vcvt.s32.f32 v57  }
0x138: {  	vm9 =	vgt.f32 v43, v1;
	v1 =	vld [tilespmem:$0x1FD00];
	(erf) = vrcp.f32 v61;
	v58 =	vmul.f32 $3.921568860e-03, v58  }
0x139: {  	v39 =	vadd.s32 $0xFFFFFFA0, v33;
	v54 =	vsub.f32 v42, v54;
	v57 =	vmul.f32 $3.921568860e-03, v57  }
0x13a: {  	v47 =	vadd.s32 v39, v47;
	v59 =	vsel vm6, $0x437F0000, v41;
	v58 =	vsel vm10, $0x80000000, v58  }
0x13b: {  	v47 =	vshrl.u32 v47, $0x7;
	v60 =	vtrunc.f32 v59;
	v61 =	vpop (erf);
	v41 =	vadd.f32 v58, v57  }
0x13c: {  	v53 =	vsub.f32 v44, v53;
	v47 =	vadd.s32 $0xFFFFFFFF, v47;
	v52 =	vmul.f32 v61, v52  }
0x13d: {  	v47 =	vcvt.s32.f32 v47;
	vm10 =	vgt.f32 v42, v1;
	v41 =	vmax.f32 v41, $0.0e+00  }
0x13e: {  	v57 =	vcvt.f32.s32 v60;
	v52 =	vmul.f32 $3.921568860e-03, v52;
	v60 =	vpop (erf);
	v41 =	vmin.f32 v41, $1.000000000e+00  }
0x13f: {  	v1 =	vld [tilespmem:$0x1FD10];
	v54 =	vmul.f32 v60, v54;
	v58 =	vmul.f32 $2.550000000e+02, v41;
	v41 =	vadd.s32 $0xFFFFFF90, v33  }
0x140: {  	v47 =	vmul.f32 $3.921568860e-03, v47;
	vm8 =	vlt.s32 v57, $0xFE;
	v46 =	vadd.s32 v41, v46  }
0x141: {  	v52 =	vsel vm14, $0x80000000, v52;
	v60 =	vpop (erf);
	v54 =	vmul.f32 $3.921568860e-03, v54;
	v46 =	vshrl.u32 v46, $0x7  }
0x142: {  	v49 =	vadd.f32 v52, v49;
	v53 =	vmul.f32 v60, v53;
	v46 =	vadd.s32 $0xFFFFFFFF, v46  }
0x143: {  	v52 =	vnsel vm8, $0xFE, v57;
	v54 =	vsel vm15, $0x80000000, v54;
	v46 =	vcvt.s32.f32 v46  }
0x144: {  	vm11 =	vgt.f32 v44, v1;
	v53 =	vmul.f32 $3.921568860e-03, v53;
	v47 =	vadd.f32 v54, v47  }
0x145: {  	v44 =	vadd.s32 $0x1, v55;
	v1 =	vadd.s32 $0x1, v52;
	v46 =	vmul.f32 $3.921568860e-03, v46  }
0x146: {  	v58 =	vsel vm7, $0x437F0000, v58;
	v60 =	vsel vm5, $0x80000000, v53;
	v47 =	vmax.f32 v47, $0.0e+00  }
0x147: {  	v49 =	vmax.f32 v49, $0.0e+00;
	v47 =	vmin.f32 v47, $1.000000000e+00;
	v46 =	vadd.f32 v60, v46  }
0x148: {  	v61 =	vtrunc.f32 v58;
	v49 =	vmin.f32 v49, $1.000000000e+00;
	v60 =	vmul.f32 $2.550000000e+02, v47  }
0x149: {  	v49 =	vmul.f32 $2.550000000e+02, v49;
	v54 =	vadd.s32 $0x1, v51;
	v46 =	vmax.f32 v46, $0.0e+00  }
0x14a: {  	v53 =	vcvt.f32.s32 v61;
	v42 =	vsel vm10, $0x437F0000, v60;
	v46 =	vmin.f32 v46, $1.000000000e+00  }
0x14b: {  	v14 =	vmovc v63;
	v63 =	vld.idx.msk [tilespmem:v56+s12+$0x0], $0xffff;
	v47 =	vsel vm9, $0x437F0000, v49;
	v57 =	vtrunc.f32 v42;
	v46 =	vmul.f32 $2.550000000e+02, v46  }
0x14c: {  	[tilespmem:$0x1FC80] =	vst v7;
	v7 =	vmovc v2;
	v2 =	vld.idx.msk [tilespmem:v52+s12+$0x0], $0xffff;
	vm12 =	vlt.s32 v53, $0xFE;
	v61 =	vtrunc.f32 v47;
	v57 =	vcvt.f32.s32 v57  }
0x14d: {  	v44 =	vld.idx.msk [tilespmem:v44+s12+$0x0], $0xffff;
	v43 =	vsel vm11, $0x437F0000, v46;
	v46 =	vcvt.f32.s32 v61;
	v61 =	vadd.s32 $0x1, v56  }
0x14e: {  	v1 =	vld.idx.msk [tilespmem:v1+s12+$0x0], $0xffff;
	v53 =	vnsel vm12, $0xFE, v53  }
0x14f: {  	[tilespmem:$0x1FC90] =	vst v8;
	v12 =	vmovc v62;
	v8 =	vmovc v3;
	v49 =	vld.idx.msk [tilespmem:v55+s12+$0x0], $0xffff;
	v3 =	vadd.s32 $0x1, v53;
	vm14 =	vlt.s32 v57, $0xFE;
	v62 =	vtrunc.f32 v43  }
0x150: {  	v54 =	vld.idx.msk [tilespmem:v54+s12+$0x0], $0xffff;
	v57 =	vnsel vm14, $0xFE, v57;
	vm13 =	vlt.s32 v46, $0xFE;
	v62 =	vcvt.f32.s32 v62  }
0x151: {  	v52 =	vcvt.s32.f32 v52;
	v60 =	vld.idx.msk [tilespmem:v51+s12+$0x0], $0xffff;
	v46 =	vnsel vm13, $0xFE, v46  }
0x152: {  	v20 =	vmovc v5;
	v55 =	vcvt.s32.f32 v55;
	vm15 =	vlt.s32 v62, $0xFE;
	v5 =	vadd.s32 $0x1, v46;
	v61 =	vld.idx.msk [tilespmem:v61+s12+$0x0], $0xffff  }
0x153: {  	v18 =	vmovc v4;
	v51 =	vcvt.s32.f32 v51;
	v4 =	vld.idx.msk [tilespmem:v53+s12+$0x0], $0xffff;
	v56 =	vcvt.s32.f32 v56;
	v62 =	vnsel vm15, $0xFE, v62  }
0x154: {  	v52 =	vsub.f32 v59, v52;
	v45 =	vsub.f32 v45, v55;
	v3 =	vld.idx.msk [tilespmem:v3+s12+$0x0], $0xffff;
	v55 =	vadd.s32 $0x1, v57  }
0x155: {  	v48 =	vsub.f32 v48, v51;
	v50 =	vsub.f32 v50, v56;
	v51 =	vld.idx.msk [tilespmem:v57+s12+$0x0], $0xffff;
	v56 =	vadd.s32 $0x1, v62  }
0x156: {  	v22 =	vmov v6;
	v1 =	vsub.f32 v1, v2;
	v44 =	vsub.f32 v44, v49;
	v6 =	vld.idx.msk [tilespmem:v46+s12+$0x0], $0xffff  }
0x157: {  	v54 =	vsub.f32 v54, v60;
	v5 =	vld.idx.msk [tilespmem:v5+s12+$0x0], $0xffff;
	v61 =	vsub.f32 v61, v63  }
0x158: {  	v1 =	vmul.f32 v1, v52;
	v44 =	vmul.f32 v44, v45;
	v59 =	vld.idx.msk [tilespmem:v62+s12+$0x0], $0xffff  }
0x159: {  	v45 =	vmul.f32 v54, v48;
	v48 =	vmul.f32 v61, v50;
	v50 =	vld.idx.msk [tilespmem:v55+s12+$0x0], $0xffff  }
0x15a: {  	v52 =	vcvt.s32.f32 v53;
	v44 =	vadd.f32 v44, v49;
	v49 =	vld.idx.msk [tilespmem:v56+s12+$0x0], $0xffff  }
0x15b: {  	v1 =	vadd.f32 v1, v2;
	v2 =	vcvt.s32.f32 v46;
	v45 =	vadd.f32 v45, v60  }
0x15c: {  	v3 =	vsub.f32 v3, v4;
	v46 =	vsub.f32 v58, v52;
	v52 =	vcvt.s32.f32 v57  }
0x15d: {  	v2 =	vsub.f32 v47, v2;
	v47 =	vcvt.s32.f32 v62;
	v5 =	vsub.f32 v5, v6  }
0x15e: {  	v3 =	vmul.f32 v3, v46;
	v42 =	vsub.f32 v42, v52;
	[tilespmem:s25+$0x10100] =	vst v44;
	v44 =	vsub.f32 v50, v51  }
0x15f: {  	v2 =	vmul.f32 v5, v2;
	v5 =	vsub.f32 v43, v47;
	v49 =	vsub.f32 v49, v59  }
0x160: {  	[tilespmem:s25+$0x10110] =	vst v45;
	v3 =	vadd.f32 v3, v4;
	v4 =	vmul.f32 v44, v42  }
0x161: {  	p1 =	sne.s32 s24, $0xFE00;
	[tilespmem:s25+$0x10130] =	vst v1;
	v1 =	vadd.f32 v2, v6;
	v2 =	vmul.f32 v49, v5  }
.Ltmp0:
0x162: {  	v48 =	vadd.f32 v48, v63;
	[tilespmem:s25+$0x10140] =	vst v3;
	v3 =	vadd.f32 v4, v51;
	(pc) =	sbr.rel @p1 .LBB2_3-.Ltmp0, $4  }
0x163: {  	v53 =	vmov v26;
	v54 =	vld [tilespmem:$0x1FFF0];
	[tilespmem:s25+$0x10150] =	vst v1;
	v1 =	vadd.f32 v2, v59  }
0x164: {  	v60 =	vmovc v30;
	v58 =	vmovc v17;
	v57 =	vmov v19;
	v62 =	vmov v12;
	v52 =	vld [tilespmem:$0x1FFE0];
	v56 =	vmov v15;
	[tilespmem:s25+$0x10120] =	vst v48  }
0x165: {  	v55 =	vmovc v28;
	v61 =	vmovc v10;
	v63 =	vmov v14;
	v50 =	vmov v24;
	v6 =	vmov v22;
	v44 =	vld [tilespmem:$0x1FFC0];
	[tilespmem:s25+$0x10170] =	vst v1  }
0x166: {  	s24 =	sadd.s32 $0x200, s24;
	v5 =	vmovc v20;
	v59 =	vmovc v9;
	v51 =	vld [tilespmem:$0x1FFD0];
	v2 =	vmov v7;
	v4 =	vmov v18;
	[tilespmem:s25+$0x10160] =	vst v3;
	v3 =	vmov v8  }
0x167: {  	p1 =	seq.s32 s22, $0x7  }
0x168: {  	s24 =	sshrl.u32 @!p1 s23, $0x3  }
0x169: {  	s26 =	simm.s32 @!p1 $0x0;
	s24 =	sadd.s32 @!p1 s0, s24  }
0x16a: {  	s28 =	simm.s32 @!p1 $0x8100;
	s23 =	sshrl.u32 s23, $0x3;
	s25 =	sadd.s32 @!p1 $0x1000, s24  }
0x16b: {  	[tilespmem:s28], [sflag:$0x1] =	stream.linear.gather @!p1 [hbm4b:s25+s26], $0x4000, $0x38;
	[tilespmem:$0x18100] =	vst v63  }
0x16c: {  	s31 =	sadd.s32 s5, s23  }
0x16d: {  	[hbm4b:s31+s7] =	stream.linear.scatter [tilespmem:s16], [sflag:$0x3], $0x4000, $0x38;
	[tilespmem:$0x18100] =	vst v63  }
0x16e: {  	_ =	swait.ge [sflag:s17], $0x4000  }
0x16f: {  	[sflag:s17] =	ssyncset.done $0x0  }
0x170: {  	s25 =	simm.s32 @!p0 $0x4;
	[sflag:s17] =	ssyncadd.s32 $0xFFFFC000  }
0x171: {  	_ =	swait.ge @!p0 [sflag:s25], $0x4000  }
0x172: {  	[sflag:s25] =	ssyncset.done @!p0 $0x0  }
0x173: {  	[sflag:s25] =	ssyncadd.s32 @!p0 $0xFFFFC000;
	s25 =	simm.s32 $0x0  }
.LBB2_5:
0x174: {  	_ =	sdelay $0x3  }
0x175: {  	v1 =	vld.idx.msk [tilespmem:v2+s7+$0x0], $0xffff  }
0x176: {  	v2 =	vld.idx.msk [tilespmem:v3+s7+$0x0], $0xffff  }
0x177: {  	v3 =	vld.idx.msk [tilespmem:v4+s7+$0x0], $0xffff  }
0x178: {  	v4 =	vld.idx.msk [tilespmem:v5+s7+$0x0], $0xffff  }
0x179: {  	s26 =	sshra.s32 s25, $0x2;
	v11 =	vld [tilespmem:$0x1FDE0]  }
0x17a: {  	v48 =	vld [tilespmem:s26+$0xC110]  }
0x17b: {  	v47 =	vld [tilespmem:s26+$0xC120]  }
0x17c: {  	v46 =	vld [tilespmem:s26+$0xC130]  }
0x17d: {  	v49 =	vld [tilespmem:s26+$0xC100]  }
0x17e: {  	v5 =	vld.idx.msk [tilespmem:v6+s7+$0x0], $0xffff  }
0x17f: {  	v45 =	vld [tilespmem:s26+$0xC140];
	vm15 =	vle.f32 v2, v48  }
0x180: {  	vm4 =	vle.f32 v3, v47;
	v3 =	vld [tilespmem:$0x1FDD0];
	v6 =	vsel vm15, v51, v60  }
0x181: {  	vm5 =	vle.f32 v4, v46;
	v4 =	vand.u32 $0x4000, v6  }
0x182: {  	vm0 =	vle.f32 v1, v49;
	v4 =	vor.u32 v11, v4;
	v11 =	vld [tilespmem:$0x1FDF0]  }
0x183: {  	v50 =	vld.idx.msk [tilespmem:v24+s7+$0x0], $0xffff;
	v1 =	vsel vm0, v44, v0  }
0x184: {  	v53 =	vld.idx.msk [tilespmem:v26+s7+$0x0], $0xffff;
	v2 =	vand.u32 $0x4000, v1  }
0x185: {  	vm6 =	vle.f32 v5, v45;
	v5 =	vld [tilespmem:$0x1FE00];
	v2 =	vor.u32 v3, v2;
	v3 =	vsel vm4, v52, v61  }
0x186: {  	v42 =	vld [tilespmem:s26+$0xC150];
	v52 =	vand.u32 $0x4000, v3  }
0x187: {  	v52 =	vor.u32 v11, v52;
	v11 =	vld [tilespmem:$0x1FE10]  }
0x188: {  	v55 =	vld.idx.msk [tilespmem:v28+s7+$0x0], $0xffff;
	v51 =	vsel vm5, v54, v62  }
0x189: {  	v43 =	vld [tilespmem:s26+$0xC160];
	v54 =	vand.u32 $0x4000, v51  }
0x18a: {  	v44 =	vld [tilespmem:s26+$0xC170];
	v5 =	vor.u32 v5, v54;
	v54 =	vsel vm6, v56, v63  }
0x18b: {  	v56 =	vand.u32 $0x4000, v54;
	v2 =	vld.idx.msk [tilespmem:v2+s7+$0x0], $0xffff  }
0x18c: {  	vm7 =	vle.f32 v50, v42;
	v50 =	vor.u32 v11, v56;
	v11 =	vld [tilespmem:$0x1FE20]  }
0x18d: {  	v56 =	vsel vm7, v57, v58;
	v58 =	vld [tilespmem:$0x1FDA0]  }
0x18e: {  	v4 =	vld.idx.msk [tilespmem:v4+s7+$0x0], $0xffff  }
0x18f: {  	v5 =	vld.idx.msk [tilespmem:v5+s7+$0x0], $0xffff  }
0x190: {  	v57 =	vand.u32 $0x4000, v56;
	vm1 =	vle.f32 v2, v49;
	v2 =	vld [tilespmem:$0x1FDC0]  }
0x191: {  	vm8 =	vle.f32 v53, v43;
	vm9 =	vle.f32 v55, v44;
	v55 =	vor.u32 v11, v57;
	v11 =	vld [tilespmem:$0x1FDB0]  }
0x192: {  	v53 =	vsel vm8, v58, v59;
	v58 =	vld [tilespmem:$0x1FE30];
	_ =	sdelay $0x1  }
0x193: {  	vm10 =	vle.f32 v4, v48;
	v4 =	vld [tilespmem:$0x1FE40]  }
0x194: {  	vm12 =	vle.f32 v5, v46;
	v5 =	vld [tilespmem:$0x1FE50]  }
0x195: {  	v57 =	vand.u32 $0x4000, v53  }
0x196: {  	v2 =	vsel vm9, v2, v11;
	v57 =	vor.u32 v58, v57;
	v58 =	vsel vm1, $0x2000, v40  }
0x197: {  	v52 =	vld.idx.msk [tilespmem:v52+s7+$0x0], $0xffff;
	v59 =	vand.u32 $0x4000, v2;
	v1 =	vor.u32 v1, v58  }
0x198: {  	v50 =	vld.idx.msk [tilespmem:v50+s7+$0x0], $0xffff;
	v4 =	vor.u32 v4, v59;
	v59 =	vand.u32 $0x6000, v1  }
0x199: {  	v5 =	vor.u32 v5, v59;
	v59 =	vld [tilespmem:$0x1FE60];
	_ =	sdelay $0x1  }
0x19a: {  	v58 =	vsel vm10, $0x2000, v40  }
0x19b: {  	v6 =	vor.u32 v6, v58;
	v58 =	vsel vm12, $0x2000, v40  }
0x19c: {  	vm11 =	vle.f32 v52, v47;
	v52 =	vld.idx.msk [tilespmem:v55+s7+$0x0], $0xffff;
	v51 =	vor.u32 v51, v58;
	v58 =	vand.u32 $0x6000, v6  }
0x19d: {  	vm13 =	vle.f32 v50, v45;
	v50 =	vor.u32 v59, v58;
	v59 =	vld [tilespmem:$0x1FE70]  }
0x19e: {  	v57 =	vld.idx.msk [tilespmem:v57+s7+$0x0], $0xffff;
	v58 =	vsel vm13, $0x2000, v40  }
0x19f: {  	v55 =	vsel vm11, $0x2000, v40;
	v54 =	vor.u32 v54, v58;
	v58 =	vld [tilespmem:$0x1FE80]  }
0x1a0: {  	v3 =	vor.u32 v3, v55  }
0x1a1: {  	v55 =	vand.u32 $0x6000, v3;
	v4 =	vld.idx.msk [tilespmem:v4+s7+$0x0], $0xffff  }
0x1a2: {  	v5 =	vld.idx.msk [tilespmem:v5+s7+$0x0], $0xffff;
	v55 =	vor.u32 v59, v55  }
0x1a3: {  	vm14 =	vle.f32 v52, v42;
	vm15 =	vle.f32 v57, v43;
	v57 =	vld [tilespmem:$0x1FE90];
	v59 =	vand.u32 $0x6000, v51  }
0x1a4: {  	v58 =	vor.u32 v58, v59;
	v59 =	vsel vm14, $0x2000, v40  }
0x1a5: {  	v56 =	vor.u32 v56, v59;
	v59 =	vld [tilespmem:$0x1FEA0];
	_ =	sdelay $0x1  }
0x1a6: {  	v52 =	vand.u32 $0x6000, v54;
	vm4 =	vle.f32 v4, v44;
	v4 =	vld.idx.msk [tilespmem:v55+s7+$0x0], $0xffff  }
0x1a7: {  	vm5 =	vle.f32 v5, v49;
	v52 =	vor.u32 v57, v52;
	v57 =	vsel vm15, $0x2000, v40  }
0x1a8: {  	v53 =	vor.u32 v53, v57;
	v57 =	vsel vm4, $0x2000, v40;
	v55 =	vand.u32 $0x6000, v56;
	v58 =	vld.idx.msk [tilespmem:v58+s7+$0x0], $0xffff  }
0x1a9: {  	v2 =	vor.u32 v2, v57;
	v57 =	vsel vm5, $0x1000, v40;
	v55 =	vor.u32 v59, v55;
	v59 =	vld [tilespmem:$0x1FEB0]  }
0x1aa: {  	v1 =	vor.u32 v1, v57;
	v57 =	vld [tilespmem:$0x1FEC0]  }
0x1ab: {  	vm7 =	vle.f32 v4, v47;
	v4 =	vld [tilespmem:$0x1FED0]  }
0x1ac: {  	v50 =	vld.idx.msk [tilespmem:v50+s7+$0x0], $0xffff  }
0x1ad: {  	v5 =	vand.u32 $0x6000, v53  }
0x1ae: {  	vm8 =	vle.f32 v58, v46;
	v5 =	vor.u32 v59, v5;
	v59 =	vand.u32 $0x6000, v2  }
0x1af: {  	v52 =	vld.idx.msk [tilespmem:v52+s7+$0x0], $0xffff;
	v58 =	vsel vm8, $0x1000, v40;
	v57 =	vor.u32 v57, v59;
	v59 =	vand.u32 $0x7000, v1  }
0x1b0: {  	v51 =	vor.u32 v51, v58;
	v58 =	vld [tilespmem:$0x1FEE0];
	v4 =	vor.u32 v4, v59;
	v59 =	vsel vm7, $0x1000, v40  }
0x1b1: {  	vm6 =	vle.f32 v50, v48;
	v3 =	vor.u32 v3, v59;
	v59 =	vld [tilespmem:$0x1FEF0]  }
0x1b2: {  	v50 =	vld.idx.msk [tilespmem:v55+s7+$0x0], $0xffff;
	v55 =	vsel vm6, $0x1000, v40  }
0x1b3: {  	v6 =	vor.u32 v6, v55  }
0x1b4: {  	vm9 =	vle.f32 v52, v45;
	v52 =	vand.u32 $0x7000, v6  }
0x1b5: {  	v55 =	vsel vm9, $0x1000, v40;
	v52 =	vor.u32 v58, v52;
	v58 =	vand.u32 $0x7000, v3  }
0x1b6: {  	v54 =	vor.u32 v54, v55;
	v55 =	vor.u32 v59, v58;
	v59 =	vld [tilespmem:$0x1FF00]  }
0x1b7: {  	v13 =	vld [tilespmem:$0x1FF10];
	_ =	sdelay $0x1  }
0x1b8: {  	v5 =	vld.idx.msk [tilespmem:v5+s7+$0x0], $0xffff  }
0x1b9: {  	v58 =	vand.u32 $0x7000, v51  }
0x1ba: {  	vm10 =	vle.f32 v50, v42;
	v50 =	vor.u32 v59, v58;
	v58 =	vand.u32 $0x7000, v54  }
0x1bb: {  	v58 =	vor.u32 v13, v58;
	v13 =	vld [tilespmem:$0x1FF20];
	_ =	sdelay $0x1  }
0x1bc: {  	vm11 =	vle.f32 v5, v43;
	v59 =	vsel vm10, $0x1000, v40  }
0x1bd: {  	v4 =	vld.idx.msk [tilespmem:v4+s7+$0x0], $0xffff;
	v5 =	vsel vm11, $0x1000, v40;
	v56 =	vor.u32 v56, v59  }
0x1be: {  	v5 =	vor.u32 v53, v5;
	v53 =	vld.idx.msk [tilespmem:v55+s7+$0x0], $0xffff;
	v59 =	vand.u32 $0x7000, v56  }
0x1bf: {  	v55 =	vor.u32 v13, v59;
	v13 =	vld [tilespmem:$0x1FF30];
	_ =	sdelay $0x1  }
0x1c0: {  	v57 =	vld.idx.msk [tilespmem:v57+s7+$0x0], $0xffff  }
0x1c1: {  	v52 =	vld.idx.msk [tilespmem:v52+s7+$0x0], $0xffff  }
0x1c2: {  	vm12 =	vle.f32 v4, v49;
	v4 =	vld.idx.msk [tilespmem:v50+s7+$0x0], $0xffff;
	v50 =	vand.u32 $0x7000, v5  }
0x1c3: {  	v50 =	vor.u32 v13, v50;
	v13 =	vld [tilespmem:$0x1FF50];
	_ =	sdelay $0x1  }
0x1c4: {  	vm13 =	vle.f32 v57, v44;
	v57 =	vsel vm12, $0x800, v40  }
0x1c5: {  	v1 =	vor.u32 v1, v57  }
0x1c6: {  	v57 =	vand.u32 $0x7800, v1  }
0x1c7: {  	vm14 =	vle.f32 v52, v48;
	v52 =	vor.u32 v13, v57;
	v13 =	vld [tilespmem:$0x1FF40];
	_ =	sdelay $0x1  }
0x1c8: {  	v59 =	vsel vm13, $0x1000, v40  }
0x1c9: {  	v2 =	vor.u32 v2, v59  }
0x1ca: {  	v59 =	vand.u32 $0x7000, v2  }
0x1cb: {  	v57 =	vor.u32 v13, v59;
	v13 =	vld [tilespmem:$0x1FF60];
	_ =	sdelay $0x1  }
0x1cc: {  	vm15 =	vle.f32 v53, v47;
	v58 =	vld.idx.msk [tilespmem:v58+s7+$0x0], $0xffff;
	v59 =	vsel vm14, $0x800, v40  }
0x1cd: {  	v53 =	vsel vm15, $0x800, v40;
	vm4 =	vle.f32 v4, v46;
	v6 =	vor.u32 v6, v59  }
0x1ce: {  	v3 =	vor.u32 v3, v53;
	v53 =	vsel vm4, $0x800, v40;
	v4 =	vld.idx.msk [tilespmem:v50+s7+$0x0], $0xffff;
	v59 =	vand.u32 $0x7800, v6  }
0x1cf: {  	v50 =	vor.u32 v51, v53;
	v53 =	vor.u32 v13, v59;
	v13 =	vld [tilespmem:$0x1FF70];
	_ =	sdelay $0x1  }
0x1d0: {  	vm5 =	vle.f32 v58, v45  }
0x1d1: {  	v58 =	vsel vm5, $0x800, v40  }
0x1d2: {  	v55 =	vld.idx.msk [tilespmem:v55+s7+$0x0], $0xffff;
	v51 =	vor.u32 v54, v58;
	v58 =	vand.u32 $0x7800, v3  }
0x1d3: {  	v54 =	vor.u32 v13, v58;
	v13 =	vld [tilespmem:$0x1FF80];
	_ =	sdelay $0x3  }
0x1d4: {  	vm6 =	vle.f32 v55, v42;
	v55 =	vand.u32 $0x7800, v50;
	vm7 =	vle.f32 v4, v43;
	v4 =	vld [tilespmem:$0x1FF90]  }
0x1d5: {  	v55 =	vor.u32 v13, v55;
	v13 =	vld [tilespmem:$0x1FFA0];
	_ =	sdelay $0x1  }
0x1d6: {  	v58 =	vsel vm6, $0x800, v40  }
0x1d7: {  	v59 =	vand.u32 $0x7800, v51;
	v56 =	vor.u32 v56, v58  }
0x1d8: {  	v52 =	vld.idx.msk [tilespmem:v52+s7+$0x0], $0xffff;
	v4 =	vor.u32 v4, v59;
	v58 =	vsel vm7, $0x800, v40;
	v59 =	vand.u32 $0x7800, v56  }
0x1d9: {  	v5 =	vor.u32 v5, v58;
	v58 =	vor.u32 v13, v59;
	v13 =	vld [tilespmem:$0x1FFB0];
	_ =	sdelay $0x2  }
0x1da: {  	v57 =	vld.idx.msk [tilespmem:v57+s7+$0x0], $0xffff  }
0x1db: {  	vm8 =	vle.f32 v52, v49;
	v52 =	vld.idx.msk [tilespmem:v54+s7+$0x0], $0xffff;
	v54 =	vand.u32 $0x7800, v5  }
0x1dc: {  	v54 =	vor.u32 v13, v54;
	v13 =	vld [tilespmem:$0x1FC10];
	_ =	sdelay $0x1  }
0x1dd: {  	v59 =	vsel vm8, $0x400, v40  }
0x1de: {  	vm9 =	vle.f32 v57, v44;
	v1 =	vor.u32 v1, v59  }
0x1df: {  	v53 =	vld.idx.msk [tilespmem:v53+s7+$0x0], $0xffff;
	v57 =	vsel vm9, $0x800, v40;
	v59 =	vand.u32 $0x7C00, v1  }
0x1e0: {  	v2 =	vor.u32 v2, v57;
	v57 =	vor.u32 v13, v59;
	v13 =	vld [tilespmem:$0x1FC20];
	_ =	sdelay $0x3  }
0x1e1: {  	v55 =	vld.idx.msk [tilespmem:v55+s7+$0x0], $0xffff;
	v59 =	vand.u32 $0x7800, v2  }
0x1e2: {  	vm10 =	vle.f32 v53, v48;
	v53 =	vor.u32 v13, v59;
	v13 =	vld [tilespmem:$0x1FC30];
	_ =	sdelay $0x1  }
0x1e3: {  	v59 =	vsel vm10, $0x400, v40  }
0x1e4: {  	vm11 =	vle.f32 v52, v47;
	v52 =	vld.idx.msk [tilespmem:v54+s7+$0x0], $0xffff;
	v6 =	vor.u32 v6, v59  }
0x1e5: {  	v54 =	vld.idx.msk [tilespmem:v57+s7+$0x0], $0xffff;
	v57 =	vand.u32 $0x7C00, v6  }
0x1e6: {  	vm12 =	vle.f32 v55, v46;
	v55 =	vor.u32 v13, v57;
	v13 =	vld [tilespmem:$0x1FC40];
	_ =	sdelay $0x1  }
0x1e7: {  	v59 =	vsel vm11, $0x400, v40  }
0x1e8: {  	v4 =	vld.idx.msk [tilespmem:v4+s7+$0x0], $0xffff;
	v3 =	vor.u32 v3, v59  }
0x1e9: {  	v57 =	vand.u32 $0x7C00, v3  }
0x1ea: {  	v57 =	vor.u32 v13, v57;
	v13 =	vld [tilespmem:$0x1FC50];
	_ =	sdelay $0x1  }
0x1eb: {  	v59 =	vsel vm12, $0x400, v40  }
0x1ec: {  	vm13 =	vle.f32 v4, v45;
	v4 =	vor.u32 v50, v59  }
0x1ed: {  	v58 =	vld.idx.msk [tilespmem:v58+s7+$0x0], $0xffff;
	vm15 =	vle.f32 v52, v43;
	v52 =	vand.u32 $0x7C00, v4  }
0x1ee: {  	v52 =	vor.u32 v13, v52;
	v13 =	vld [tilespmem:$0x1FC60];
	_ =	sdelay $0x1  }
0x1ef: {  	v50 =	vsel vm13, $0x400, v40  }
0x1f0: {  	v50 =	vor.u32 v51, v50  }
0x1f1: {  	vm14 =	vle.f32 v58, v42;
	v58 =	vand.u32 $0x7C00, v50  }
0x1f2: {  	v58 =	vor.u32 v13, v58;
	v13 =	vld [tilespmem:$0x1FC70];
	_ =	sdelay $0x1  }
0x1f3: {  	v51 =	vsel vm14, $0x400, v40  }
0x1f4: {  	v51 =	vor.u32 v56, v51  }
0x1f5: {  	vm4 =	vle.f32 v54, v49;
	v59 =	vand.u32 $0x7C00, v51;
	v54 =	vld.idx.msk [tilespmem:v55+s7+$0x0], $0xffff  }
0x1f6: {  	v55 =	vor.u32 v13, v59;
	v13 =	vld [tilespmem:$0x1FC80]  }
0x1f7: {  	v53 =	vld.idx.msk [tilespmem:v53+s7+$0x0], $0xffff  }
0x1f8: {  	v56 =	vsel vm15, $0x400, v40;
	v57 =	vld.idx.msk [tilespmem:v57+s7+$0x0], $0xffff  }
0x1f9: {  	v5 =	vor.u32 v5, v56;
	v56 =	vsel vm4, $0x200, v40;
	v52 =	vld.idx.msk [tilespmem:v52+s7+$0x0], $0xffff  }
0x1fa: {  	v1 =	vor.u32 v1, v56;
	v59 =	vand.u32 $0x7C00, v5;
	v58 =	vld.idx.msk [tilespmem:v58+s7+$0x0], $0xffff  }
0x1fb: {  	v56 =	vor.u32 v13, v59;
	v59 =	vand.u32 $0xFFFFFF00, v1;
	v13 =	vld [tilespmem:$0x1FC90]  }
0x1fc: {  	vm5 =	vle.f32 v53, v44;
	vm6 =	vle.f32 v54, v48;
	v55 =	vld.idx.msk [tilespmem:v55+s7+$0x0], $0xffff;
	v53 =	vor.u32 v16, v59  }
0x1fd: {  	vm7 =	vle.f32 v57, v47;
	v57 =	vsel vm6, $0x200, v40;
	v59 =	vsel vm5, $0x400, v40  }
0x1fe: {  	v6 =	vor.u32 v6, v57;
	v2 =	vor.u32 v2, v59  }
0x1ff: {  	v57 =	vand.u32 $0xFFFFFF00, v6;
	v59 =	vand.u32 $0x7C00, v2  }
0x200: {  	vm8 =	vle.f32 v52, v46;
	vm9 =	vle.f32 v58, v45;
	v54 =	vld.idx.msk [tilespmem:v56+s7+$0x0], $0xffff;
	v56 =	vor.u32 v13, v59  }
0x201: {  	v58 =	vsel vm9, $0x200, v40;
	vm10 =	vle.f32 v55, v42;
	v55 =	vor.u32 v21, v57;
	v52 =	vld.idx.msk [tilespmem:v53+s7+$0x0], $0xffff  }
0x202: {  	v50 =	vor.u32 v50, v58;
	v59 =	vsel vm7, $0x200, v40  }
0x203: {  	v3 =	vor.u32 v3, v59;
	v53 =	vsel vm8, $0x200, v40;
	v58 =	vsel vm10, $0x200, v40  }
0x204: {  	v4 =	vor.u32 v4, v53;
	v51 =	vor.u32 v51, v58;
	v59 =	vand.u32 $0xFFFFFF00, v3  }
0x205: {  	v53 =	vor.u32 v23, v59;
	v58 =	vand.u32 $0xFFFFFF00, v51;
	vm11 =	vle.f32 v54, v43;
	v54 =	vld.idx.msk [tilespmem:v56+s7+$0x0], $0xffff  }
0x206: {  	v58 =	vor.u32 v29, v58;
	v56 =	vand.u32 $0xFFFFFF00, v4;
	v55 =	vld.idx.msk [tilespmem:v55+s7+$0x0], $0xffff;
	vm12 =	vle.f32 v52, v49  }
0x207: {  	v52 =	vor.u32 v25, v56;
	v57 =	vsel vm12, $0x100, v40  }
0x208: {  	v56 =	vand.u32 $0xFFFFFF00, v50;
	v1 =	vor.u32 v1, v57;
	v57 =	vsel vm11, $0x200, v40  }
0x209: {  	v56 =	vor.u32 v27, v56;
	v59 =	vand.u32 $0xFFFFFF80, v1;
	v5 =	vor.u32 v5, v57  }
0x20a: {  	v53 =	vld.idx.msk [tilespmem:v53+s7+$0x0], $0xffff;
	v57 =	vor.u32 v0, v59;
	vm13 =	vle.f32 v54, v44;
	v54 =	vand.u32 $0xFFFFFF00, v5  }
0x20b: {  	vm14 =	vle.f32 v55, v48;
	v55 =	vld.idx.msk [tilespmem:v58+s7+$0x0], $0xffff;
	v59 =	vsel vm13, $0x200, v40;
	v54 =	vor.u32 v31, v54  }
0x20c: {  	v52 =	vld.idx.msk [tilespmem:v52+s7+$0x0], $0xffff;
	v2 =	vor.u32 v2, v59  }
0x20d: {  	v58 =	vand.u32 $0xFFFFFF00, v2  }
0x20e: {  	v56 =	vld.idx.msk [tilespmem:v56+s7+$0x0], $0xffff;
	v59 =	vsel vm14, $0x100, v40;
	v58 =	vor.u32 v32, v58  }
0x20f: {  	v6 =	vor.u32 v6, v59;
	vm15 =	vle.f32 v53, v47;
	v57 =	vld.idx.msk [tilespmem:v57+s7+$0x0], $0xffff  }
0x210: {  	v59 =	vand.u32 $0xFFFFFF80, v6;
	v53 =	vsel vm15, $0x100, v40;
	v54 =	vld.idx.msk [tilespmem:v54+s7+$0x0], $0xffff  }
0x211: {  	vm6 =	vle.f32 v55, v42;
	vm4 =	vle.f32 v52, v46;
	v52 =	vor.u32 v60, v59  }
0x212: {  	v3 =	vor.u32 v3, v53;
	v55 =	vsel vm6, $0x100, v40  }
0x213: {  	v59 =	vand.u32 $0xFFFFFF80, v3;
	v60 =	vsel vm4, $0x100, v40;
	vm5 =	vle.f32 v56, v45;
	v53 =	vld.idx.msk [tilespmem:v58+s7+$0x0], $0xffff  }
0x214: {  	v51 =	vor.u32 v51, v55;
	v4 =	vor.u32 v4, v60;
	vm7 =	vle.f32 v57, v49  }
0x215: {  	v56 =	vsel vm5, $0x100, v40;
	v60 =	vsel vm7, $0x80, v40;
	vm8 =	vle.f32 v54, v43  }
0x216: {  	v52 =	vld.idx.msk [tilespmem:v52+s7+$0x0], $0xffff;
	v54 =	vor.u32 v61, v59;
	v1 =	vadd.s32 v1, v60;
	v60 =	vand.u32 $0xFFFFFF80, v4  }
0x217: {  	v50 =	vor.u32 v50, v56;
	v1 =	vmax.u32 v1, v16;
	v56 =	vor.u32 v62, v60  }
0x218: {  	v61 =	vand.u32 $0x7FFFFF80, v1;
	v62 =	vor.u32 $0xFFFFFF80, v1;
	vm9 =	vle.f32 v53, v44  }
0x219: {  	v60 =	vsel vm8, $0x100, v40;
	v53 =	vadd.s32 v62, v61;
	v61 =	vsel vm9, $0x100, v40  }
0x21a: {  	v5 =	vor.u32 v5, v60;
	v62 =	vand.u32 $0xFFFFFF80, v50;
	v2 =	vor.u32 v2, v61  }
0x21b: {  	vm10 =	vle.f32 v52, v48;
	v52 =	vld.idx.msk [tilespmem:v54+s7+$0x0], $0xffff;
	v54 =	vor.u32 v63, v62;
	v63 =	vand.u32 $0xFFFFFF80, v51  }
0x21c: {  	v61 =	vand.u32 $0xFFFFFF80, v5;
	v60 =	vsel vm10, $0x80, v40;
	v55 =	vor.u32 v17, v63;
	v56 =	vld.idx.msk [tilespmem:v56+s7+$0x0], $0xffff  }
0x21d: {  	v57 =	vor.u32 v9, v61;
	v62 =	vand.u32 $0xFFFFFF80, v2;
	v6 =	vadd.s32 v6, v60;
	v61 =	vld.idx.msk [tilespmem:v1+s7+$0x0], $0xffff  }
0x21e: {  	v58 =	vor.u32 v11, v62;
	v1 =	vadd.s32 v33, v1;
	v11 =	vld [tilespmem:$0x1FCA0];
	v6 =	vmax.u32 v6, v21  }
0x21f: {  	v1 =	vshrl.u32 v1, $0x7;
	v53 =	vld.idx.msk [tilespmem:v53+s7+$0x0], $0xffff;
	v59 =	vand.u32 $0x7FFFFF80, v6;
	v60 =	vor.u32 $0xFFFFFF80, v6  }
0x220: {  	v1 =	vadd.s32 $0xFFFFFFFF, v1;
	v59 =	vadd.s32 v60, v59;
	v54 =	vld.idx.msk [tilespmem:v54+s7+$0x0], $0xffff  }
0x221: {  	vm11 =	vle.f32 v52, v47;
	v1 =	vcvt.s32.f32 v1;
	v55 =	vld.idx.msk [tilespmem:v55+s7+$0x0], $0xffff  }
0x222: {  	v57 =	vld.idx.msk [tilespmem:v57+s7+$0x0], $0xffff;
	v63 =	vsel vm11, $0x80, v40  }
0x223: {  	v52 =	vld.idx.msk [tilespmem:v58+s7+$0x0], $0xffff;
	vm12 =	vle.f32 v56, v46;
	v3 =	vadd.s32 v3, v63;
	v1 =	vmul.f32 $3.921568860e-03, v1  }
0x224: {  	vm8 =	vgt.f32 v49, v11;
	v11 =	vld [tilespmem:$0x1FCB0];
	v58 =	vsel vm12, $0x80, v40;
	v3 =	vmax.u32 v3, v23  }
0x225: {  	v56 =	vsub.f32 v61, v53;
	v60 =	vand.u32 $0x7FFFFF80, v3;
	v4 =	vadd.s32 v4, v58;
	v59 =	vld.idx.msk [tilespmem:v59+s7+$0x0], $0xffff  }
0x226: {  	v61 =	vor.u32 $0xFFFFFF80, v3;
	vm13 =	vle.f32 v54, v45;
	v54 =	vld.idx.msk [tilespmem:v6+s7+$0x0], $0xffff;
	v4 =	vmax.u32 v4, v25  }
0x227: {  	v6 =	vadd.s32 v34, v6;
	vm14 =	veq.f32 v56, $0.0e+00;
	vm2 =	vle.f32 v55, v42  }
0x228: {  	v55 =	vadd.s32 v61, v60;
	v60 =	vsel vm13, $0x80, v40;
	v56 =	vsel vm14, $0x3F800000, v56  }
0x229: {  	vm15 =	vle.f32 v57, v43;
	v61 =	vsel vm2, $0x80, v40;
	(erf) = vrcp.f32 v56  }
0x22a: {  	v50 =	vadd.s32 v50, v60;
	v62 =	vsel vm15, $0x80, v40;
	vm4 =	vle.f32 v52, v44  }
0x22b: {  	v60 =	vand.u32 $0x7FFFFF80, v4;
	vm9 =	vgt.f32 v48, v11;
	v52 =	vsub.f32 v54, v59  }
0x22c: {  	v11 =	vld [tilespmem:$0x1FCC0];
	v51 =	vadd.s32 v51, v61;
	v5 =	vadd.s32 v5, v62;
	v61 =	vor.u32 $0xFFFFFF80, v4  }
0x22d: {  	v63 =	vsel vm4, $0x80, v40;
	v62 =	vld.idx.msk [tilespmem:v3+s7+$0x0], $0xffff;
	v54 =	vadd.s32 v61, v60;
	vm5 =	veq.f32 v52, $0.0e+00  }
0x22e: {  	v58 =	vmax.u32 v50, v27;
	v2 =	vadd.s32 v2, v63;
	v55 =	vld.idx.msk [tilespmem:v55+s7+$0x0], $0xffff;
	v63 =	vsel vm5, $0x3F800000, v52  }
0x22f: {  	v50 =	vmax.u32 v2, v32;
	v60 =	vor.u32 $0xFFFFFF80, v58;
	(erf) = vrcp.f32 v63  }
0x230: {  	v52 =	vmax.u32 v51, v29;
	v51 =	vmax.u32 v5, v31;
	v5 =	vand.u32 $0x7FFFFF80, v58  }
0x231: {  	v2 =	vsub.f32 v49, v53;
	v59 =	vsub.f32 v48, v59;
	v5 =	vadd.s32 v60, v5;
	v60 =	vld.idx.msk [tilespmem:v4+s7+$0x0], $0xffff  }
0x232: {  	vm3 =	vgt.f32 v47, v11;
	v57 =	vor.u32 $0xFFFFFF80, v52;
	v63 =	vor.u32 $0xFFFFFF80, v51;
	v53 =	vld.idx.msk [tilespmem:v54+s7+$0x0], $0xffff;
	v61 =	vpop (erf)  }
0x233: {  	v54 =	vand.u32 $0x7FFFFF80, v52;
	v56 =	vsub.f32 v62, v55;
	v2 =	vmul.f32 v61, v2  }
0x234: {  	v4 =	vadd.s32 v36, v4;
	v54 =	vadd.s32 v57, v54;
	v62 =	vand.u32 $0x7FFFFF80, v51  }
0x235: {  	vm6 =	veq.f32 v56, $0.0e+00;
	v61 =	vld.idx.msk [tilespmem:v52+s7+$0x0], $0xffff;
	v52 =	vadd.s32 v38, v52;
	v2 =	vmul.f32 $3.921568860e-03, v2  }
0x236: {  	v57 =	vand.u32 $0x7FFFFF80, v50;
	v56 =	vsel vm6, $0x3F800000, v56;
	v52 =	vshrl.u32 v52, $0x7  }
0x237: {  	(erf) = vrcp.f32 v56;
	v60 =	vsub.f32 v60, v53;
	v2 =	vsel vm14, $0x80000000, v2  }
0x238: {  	v56 =	vadd.s32 v63, v62;
	v1 =	vadd.f32 v2, v1;
	v2 =	vshrl.u32 v6, $0x7;
	v6 =	vpop (erf)  }
0x239: {  	v62 =	vld.idx.msk [tilespmem:v51+s7+$0x0], $0xffff;
	v51 =	vadd.s32 v39, v51;
	v2 =	vadd.s32 $0xFFFFFFFF, v2;
	v6 =	vmul.f32 v6, v59  }
0x23a: {  	v51 =	vshrl.u32 v51, $0x7;
	vm7 =	veq.f32 v60, $0.0e+00;
	v2 =	vcvt.s32.f32 v2  }
0x23b: {  	v51 =	vadd.s32 $0xFFFFFFFF, v51;
	v1 =	vmax.f32 v1, $0.0e+00;
	v6 =	vmul.f32 $3.921568860e-03, v6  }
0x23c: {  	v59 =	vsel vm7, $0x3F800000, v60;
	v1 =	vmin.f32 v1, $1.000000000e+00;
	v2 =	vmul.f32 $3.921568860e-03, v2  }
0x23d: {  	(erf) = vrcp.f32 v59;
	v1 =	vmul.f32 $2.550000000e+02, v1;
	v6 =	vsel vm5, $0x80000000, v6  }
0x23e: {  	v52 =	vadd.s32 $0xFFFFFFFF, v52;
	v51 =	vcvt.s32.f32 v51;
	v2 =	vadd.f32 v6, v2  }
0x23f: {  	v5 =	vld.idx.msk [tilespmem:v5+s7+$0x0], $0xffff;
	v49 =	vsel vm8, $0x437F0000, v1;
	v1 =	vadd.s32 v35, v3;
	v3 =	vsub.f32 v47, v55  }
0x240: {  	v59 =	vor.u32 $0xFFFFFF80, v50;
	v6 =	vld.idx.msk [tilespmem:v58+s7+$0x0], $0xffff;
	v60 =	vpop (erf);
	v1 =	vshrl.u32 v1, $0x7;
	v2 =	vmax.f32 v2, $0.0e+00  }
0x241: {  	v1 =	vadd.s32 $0xFFFFFFFF, v1;
	v3 =	vmul.f32 v60, v3;
	v2 =	vmin.f32 v2, $1.000000000e+00  }
0x242: {  	v63 =	vld.idx.msk [tilespmem:v50+s7+$0x0], $0xffff;
	v50 =	vadd.s32 v41, v50;
	v1 =	vcvt.s32.f32 v1;
	v2 =	vmul.f32 $2.550000000e+02, v2  }
0x243: {  	v51 =	vmul.f32 $3.921568860e-03, v51;
	v57 =	vadd.s32 v59, v57;
	v3 =	vmul.f32 $3.921568860e-03, v3  }
0x244: {  	v50 =	vshrl.u32 v50, $0x7;
	v1 =	vmul.f32 $3.921568860e-03, v1;
	v48 =	vsel vm9, $0x437F0000, v2  }
0x245: {  	v2 =	vsub.f32 v6, v5;
	v3 =	vsel vm6, $0x80000000, v3;
	v6 =	vsub.f32 v46, v53  }
0x246: {  	v55 =	vtrunc.f32 v49;
	v1 =	vadd.f32 v3, v1;
	v3 =	vshrl.u32 v4, $0x7;
	v4 =	vpop (erf)  }
0x247: {  	v53 =	vld.idx.msk [tilespmem:v54+s7+$0x0], $0xffff;
	vm10 =	veq.f32 v2, $0.0e+00;
	v3 =	vadd.s32 $0xFFFFFFFF, v3;
	v4 =	vmul.f32 v4, v6  }
0x248: {  	v2 =	vsel vm10, $0x3F800000, v2;
	v1 =	vmax.f32 v1, $0.0e+00;
	v3 =	vcvt.s32.f32 v3  }
0x249: {  	(erf) = vrcp.f32 v2;
	v1 =	vmin.f32 v1, $1.000000000e+00;
	v4 =	vmul.f32 $3.921568860e-03, v4  }
0x24a: {  	v11 =	vld [tilespmem:$0x1FCE0];
	v50 =	vadd.s32 $0xFFFFFFFF, v50;
	v1 =	vmul.f32 $2.550000000e+02, v1;
	v3 =	vmul.f32 $3.921568860e-03, v3  }
0x24b: {  	v50 =	vcvt.s32.f32 v50;
	v55 =	vcvt.f32.s32 v55;
	v2 =	vld.idx.msk [tilespmem:v56+s7+$0x0], $0xffff;
	v4 =	vsel vm7, $0x80000000, v4  }
0x24c: {  	v47 =	vsel vm3, $0x437F0000, v1;
	v1 =	vadd.f32 v4, v3;
	v3 =	vsub.f32 v61, v53  }
0x24d: {  	v59 =	vcvt.s32.f32 v52;
	v50 =	vmul.f32 $3.921568860e-03, v50;
	v56 =	vld.idx.msk [tilespmem:v57+s7+$0x0], $0xffff  }
0x24e: {  	vm11 =	vlt.s32 v55, $0xFE;
	v6 =	vtrunc.f32 v48;
	vm12 =	veq.f32 v3, $0.0e+00  }
0x24f: {  	v6 =	vcvt.f32.s32 v6;
	vm7 =	vgt.f32 v45, v11;
	v11 =	vld [tilespmem:$0x1FCF0];
	v3 =	vsel vm12, $0x3F800000, v3  }
0x250: {  	v5 =	vsub.f32 v45, v5;
	(erf) = vrcp.f32 v3;
	v3 =	vsub.f32 v62, v2  }
0x251: {  	vm4 =	vlt.s32 v6, $0xFE;
	v4 =	vnsel vm11, $0xFE, v55;
	v61 =	vadd.s32 v37, v58  }
0x252: {  	v55 =	vshrl.u32 v61, $0x7;
	v63 =	vsub.f32 v63, v56;
	v62 =	vpop (erf);
	vm13 =	veq.f32 v3, $0.0e+00  }
0x253: {  	v55 =	vadd.s32 $0xFFFFFFFF, v55;
	v5 =	vmul.f32 v62, v5;
	v3 =	vsel vm13, $0x3F800000, v3  }
0x254: {  	vm14 =	veq.f32 v63, $0.0e+00;
	vm9 =	vgt.f32 v42, v11;
	v11 =	vld [tilespmem:$0x1FD00];
	(erf) = vrcp.f32 v3  }
0x255: {  	v55 =	vcvt.s32.f32 v55;
	v3 =	vsel vm14, $0x3F800000, v63;
	v5 =	vmul.f32 $3.921568860e-03, v5  }
0x256: {  	v6 =	vnsel vm4, $0xFE, v6;
	v45 =	vmul.f32 $3.921568860e-03, v59;
	(erf) = vrcp.f32 v3  }
0x257: {  	v60 =	vtrunc.f32 v47;
	v55 =	vmul.f32 $3.921568860e-03, v55;
	v3 =	vsel vm10, $0x80000000, v5;
	v5 =	vld [tilespmem:$0x1FCD0]  }
0x258: {  	v53 =	vsub.f32 v42, v53;
	v54 =	vcvt.f32.s32 v60;
	v1 =	vmax.f32 v1, $0.0e+00  }
0x259: {  	v1 =	vmin.f32 v1, $1.000000000e+00;
	vm10 =	vgt.f32 v43, v11;
	v11 =	vld [tilespmem:$0x1FD10];
	v3 =	vadd.f32 v3, v55  }
0x25a: {  	v1 =	vmul.f32 $2.550000000e+02, v1;
	vm15 =	vlt.s32 v54, $0xFE;
	v2 =	vsub.f32 v43, v2;
	v58 =	vpop (erf)  }
0x25b: {  	v62 =	vsub.f32 v44, v56;
	v3 =	vmax.f32 v3, $0.0e+00;
	v53 =	vmul.f32 v58, v53  }
0x25c: {  	v43 =	vadd.s32 $0x1, v4;
	v3 =	vmin.f32 v3, $1.000000000e+00;
	vm6 =	vgt.f32 v46, v5  }
0x25d: {  	v5 =	vnsel vm15, $0xFE, v54;
	v3 =	vmul.f32 $2.550000000e+02, v3;
	v60 =	vmul.f32 $3.921568860e-03, v53;
	v61 =	vpop (erf)  }
0x25e: {  	vm11 =	vgt.f32 v44, v11;
	v1 =	vsel vm6, $0x437F0000, v1;
	v2 =	vmul.f32 v61, v2  }
0x25f: {  	v57 =	vtrunc.f32 v1;
	v63 =	vpop (erf);
	v3 =	vsel vm7, $0x437F0000, v3;
	v52 =	vsel vm12, $0x80000000, v60  }
0x260: {  	v53 =	vmul.f32 v63, v62;
	v45 =	vadd.f32 v52, v45;
	v2 =	vmul.f32 $3.921568860e-03, v2  }
0x261: {  	v61 =	vadd.s32 $0x1, v5;
	v46 =	vcvt.f32.s32 v57;
	v57 =	vtrunc.f32 v3  }
0x262: {  	v53 =	vmul.f32 $3.921568860e-03, v53;
	v45 =	vmax.f32 v45, $0.0e+00;
	v2 =	vsel vm13, $0x80000000, v2  }
0x263: {  	v52 =	vadd.s32 $0x1, v6;
	v45 =	vmin.f32 v45, $1.000000000e+00;
	v2 =	vadd.f32 v2, v51  }
0x264: {  	vm8 =	vlt.s32 v46, $0xFE;
	v56 =	vsel vm14, $0x80000000, v53;
	v45 =	vmul.f32 $2.550000000e+02, v45  }
0x265: {  	v46 =	vnsel vm8, $0xFE, v46;
	v50 =	vadd.f32 v56, v50;
	v2 =	vmax.f32 v2, $0.0e+00  }
0x266: {  	v51 =	vcvt.f32.s32 v57;
	v45 =	vsel vm9, $0x437F0000, v45;
	v2 =	vmin.f32 v2, $1.000000000e+00  }
0x267: {  	v54 =	vld.idx.msk [tilespmem:v6+s12+$0x0], $0xffff;
	v50 =	vmax.f32 v50, $0.0e+00;
	v59 =	vtrunc.f32 v45;
	v2 =	vmul.f32 $2.550000000e+02, v2  }
0x268: {  	v43 =	vld.idx.msk [tilespmem:v43+s12+$0x0], $0xffff;
	v63 =	vadd.s32 $0x1, v46;
	v50 =	vmin.f32 v50, $1.000000000e+00;
	v44 =	vcvt.f32.s32 v59  }
0x269: {  	v57 =	vld.idx.msk [tilespmem:v5+s12+$0x0], $0xffff;
	vm12 =	vlt.s32 v51, $0xFE;
	v58 =	vmul.f32 $2.550000000e+02, v50;
	v2 =	vsel vm10, $0x437F0000, v2  }
0x26a: {  	v55 =	vld.idx.msk [tilespmem:v61+s12+$0x0], $0xffff;
	v51 =	vnsel vm12, $0xFE, v51;
	vm13 =	vlt.s32 v44, $0xFE;
	v60 =	vtrunc.f32 v2  }
0x26b: {  	v50 =	vld.idx.msk [tilespmem:v4+s12+$0x0], $0xffff;
	v42 =	vsel vm11, $0x437F0000, v58;
	v44 =	vnsel vm13, $0xFE, v44;
	v53 =	vcvt.f32.s32 v60  }
0x26c: {  	v52 =	vld.idx.msk [tilespmem:v52+s12+$0x0], $0xffff;
	v4 =	vcvt.s32.f32 v4;
	v62 =	vtrunc.f32 v42;
	v60 =	vadd.s32 $0x1, v51  }
0x26d: {  	v59 =	vld.idx.msk [tilespmem:v46+s12+$0x0], $0xffff;
	v56 =	vcvt.f32.s32 v62;
	v62 =	vadd.s32 $0x1, v44;
	vm14 =	vlt.s32 v53, $0xFE  }
0x26e: {  	v6 =	vcvt.s32.f32 v6;
	v5 =	vcvt.s32.f32 v5;
	v58 =	vld.idx.msk [tilespmem:v63+s12+$0x0], $0xffff;
	v53 =	vnsel vm14, $0xFE, v53  }
0x26f: {  	v4 =	vsub.f32 v49, v4;
	v61 =	vld.idx.msk [tilespmem:v51+s12+$0x0], $0xffff;
	vm15 =	vlt.s32 v56, $0xFE;
	v49 =	vadd.s32 $0x1, v53  }
0x270: {  	v6 =	vsub.f32 v48, v6;
	v43 =	vsub.f32 v43, v50;
	v56 =	vnsel vm15, $0xFE, v56;
	v63 =	vld.idx.msk [tilespmem:v44+s12+$0x0], $0xffff  }
0x271: {  	v5 =	vsub.f32 v47, v5;
	v55 =	vsub.f32 v55, v57;
	v47 =	vadd.s32 $0x1, v56;
	v60 =	vld.idx.msk [tilespmem:v60+s12+$0x0], $0xffff  }
0x272: {  	v46 =	vcvt.s32.f32 v46;
	v52 =	vsub.f32 v52, v54;
	v4 =	vmul.f32 v43, v4;
	v43 =	vld.idx.msk [tilespmem:v62+s12+$0x0], $0xffff  }
0x273: {  	v5 =	vmul.f32 v55, v5;
	v48 =	vld.idx.msk [tilespmem:v53+s12+$0x0], $0xffff  }
0x274: {  	v1 =	vsub.f32 v1, v46;
	v55 =	vcvt.s32.f32 v51;
	v6 =	vmul.f32 v52, v6;
	v49 =	vld.idx.msk [tilespmem:v49+s12+$0x0], $0xffff  }
0x275: {  	v5 =	vadd.f32 v5, v57;
	v58 =	vsub.f32 v58, v59;
	v44 =	vcvt.s32.f32 v44;
	v46 =	vld.idx.msk [tilespmem:v56+s12+$0x0], $0xffff  }
0x276: {  	v3 =	vsub.f32 v3, v55;
	v6 =	vadd.f32 v6, v54;
	v51 =	vcvt.s32.f32 v53;
	v47 =	vld.idx.msk [tilespmem:v47+s12+$0x0], $0xffff  }
0x277: {  	v1 =	vmul.f32 v58, v1;
	v4 =	vadd.f32 v4, v50;
	v44 =	vsub.f32 v45, v44  }
0x278: {  	v45 =	vcvt.s32.f32 v56;
	v2 =	vsub.f32 v2, v51;
	v50 =	vsub.f32 v60, v61  }
0x279: {  	[tilespmem:s26+$0x14100] =	vst v4;
	v43 =	vsub.f32 v43, v63;
	v4 =	vsub.f32 v49, v48  }
0x27a: {  	v1 =	vadd.f32 v1, v59;
	v42 =	vsub.f32 v42, v45;
	v3 =	vmul.f32 v50, v3  }
0x27b: {  	[tilespmem:s26+$0x14110] =	vst v6;
	v6 =	vmul.f32 v43, v44;
	v55 =	vsub.f32 v47, v46;
	v2 =	vmul.f32 v4, v2  }
0x27c: {  	p0 =	sne.s32 s25, $0xFE00;
	[tilespmem:s26+$0x14120] =	vst v5;
	v3 =	vadd.f32 v3, v61  }
.Ltmp1:
0x27d: {  	[tilespmem:s26+$0x14130] =	vst v1;
	v1 =	vadd.f32 v6, v63;
	v4 =	vmul.f32 v55, v42;
	v2 =	vadd.f32 v2, v48;
	(pc) =	sbr.rel @p0 .LBB2_5-.Ltmp1, $4  }
0x27e: {  	v52 =	vld [tilespmem:$0x1FFE0];
	[tilespmem:s26+$0x14140] =	vst v3  }
0x27f: {  	v57 =	vmovc v19;
	v54 =	vld [tilespmem:$0x1FFF0];
	v62 =	vmov v12;
	v58 =	vmov v17;
	[tilespmem:s26+$0x14150] =	vst v1;
	v1 =	vadd.f32 v4, v46  }
0x280: {  	v51 =	vld [tilespmem:$0x1FFD0];
	v59 =	vmovc v9;
	v56 =	vmovc v15;
	v60 =	vmov v30;
	v5 =	vmov v20;
	v61 =	vmov v10;
	[tilespmem:s26+$0x14160] =	vst v2  }
0x281: {  	s25 =	sadd.s32 $0x200, s25;
	v44 =	vld [tilespmem:$0x1FFC0];
	v63 =	vmovc v14;
	v6 =	vmovc v22;
	v3 =	vmov v8;
	v4 =	vmov v18;
	[tilespmem:s26+$0x14170] =	vst v1;
	v2 =	vmov v7  }
0x282: {  	s22 =	sadd.s32 $0x1, s22  }
0x283: {  	p0 =	sne.s32 s22, $0x8  }
.Ltmp2:
0x284: {  	s24 =	sadd.s32 @!p1 $0x1800, s24;
	(pc) =	sbr.rel @p0 .LBB2_2-.Ltmp2, $4  }
0x285: {  	s25 =	simm.s32 @!p1 $0x0;
	s26 =	simm.s32 @!p1 $0xC100;
	s23 =	sadd.s32 s23, s5  }
0x286: {  	[tilespmem:s26], [sflag:$0x2] =	stream.linear.gather @!p1 [hbm4b:s24+s25], $0x4000, $0x38;
	[tilespmem:$0x18100] =	vst v63  }
0x287: {  	s23 =	sadd.s32 $0x800, s23  }
0x288: {  	v55 =	vmov v28;
	v53 =	vmov v26;
	v50 =	vmov v24;
	[hbm4b:s23+s7] =	stream.linear.scatter [tilespmem:s18], [sflag:$0x4], $0x4000, $0x38;
	[tilespmem:$0x18100] =	vst v63  }
0x289: {  	s21 =	sadd.s32 $0x1, s21  }
0x28a: {  	_ =	swait.ge [sflag:s19], $0x4000;
	p0 =	sne.s32 s21, s10  }
.Ltmp3:
0x28b: {  	[sflag:s19] =	ssyncset.done $0x0;
	(pc) =	sbr.rel @p0 .LBB2_1-.Ltmp3, $4  }
0x28c: {  	[sflag:s19] =	ssyncadd.s32 $0xFFFFC000  }
0x28d: {  	_ =	swait.ge [sflag:s20], $0x4000  }
0x28e: {  	[sflag:s20] =	ssyncset.done $0x0  }
0x28f: {  	[sflag:s20] =	ssyncadd.s32 $0xFFFFC000  }
0x290: {  	_ =	sfence.sel $0x180000  }
0x291: {  	[bflag:$0x0] =	sbarrier.arrive $0xFFFF  }
0x292: {  	p0 =	sne.s32 s2, $0x0;
	_ =	strace $0x90000047  }
0x293: {  	s0 =	sadd.s32 @!p0 $0x100000, s4;
	[bflag:$0x2] =	sbarrier.arrive $0xFFFF  }
0x294: {  	[sflag:s0] =	ssyncadd.tile.s32 @!p0 $0x1;
	_ =	shalt  }
.Lfunc_end2:
_tile_overlayer_lowered:
.L_overlay_start_2:
0x295: {  	(tag) =	ssettag $0x2  }
0x296: {  	s0 =	rddreg [dreg:$0x0];
	s2 =	stileid.u32  }
0x297: {  	s1 =	rddreg [dreg:$0x1];
	p0 =	sne.s32 s2, $0x0  }
0x298: {  	s3 =	rddreg [dreg:$0x2];
	[bflag:$0x3] =	sbarrier.arrive $0xFFFF;
	s2 =	simm.s32 @!p0 $0x1C05  }
0x299: {  	[timem:s3], [sflag:s2] =	dma.local @!p0 [hbm:s0], s1  }
0x29a: {  	s0 =	simm.s32 @!p0 $0x5  }
0x29b: {  	_ =	swait.ge @!p0 [sflag:s0], s1  }
0x29c: {  	s1 =	ssub.s32 @!p0 $0x0, s1;
	[sflag:s0] =	ssyncset.done @!p0 $0x0  }
0x29d: {  	[sflag:s0] =	ssyncadd.s32 @!p0 s1  }
0x29e: {  	[bflag:$0x3] =	sbarrier.arrive $0xFFFF  }
0x29f: {  	_ =	shalt  }

</sc_bundles>
